<compile_context>
chip_gen: v7x
topology: tpu7x:2x2x1
jax: 0.10.2.dev20260603
libtpu: 0.0.44.dev20260713+nightly
codegen_flags: <defaults>
</compile_context>

<pallas_src>
import dataclasses

import jax
import jax.numpy as jnp
from jax import lax
from jax.experimental import pallas as pl
from jax.experimental.pallas import tpu as pltpu
from jax.experimental.pallas import tpu_sc as plsc

V = 1000
VP = 1024
N = 20480
NC, NS, L = 2, 16, 16
NW = NC * NS
BPW = N // NW
C = 32
ITERS = BPW // C
G = C // L


def _lse_body(t_ref, o_ref):
    t = t_ref[...]
    m = jnp.max(t, axis=1)
    s = jnp.sum(jnp.exp(t - m[:, None]), axis=1)
    o_ref[...] = m + jnp.log(s)


def _loss_body(p_ref, o_ref):
    o_ref[...] = jnp.reshape(jnp.sum(p_ref[...]) / N, (1, 1))


TR = 1024


def _tpose_body(t_ref, o_ref):
    o_ref[...] = t_ref[...].T[:V, :]


def _sc_body(table_hbm, idx_hbm, tgt_hbm, lse_hbm,
             logits_hbm, part_hbm,
             idx_v, tgt_v, lse_v, buf0, buf1, buf2, acc_v,
             sem0, sem1, sem2, wsem0, wsem1, wsem2):
    wid = lax.axis_index("c") * NS + lax.axis_index("s")
    base = wid * BPW

    pltpu.sync_copy(idx_hbm.at[pl.ds(base, BPW)], idx_v)
    pltpu.sync_copy(tgt_hbm.at[pl.ds(base, BPW)], tgt_v)
    pltpu.sync_copy(lse_hbm, lse_v)
    acc_v[...] = jnp.zeros((L,), jnp.float32)

    NB = 3
    bufs = (buf0, buf1, buf2)
    sems = (sem0, sem1, sem2)
    wsems = (wsem0, wsem1, wsem2)

    def start(g):
        return pltpu.async_copy(
            table_hbm.at[idx_v.at[pl.ds(g * C, C)]], bufs[g % NB], sems[g % NB])

    pend_g = [None] * ITERS
    pend_w = [None] * NB
    pend_g[0] = start(0)
    pend_g[1] = start(1)
    for g in range(ITERS):
        pend_g[g].wait()
        if g + 2 < ITERS:
            if pend_w[(g + 2) % NB] is not None:
                pend_w[(g + 2) % NB].wait()
            pend_g[g + 2] = start(g + 2)
        buf = bufs[g % NB]
        for g2 in range(G):
            off = g * C + g2 * L
            rows = lax.iota(jnp.int32, L) + (g2 * L)
            cols = tgt_v.at[pl.ds(off, L)][...]
            tvals = plsc.load_gather(buf, [rows, cols])
            lvals = plsc.load_gather(lse_v, [idx_v.at[pl.ds(off, L)][...]])
            acc_v[...] = acc_v[...] + (lvals - tvals)
        pend_w[g % NB] = pltpu.async_copy(
            buf, logits_hbm.at[pl.ds(base + g * C, C)], wsems[g % NB])

    for b in range(NB):
        if pend_w[b] is not None:
            pend_w[b].wait()
    pltpu.sync_copy(acc_v, part_hbm.at[wid])


@jax.jit
def kernel(index, targets, embedding_table):
    idx_flat = index.reshape(-1)
    tgt_flat = targets.reshape(-1)
    table_pad = jnp.pad(embedding_table, ((0, 0), (0, VP - V)))

    lse = pl.pallas_call(
        _lse_body,
        out_shape=jax.ShapeDtypeStruct((V,), jnp.float32),
    )(embedding_table)

    cp = pltpu.CompilerParams()
    if "needs_layout_passes" in pltpu.CompilerParams.__dataclass_fields__:
        cp = dataclasses.replace(cp, needs_layout_passes=False)
    mesh = plsc.VectorSubcoreMesh(core_axis_name="c", subcore_axis_name="s")
    sc = pl.kernel(
        _sc_body,
        mesh=mesh,
        compiler_params=cp,
        out_type=(
            jax.ShapeDtypeStruct((N, VP), jnp.float32),
            jax.ShapeDtypeStruct((NW, L), jnp.float32),
        ),
        scratch_types=[
            pltpu.VMEM((BPW,), jnp.int32),
            pltpu.VMEM((BPW,), jnp.int32),
            pltpu.VMEM((V,), jnp.float32),
            pltpu.VMEM((C, VP), jnp.float32),
            pltpu.VMEM((C, VP), jnp.float32),
            pltpu.VMEM((C, VP), jnp.float32),
            pltpu.VMEM((L,), jnp.float32),
            pltpu.SemaphoreType.DMA,
            pltpu.SemaphoreType.DMA,
            pltpu.SemaphoreType.DMA,
            pltpu.SemaphoreType.DMA,
            pltpu.SemaphoreType.DMA,
            pltpu.SemaphoreType.DMA,
        ],
    )
    logits_pad, partials = sc(table_pad, idx_flat, tgt_flat, lse)

    logits_t = pl.pallas_call(
        _tpose_body,
        grid=(N // TR,),
        in_specs=[pl.BlockSpec((TR, VP), lambda i: (i, 0))],
        out_specs=pl.BlockSpec((V, TR), lambda i: (0, i)),
        out_shape=jax.ShapeDtypeStruct((V, N), jnp.float32),
    )(logits_pad)
    logits2d = logits_t.T

    loss2d = pl.pallas_call(
        _loss_body,
        out_shape=jax.ShapeDtypeStruct((1, 1), jnp.float32),
    )(partials)

    return logits2d, loss2d[0, 0]

# --- scband reference (transcript-rebuilt; emitter-appended) ---
"""Pipeline reference for scband-bigram-model-83339545412112 (READ-ONLY COPY).

The authoritative reference and input builder live on the scoring server;
editing this copy changes nothing except your own understanding.
"""

import jax, jax.numpy as jnp
import numpy as np

VOCAB = 1000
B, T = 1024, 20

def setup_inputs(seed: int = 0) -> dict:
    key = jax.random.key(seed)
    k1, k2, k3 = jax.random.split(key, 3)
    index = jax.random.randint(k1, (B, T), 0, VOCAB, dtype=jnp.int64 if jax.config.jax_enable_x64 else jnp.int32).astype(jnp.int32)
    targets = jax.random.randint(k2, (B, T), 0, VOCAB, dtype=jnp.int32)
    # learned parameter: nn.Embedding(vocab, vocab) weight, default init N(0,1)
    embedding_table = jax.random.normal(k3, (VOCAB, VOCAB), dtype=jnp.float32)
    return {"index": index, "targets": targets, "embedding_table": embedding_table}

def reference(index, targets, embedding_table):
    # logits = self.embedding_table(index)
    logits = jnp.take(embedding_table, index, axis=0)  # [B, T, V]
    # targets is not None branch: flatten and compute CE loss (mean reduction)
    logits2d = logits.reshape(-1, logits.shape[-1])  # [B*T, V]
    t = targets.reshape(-1)  # [B*T]
    logp = jax.nn.log_softmax(logits2d, axis=-1)
    nll = -jnp.take_along_axis(logp, t[:, None], axis=1)[:, 0]
    loss = jnp.mean(nll)
    return (logits2d, loss)

if __name__ == "__main__":
    import jax
    _d = setup_inputs()
    print(jax.jit(kernel)(*tuple(_d.values())))

</pallas_src>

<mosaic_0001>
#map = affine_map<(d0, d1) -> (0, 0)>
#map1 = affine_map<(d0, d1) -> (0)>
module attributes {stable_mosaic.version = 14 : i64} {
  func.func @_sc_body(%arg0: i32, %arg1: i32, %arg2: memref<1000x1024xf32, #tpu.memory_space<hbm>>, %arg3: memref<20480xi32, #tpu.memory_space<hbm>>, %arg4: memref<20480xi32, #tpu.memory_space<hbm>>, %arg5: memref<1000xf32, #tpu.memory_space<hbm>>, %arg6: memref<20480x1024xf32, #tpu.memory_space<hbm>>, %arg7: memref<32x16xf32, #tpu.memory_space<hbm>>, %arg8: memref<640xi32, #tpu.memory_space<vmem>>, %arg9: memref<640xi32, #tpu.memory_space<vmem>>, %arg10: memref<1000xf32, #tpu.memory_space<vmem>>, %arg11: memref<32x1024xf32, #tpu.memory_space<vmem>>, %arg12: memref<32x1024xf32, #tpu.memory_space<vmem>>, %arg13: memref<32x1024xf32, #tpu.memory_space<vmem>>, %arg14: memref<16xf32, #tpu.memory_space<vmem>>, %arg15: memref<!tpu.dma_semaphore, #tpu.memory_space<semaphore_mem>>, %arg16: memref<!tpu.dma_semaphore, #tpu.memory_space<semaphore_mem>>, %arg17: memref<!tpu.dma_semaphore, #tpu.memory_space<semaphore_mem>>, %arg18: memref<!tpu.dma_semaphore, #tpu.memory_space<semaphore_mem>>, %arg19: memref<!tpu.dma_semaphore, #tpu.memory_space<semaphore_mem>>, %arg20: memref<!tpu.dma_semaphore, #tpu.memory_space<semaphore_mem>>) attributes {dimension_semantics = [#tpu.dimension_semantics<core_parallel>, #tpu.dimension_semantics<subcore_parallel>], iteration_bounds = array<i64: 2, 16>, scalar_prefetch = 0 : i64, scratch_operands = 13 : i64, tpu.core_type = #tpu.core_type<sc_vector_subcore>, window_params = [{transform_indices = #map}, {transform_indices = #map1}, {transform_indices = #map1}, {transform_indices = #map1}, {transform_indices = #map}, {transform_indices = #map}]} {
    %mul3A = arith.constant 16 : i32
    %mul3A_0 = arith.muli %arg0, %mul3A : i32
    %add3A = arith.addi %mul3A_0, %arg1 : i32
    %mul3A_1 = arith.constant 640 : i32
    %mul3A_2 = arith.muli %add3A, %mul3A_1 : i32
    "tpu.region"() ({
      %run_scoped3A = tpu.sem_alloc : memref<!tpu.dma_semaphore, #tpu.memory_space<semaphore_mem>>
      %dma_start3A_1039 = tpu.memref_slice %arg3[%mul3A_2] : memref<20480xi32, #tpu.memory_space<hbm>> -> memref<640xi32, #tpu.memory_space<hbm>>
      %dma_start3A_1040 = tpu.memref_slice %arg3[%mul3A_2] : memref<20480xi32, #tpu.memory_space<hbm>> -> memref<640xi32, #tpu.memory_space<hbm>>
      tpu.enqueue_dma source(%dma_start3A_1040 : memref<640xi32, #tpu.memory_space<hbm>>) target(%arg8 : memref<640xi32, #tpu.memory_space<vmem>>) target_semaphore(%run_scoped3A : memref<!tpu.dma_semaphore, #tpu.memory_space<semaphore_mem>>)
      %dma_wait3A_1041 = tpu.memref_slice %arg3[%mul3A_2] : memref<20480xi32, #tpu.memory_space<hbm>> -> memref<640xi32, #tpu.memory_space<hbm>>
      %dma_wait3A_1042 = tpu.memref_slice %arg3[%mul3A_2] : memref<20480xi32, #tpu.memory_space<hbm>> -> memref<640xi32, #tpu.memory_space<hbm>>
      tpu.wait_dma2 semaphore(%run_scoped3A : memref<!tpu.dma_semaphore, #tpu.memory_space<semaphore_mem>>) src(%dma_wait3A_1042 : memref<640xi32, #tpu.memory_space<hbm>>) dst(%arg8 : memref<640xi32, #tpu.memory_space<vmem>>)
      tpu.yield
    }) : () -> ()
    "tpu.region"() ({
      %run_scoped3A = tpu.sem_alloc : memref<!tpu.dma_semaphore, #tpu.memory_space<semaphore_mem>>
      %dma_start3A_1039 = tpu.memref_slice %arg4[%mul3A_2] : memref<20480xi32, #tpu.memory_space<hbm>> -> memref<640xi32, #tpu.memory_space<hbm>>
      %dma_start3A_1040 = tpu.memref_slice %arg4[%mul3A_2] : memref<20480xi32, #tpu.memory_space<hbm>> -> memref<640xi32, #tpu.memory_space<hbm>>
      tpu.enqueue_dma source(%dma_start3A_1040 : memref<640xi32, #tpu.memory_space<hbm>>) target(%arg9 : memref<640xi32, #tpu.memory_space<vmem>>) target_semaphore(%run_scoped3A : memref<!tpu.dma_semaphore, #tpu.memory_space<semaphore_mem>>)
      %dma_wait3A_1041 = tpu.memref_slice %arg4[%mul3A_2] : memref<20480xi32, #tpu.memory_space<hbm>> -> memref<640xi32, #tpu.memory_space<hbm>>
      %dma_wait3A_1042 = tpu.memref_slice %arg4[%mul3A_2] : memref<20480xi32, #tpu.memory_space<hbm>> -> memref<640xi32, #tpu.memory_space<hbm>>
      tpu.wait_dma2 semaphore(%run_scoped3A : memref<!tpu.dma_semaphore, #tpu.memory_space<semaphore_mem>>) src(%dma_wait3A_1042 : memref<640xi32, #tpu.memory_space<hbm>>) dst(%arg9 : memref<640xi32, #tpu.memory_space<vmem>>)
      tpu.yield
    }) : () -> ()
    "tpu.region"() ({
      %run_scoped3A = tpu.sem_alloc : memref<!tpu.dma_semaphore, #tpu.memory_space<semaphore_mem>>
      tpu.enqueue_dma source(%arg5 : memref<1000xf32, #tpu.memory_space<hbm>>) target(%arg10 : memref<1000xf32, #tpu.memory_space<vmem>>) target_semaphore(%run_scoped3A : memref<!tpu.dma_semaphore, #tpu.memory_space<semaphore_mem>>)
      tpu.wait_dma2 semaphore(%run_scoped3A : memref<!tpu.dma_semaphore, #tpu.memory_space<semaphore_mem>>) src(%arg5 : memref<1000xf32, #tpu.memory_space<hbm>>) dst(%arg10 : memref<1000xf32, #tpu.memory_space<vmem>>)
      tpu.yield
    }) : () -> ()
    %broadcast_in_dim3A = arith.constant 0.000000e+00 : f32
    %broadcast_in_dim3A_3 = vector.broadcast %broadcast_in_dim3A : f32 to vector<16xf32>
    %swap3A = arith.constant 0 : index
    %swap3A_4 = tpu.vector_load %arg14[%swap3A] {strides = array<i32>} : memref<16xf32, #tpu.memory_space<vmem>>, vector<16xf32>,
    tpu.vector_store %arg14[%swap3A], %broadcast_in_dim3A_3 {strides = array<i32>} : memref<16xf32, #tpu.memory_space<vmem>>, vector<16xf32>,
    %dma_start3A = arith.constant 0 : i32
    %dma_start3A_5 = tpu.memref_slice %arg8[%dma_start3A] : memref<640xi32, #tpu.memory_space<vmem>> -> memref<32xi32, #tpu.memory_space<vmem>>
    %dma_start3A_6 = arith.constant 0 : i32
    %dma_start3A_7 = arith.constant 0 : i32
    %dma_start3A_8 = tpu.memref_slice %arg2[%dma_start3A_6, %dma_start3A_7] : memref<1000x1024xf32, #tpu.memory_space<hbm>> -> memref<1000x1024xf32, #tpu.memory_space<hbm>>
    tpu.enqueue_indirect_dma source(%dma_start3A_8 : memref<1000x1024xf32, #tpu.memory_space<hbm>>) target(%arg11 : memref<32x1024xf32, #tpu.memory_space<vmem>>) offsets(%dma_start3A_5 : memref<32xi32, #tpu.memory_space<vmem>>) semaphore(%arg15 : memref<!tpu.dma_semaphore, #tpu.memory_space<semaphore_mem>>)
    %dma_start3A_9 = arith.constant 32 : i32
    %dma_start3A_10 = tpu.memref_slice %arg8[%dma_start3A_9] : memref<640xi32, #tpu.memory_space<vmem>> -> memref<32xi32, #tpu.memory_space<vmem>>
    %dma_start3A_11 = arith.constant 0 : i32
    %dma_start3A_12 = arith.constant 0 : i32
    %dma_start3A_13 = tpu.memref_slice %arg2[%dma_start3A_11, %dma_start3A_12] : memref<1000x1024xf32, #tpu.memory_space<hbm>> -> memref<1000x1024xf32, #tpu.memory_space<hbm>>
    tpu.enqueue_indirect_dma source(%dma_start3A_13 : memref<1000x1024xf32, #tpu.memory_space<hbm>>) target(%arg12 : memref<32x1024xf32, #tpu.memory_space<vmem>>) offsets(%dma_start3A_10 : memref<32xi32, #tpu.memory_space<vmem>>) semaphore(%arg16 : memref<!tpu.dma_semaphore, #tpu.memory_space<semaphore_mem>>)
    %dma_wait3A = arith.constant 0 : i32
    %dma_wait3A_14 = tpu.memref_slice %arg8[%dma_wait3A] : memref<640xi32, #tpu.memory_space<vmem>> -> memref<32xi32, #tpu.memory_space<vmem>>
    %dma_wait3A_15 = arith.constant 0 : i32
    %dma_wait3A_16 = arith.constant 0 : i32
    %dma_wait3A_17 = tpu.memref_slice %arg2[%dma_wait3A_15, %dma_wait3A_16] : memref<1000x1024xf32, #tpu.memory_space<hbm>> -> memref<1000x1024xf32, #tpu.memory_space<hbm>>
    tpu.wait_indirect_dma semaphore(%arg15 : memref<!tpu.dma_semaphore, #tpu.memory_space<semaphore_mem>>) src(%dma_wait3A_17 : memref<1000x1024xf32, #tpu.memory_space<hbm>>) dst(%arg11 : memref<32x1024xf32, #tpu.memory_space<vmem>>)
    %dma_start3A_18 = arith.constant 64 : i32
    %dma_start3A_19 = tpu.memref_slice %arg8[%dma_start3A_18] : memref<640xi32, #tpu.memory_space<vmem>> -> memref<32xi32, #tpu.memory_space<vmem>>
    %dma_start3A_20 = arith.constant 0 : i32
    %dma_start3A_21 = arith.constant 0 : i32
    %dma_start3A_22 = tpu.memref_slice %arg2[%dma_start3A_20, %dma_start3A_21] : memref<1000x1024xf32, #tpu.memory_space<hbm>> -> memref<1000x1024xf32, #tpu.memory_space<hbm>>
    tpu.enqueue_indirect_dma source(%dma_start3A_22 : memref<1000x1024xf32, #tpu.memory_space<hbm>>) target(%arg13 : memref<32x1024xf32, #tpu.memory_space<vmem>>) offsets(%dma_start3A_19 : memref<32xi32, #tpu.memory_space<vmem>>) semaphore(%arg17 : memref<!tpu.dma_semaphore, #tpu.memory_space<semaphore_mem>>)
    %iota3A = tpu.iota {dimensions = array<i32: 0>} : vector<16xi32>
    %add3A_23 = arith.constant 0 : i32
    %add3A_24 = vector.broadcast %add3A_23 : i32 to vector<16xi32>
    %add3A_25 = arith.addi %iota3A, %add3A_24 : vector<16xi32>
    %get3A = arith.constant 0 : index
    %get3A_26 = tpu.vector_load %arg9[%get3A] {strides = array<i32>} : memref<640xi32, #tpu.memory_space<vmem>>, vector<16xi32>,
    %gather3A = tpu.vector_load_idx %arg11[%add3A_25, %get3A_26] : memref<32x1024xf32, #tpu.memory_space<vmem>>[vector<16xi32>, vector<16xi32>], vector<16xf32>,
    %get3A_27 = arith.constant 0 : index
    %get3A_28 = tpu.vector_load %arg8[%get3A_27] {strides = array<i32>} : memref<640xi32, #tpu.memory_space<vmem>>, vector<16xi32>,
    %gather3A_29 = tpu.vector_load_idx %arg10[%get3A_28] : memref<1000xf32, #tpu.memory_space<vmem>>[vector<16xi32>], vector<16xf32>,
    %get3A_30 = arith.constant 0 : index
    %get3A_31 = tpu.vector_load %arg14[%get3A_30] {strides = array<i32>} : memref<16xf32, #tpu.memory_space<vmem>>, vector<16xf32>,
    %sub3A = arith.subf %gather3A_29, %gather3A : vector<16xf32>
    %add3A_32 = arith.addf %get3A_31, %sub3A : vector<16xf32>
    %swap3A_33 = arith.constant 0 : index
    %swap3A_34 = tpu.vector_load %arg14[%swap3A_33] {strides = array<i32>} : memref<16xf32, #tpu.memory_space<vmem>>, vector<16xf32>,
    tpu.vector_store %arg14[%swap3A_33], %add3A_32 {strides = array<i32>} : memref<16xf32, #tpu.memory_space<vmem>>, vector<16xf32>,
    %iota3A_35 = tpu.iota {dimensions = array<i32: 0>} : vector<16xi32>
    %add3A_36 = arith.constant 16 : i32
    %add3A_37 = vector.broadcast %add3A_36 : i32 to vector<16xi32>
    %add3A_38 = arith.addi %iota3A_35, %add3A_37 : vector<16xi32>
    %get3A_39 = arith.constant 16 : index
    %get3A_40 = tpu.vector_load %arg9[%get3A_39] {strides = array<i32>} : memref<640xi32, #tpu.memory_space<vmem>>, vector<16xi32>,
    %gather3A_41 = tpu.vector_load_idx %arg11[%add3A_38, %get3A_40] : memref<32x1024xf32, #tpu.memory_space<vmem>>[vector<16xi32>, vector<16xi32>], vector<16xf32>,
    %get3A_42 = arith.constant 16 : index
    %get3A_43 = tpu.vector_load %arg8[%get3A_42] {strides = array<i32>} : memref<640xi32, #tpu.memory_space<vmem>>, vector<16xi32>,
    %gather3A_44 = tpu.vector_load_idx %arg10[%get3A_43] : memref<1000xf32, #tpu.memory_space<vmem>>[vector<16xi32>], vector<16xf32>,
    %get3A_45 = arith.constant 0 : index
    %get3A_46 = tpu.vector_load %arg14[%get3A_45] {strides = array<i32>} : memref<16xf32, #tpu.memory_space<vmem>>, vector<16xf32>,
    %sub3A_47 = arith.subf %gather3A_44, %gather3A_41 : vector<16xf32>
    %add3A_48 = arith.addf %get3A_46, %sub3A_47 : vector<16xf32>
    %swap3A_49 = arith.constant 0 : index
    %swap3A_50 = tpu.vector_load %arg14[%swap3A_49] {strides = array<i32>} : memref<16xf32, #tpu.memory_space<vmem>>, vector<16xf32>,
    tpu.vector_store %arg14[%swap3A_49], %add3A_48 {strides = array<i32>} : memref<16xf32, #tpu.memory_space<vmem>>, vector<16xf32>,
    %add3A_51 = arith.constant 0 : i32
    %add3A_52 = arith.addi %mul3A_2, %add3A_51 : i32
    %dma_start3A_53 = arith.constant 0 : i32
    %dma_start3A_54 = tpu.memref_slice %arg6[%add3A_52, %dma_start3A_53] : memref<20480x1024xf32, #tpu.memory_space<hbm>> -> memref<32x1024xf32, #tpu.memory_space<hbm>>
    %dma_start3A_55 = arith.constant 0 : i32
    %dma_start3A_56 = tpu.memref_slice %arg6[%add3A_52, %dma_start3A_55] : memref<20480x1024xf32, #tpu.memory_space<hbm>> -> memref<32x1024xf32, #tpu.memory_space<hbm>>
    tpu.enqueue_dma source(%arg11 : memref<32x1024xf32, #tpu.memory_space<vmem>>) target(%dma_start3A_56 : memref<32x1024xf32, #tpu.memory_space<hbm>>) target_semaphore(%arg18 : memref<!tpu.dma_semaphore, #tpu.memory_space<semaphore_mem>>)
    %dma_wait3A_57 = arith.constant 32 : i32
    %dma_wait3A_58 = tpu.memref_slice %arg8[%dma_wait3A_57] : memref<640xi32, #tpu.memory_space<vmem>> -> memref<32xi32, #tpu.memory_space<vmem>>
    %dma_wait3A_59 = arith.constant 0 : i32
    %dma_wait3A_60 = arith.constant 0 : i32
    %dma_wait3A_61 = tpu.memref_slice %arg2[%dma_wait3A_59, %dma_wait3A_60] : memref<1000x1024xf32, #tpu.memory_space<hbm>> -> memref<1000x1024xf32, #tpu.memory_space<hbm>>
    tpu.wait_indirect_dma semaphore(%arg16 : memref<!tpu.dma_semaphore, #tpu.memory_space<semaphore_mem>>) src(%dma_wait3A_61 : memref<1000x1024xf32, #tpu.memory_space<hbm>>) dst(%arg12 : memref<32x1024xf32, #tpu.memory_space<vmem>>)
    %dma_wait3A_62 = arith.constant 0 : i32
    %dma_wait3A_63 = tpu.memref_slice %arg6[%add3A_52, %dma_wait3A_62] : memref<20480x1024xf32, #tpu.memory_space<hbm>> -> memref<32x1024xf32, #tpu.memory_space<hbm>>
    %dma_wait3A_64 = arith.constant 0 : i32
    %dma_wait3A_65 = tpu.memref_slice %arg6[%add3A_52, %dma_wait3A_64] : memref<20480x1024xf32, #tpu.memory_space<hbm>> -> memref<32x1024xf32, #tpu.memory_space<hbm>>
    tpu.wait_dma2 semaphore(%arg18 : memref<!tpu.dma_semaphore, #tpu.memory_space<semaphore_mem>>) src(%arg11 : memref<32x1024xf32, #tpu.memory_space<vmem>>) dst(%dma_wait3A_65 : memref<32x1024xf32, #tpu.memory_space<hbm>>)
    %dma_start3A_66 = arith.constant 96 : i32
    %dma_start3A_67 = tpu.memref_slice %arg8[%dma_start3A_66] : memref<640xi32, #tpu.memory_space<vmem>> -> memref<32xi32, #tpu.memory_space<vmem>>
    %dma_start3A_68 = arith.constant 0 : i32
    %dma_start3A_69 = arith.constant 0 : i32
    %dma_start3A_70 = tpu.memref_slice %arg2[%dma_start3A_68, %dma_start3A_69] : memref<1000x1024xf32, #tpu.memory_space<hbm>> -> memref<1000x1024xf32, #tpu.memory_space<hbm>>
    tpu.enqueue_indirect_dma source(%dma_start3A_70 : memref<1000x1024xf32, #tpu.memory_space<hbm>>) target(%arg11 : memref<32x1024xf32, #tpu.memory_space<vmem>>) offsets(%dma_start3A_67 : memref<32xi32, #tpu.memory_space<vmem>>) semaphore(%arg15 : memref<!tpu.dma_semaphore, #tpu.memory_space<semaphore_mem>>)
    %iota3A_71 = tpu.iota {dimensions = array<i32: 0>} : vector<16xi32>
    %add3A_72 = arith.constant 0 : i32
    %add3A_73 = vector.broadcast %add3A_72 : i32 to vector<16xi32>
    %add3A_74 = arith.addi %iota3A_71, %add3A_73 : vector<16xi32>
    %get3A_75 = arith.constant 32 : index
    %get3A_76 = tpu.vector_load %arg9[%get3A_75] {strides = array<i32>} : memref<640xi32, #tpu.memory_space<vmem>>, vector<16xi32>,
    %gather3A_77 = tpu.vector_load_idx %arg12[%add3A_74, %get3A_76] : memref<32x1024xf32, #tpu.memory_space<vmem>>[vector<16xi32>, vector<16xi32>], vector<16xf32>,
    %get3A_78 = arith.constant 32 : index
    %get3A_79 = tpu.vector_load %arg8[%get3A_78] {strides = array<i32>} : memref<640xi32, #tpu.memory_space<vmem>>, vector<16xi32>,
    %gather3A_80 = tpu.vector_load_idx %arg10[%get3A_79] : memref<1000xf32, #tpu.memory_space<vmem>>[vector<16xi32>], vector<16xf32>,
    %get3A_81 = arith.constant 0 : index
    %get3A_82 = tpu.vector_load %arg14[%get3A_81] {strides = array<i32>} : memref<16xf32, #tpu.memory_space<vmem>>, vector<16xf32>,
    %sub3A_83 = arith.subf %gather3A_80, %gather3A_77 : vector<16xf32>
    %add3A_84 = arith.addf %get3A_82, %sub3A_83 : vector<16xf32>
    %swap3A_85 = arith.constant 0 : index
    %swap3A_86 = tpu.vector_load %arg14[%swap3A_85] {strides = array<i32>} : memref<16xf32, #tpu.memory_space<vmem>>, vector<16xf32>,
    tpu.vector_store %arg14[%swap3A_85], %add3A_84 {strides = array<i32>} : memref<16xf32, #tpu.memory_space<vmem>>, vector<16xf32>,
    %iota3A_87 = tpu.iota {dimensions = array<i32: 0>} : vector<16xi32>
    %add3A_88 = arith.constant 16 : i32
    %add3A_89 = vector.broadcast %add3A_88 : i32 to vector<16xi32>
    %add3A_90 = arith.addi %iota3A_87, %add3A_89 : vector<16xi32>
    %get3A_91 = arith.constant 48 : index
    %get3A_92 = tpu.vector_load %arg9[%get3A_91] {strides = array<i32>} : memref<640xi32, #tpu.memory_space<vmem>>, vector<16xi32>,
    %gather3A_93 = tpu.vector_load_idx %arg12[%add3A_90, %get3A_92] : memref<32x1024xf32, #tpu.memory_space<vmem>>[vector<16xi32>, vector<16xi32>], vector<16xf32>,
    %get3A_94 = arith.constant 48 : index
    %get3A_95 = tpu.vector_load %arg8[%get3A_94] {strides = array<i32>} : memref<640xi32, #tpu.memory_space<vmem>>, vector<16xi32>,
    %gather3A_96 = tpu.vector_load_idx %arg10[%get3A_95] : memref<1000xf32, #tpu.memory_space<vmem>>[vector<16xi32>], vector<16xf32>,
    %get3A_97 = arith.constant 0 : index
    %get3A_98 = tpu.vector_load %arg14[%get3A_97] {strides = array<i32>} : memref<16xf32, #tpu.memory_space<vmem>>, vector<16xf32>,
    %sub3A_99 = arith.subf %gather3A_96, %gather3A_93 : vector<16xf32>
    %add3A_100 = arith.addf %get3A_98, %sub3A_99 : vector<16xf32>
    %swap3A_101 = arith.constant 0 : index
    %swap3A_102 = tpu.vector_load %arg14[%swap3A_101] {strides = array<i32>} : memref<16xf32, #tpu.memory_space<vmem>>, vector<16xf32>,
    tpu.vector_store %arg14[%swap3A_101], %add3A_100 {strides = array<i32>} : memref<16xf32, #tpu.memory_space<vmem>>, vector<16xf32>,
    %add3A_103 = arith.constant 32 : i32
    %add3A_104 = arith.addi %mul3A_2, %add3A_103 : i32
    %dma_start3A_105 = arith.constant 0 : i32
    %dma_start3A_106 = tpu.memref_slice %arg6[%add3A_104, %dma_start3A_105] : memref<20480x1024xf32, #tpu.memory_space<hbm>> -> memref<32x1024xf32, #tpu.memory_space<hbm>>
    %dma_start3A_107 = arith.constant 0 : i32
    %dma_start3A_108 = tpu.memref_slice %arg6[%add3A_104, %dma_start3A_107] : memref<20480x1024xf32, #tpu.memory_space<hbm>> -> memref<32x1024xf32, #tpu.memory_space<hbm>>
    tpu.enqueue_dma source(%arg12 : memref<32x1024xf32, #tpu.memory_space<vmem>>) target(%dma_start3A_108 : memref<32x1024xf32, #tpu.memory_space<hbm>>) target_semaphore(%arg19 : memref<!tpu.dma_semaphore, #tpu.memory_space<semaphore_mem>>)
    %dma_wait3A_109 = arith.constant 64 : i32
    %dma_wait3A_110 = tpu.memref_slice %arg8[%dma_wait3A_109] : memref<640xi32, #tpu.memory_space<vmem>> -> memref<32xi32, #tpu.memory_space<vmem>>
    %dma_wait3A_111 = arith.constant 0 : i32
    %dma_wait3A_112 = arith.constant 0 : i32
    %dma_wait3A_113 = tpu.memref_slice %arg2[%dma_wait3A_111, %dma_wait3A_112] : memref<1000x1024xf32, #tpu.memory_space<hbm>> -> memref<1000x1024xf32, #tpu.memory_space<hbm>>
    tpu.wait_indirect_dma semaphore(%arg17 : memref<!tpu.dma_semaphore, #tpu.memory_space<semaphore_mem>>) src(%dma_wait3A_113 : memref<1000x1024xf32, #tpu.memory_space<hbm>>) dst(%arg13 : memref<32x1024xf32, #tpu.memory_space<vmem>>)
    %dma_wait3A_114 = arith.constant 0 : i32
    %dma_wait3A_115 = tpu.memref_slice %arg6[%add3A_104, %dma_wait3A_114] : memref<20480x1024xf32, #tpu.memory_space<hbm>> -> memref<32x1024xf32, #tpu.memory_space<hbm>>
    %dma_wait3A_116 = arith.constant 0 : i32
    %dma_wait3A_117 = tpu.memref_slice %arg6[%add3A_104, %dma_wait3A_116] : memref<20480x1024xf32, #tpu.memory_space<hbm>> -> memref<32x1024xf32, #tpu.memory_space<hbm>>
    tpu.wait_dma2 semaphore(%arg19 : memref<!tpu.dma_semaphore, #tpu.memory_space<semaphore_mem>>) src(%arg12 : memref<32x1024xf32, #tpu.memory_space<vmem>>) dst(%dma_wait3A_117 : memref<32x1024xf32, #tpu.memory_space<hbm>>)
    %dma_start3A_118 = arith.constant 128 : i32
    %dma_start3A_119 = tpu.memref_slice %arg8[%dma_start3A_118] : memref<640xi32, #tpu.memory_space<vmem>> -> memref<32xi32, #tpu.memory_space<vmem>>
    %dma_start3A_120 = arith.constant 0 : i32
    %dma_start3A_121 = arith.constant 0 : i32
    %dma_start3A_122 = tpu.memref_slice %arg2[%dma_start3A_120, %dma_start3A_121] : memref<1000x1024xf32, #tpu.memory_space<hbm>> -> memref<1000x1024xf32, #tpu.memory_space<hbm>>
    tpu.enqueue_indirect_dma source(%dma_start3A_122 : memref<1000x1024xf32, #tpu.memory_space<hbm>>) target(%arg12 : memref<32x1024xf32, #tpu.memory_space<vmem>>) offsets(%dma_start3A_119 : memref<32xi32, #tpu.memory_space<vmem>>) semaphore(%arg16 : memref<!tpu.dma_semaphore, #tpu.memory_space<semaphore_mem>>)
    %iota3A_123 = tpu.iota {dimensions = array<i32: 0>} : vector<16xi32>
    %add3A_124 = arith.constant 0 : i32
    %add3A_125 = vector.broadcast %add3A_124 : i32 to vector<16xi32>
    %add3A_126 = arith.addi %iota3A_123, %add3A_125 : vector<16xi32>
    %get3A_127 = arith.constant 64 : index
    %get3A_128 = tpu.vector_load %arg9[%get3A_127] {strides = array<i32>} : memref<640xi32, #tpu.memory_space<vmem>>, vector<16xi32>,
    %gather3A_129 = tpu.vector_load_idx %arg13[%add3A_126, %get3A_128] : memref<32x1024xf32, #tpu.memory_space<vmem>>[vector<16xi32>, vector<16xi32>], vector<16xf32>,
    %get3A_130 = arith.constant 64 : index
    %get3A_131 = tpu.vector_load %arg8[%get3A_130] {strides = array<i32>} : memref<640xi32, #tpu.memory_space<vmem>>, vector<16xi32>,
    %gather3A_132 = tpu.vector_load_idx %arg10[%get3A_131] : memref<1000xf32, #tpu.memory_space<vmem>>[vector<16xi32>], vector<16xf32>,
    %get3A_133 = arith.constant 0 : index
    %get3A_134 = tpu.vector_load %arg14[%get3A_133] {strides = array<i32>} : memref<16xf32, #tpu.memory_space<vmem>>, vector<16xf32>,
    %sub3A_135 = arith.subf %gather3A_132, %gather3A_129 : vector<16xf32>
    %add3A_136 = arith.addf %get3A_134, %sub3A_135 : vector<16xf32>
    %swap3A_137 = arith.constant 0 : index
    %swap3A_138 = tpu.vector_load %arg14[%swap3A_137] {strides = array<i32>} : memref<16xf32, #tpu.memory_space<vmem>>, vector<16xf32>,
    tpu.vector_store %arg14[%swap3A_137], %add3A_136 {strides = array<i32>} : memref<16xf32, #tpu.memory_space<vmem>>, vector<16xf32>,
    %iota3A_139 = tpu.iota {dimensions = array<i32: 0>} : vector<16xi32>
    %add3A_140 = arith.constant 16 : i32
    %add3A_141 = vector.broadcast %add3A_140 : i32 to vector<16xi32>
    %add3A_142 = arith.addi %iota3A_139, %add3A_141 : vector<16xi32>
    %get3A_143 = arith.constant 80 : index
    %get3A_144 = tpu.vector_load %arg9[%get3A_143] {strides = array<i32>} : memref<640xi32, #tpu.memory_space<vmem>>, vector<16xi32>,
    %gather3A_145 = tpu.vector_load_idx %arg13[%add3A_142, %get3A_144] : memref<32x1024xf32, #tpu.memory_space<vmem>>[vector<16xi32>, vector<16xi32>], vector<16xf32>,
    %get3A_146 = arith.constant 80 : index
    %get3A_147 = tpu.vector_load %arg8[%get3A_146] {strides = array<i32>} : memref<640xi32, #tpu.memory_space<vmem>>, vector<16xi32>,
    %gather3A_148 = tpu.vector_load_idx %arg10[%get3A_147] : memref<1000xf32, #tpu.memory_space<vmem>>[vector<16xi32>], vector<16xf32>,
    %get3A_149 = arith.constant 0 : index
    %get3A_150 = tpu.vector_load %arg14[%get3A_149] {strides = array<i32>} : memref<16xf32, #tpu.memory_space<vmem>>, vector<16xf32>,
    %sub3A_151 = arith.subf %gather3A_148, %gather3A_145 : vector<16xf32>
    %add3A_152 = arith.addf %get3A_150, %sub3A_151 : vector<16xf32>
    %swap3A_153 = arith.constant 0 : index
    %swap3A_154 = tpu.vector_load %arg14[%swap3A_153] {strides = array<i32>} : memref<16xf32, #tpu.memory_space<vmem>>, vector<16xf32>,
    tpu.vector_store %arg14[%swap3A_153], %add3A_152 {strides = array<i32>} : memref<16xf32, #tpu.memory_space<vmem>>, vector<16xf32>,
    %add3A_155 = arith.constant 64 : i32
    %add3A_156 = arith.addi %mul3A_2, %add3A_155 : i32
    %dma_start3A_157 = arith.constant 0 : i32
    %dma_start3A_158 = tpu.memref_slice %arg6[%add3A_156, %dma_start3A_157] : memref<20480x1024xf32, #tpu.memory_space<hbm>> -> memref<32x1024xf32, #tpu.memory_space<hbm>>
    %dma_start3A_159 = arith.constant 0 : i32
    %dma_start3A_160 = tpu.memref_slice %arg6[%add3A_156, %dma_start3A_159] : memref<20480x1024xf32, #tpu.memory_space<hbm>> -> memref<32x1024xf32, #tpu.memory_space<hbm>>
    tpu.enqueue_dma source(%arg13 : memref<32x1024xf32, #tpu.memory_space<vmem>>) target(%dma_start3A_160 : memref<32x1024xf32, #tpu.memory_space<hbm>>) target_semaphore(%arg20 : memref<!tpu.dma_semaphore, #tpu.memory_space<semaphore_mem>>)
    %dma_wait3A_161 = arith.constant 96 : i32
    %dma_wait3A_162 = tpu.memref_slice %arg8[%dma_wait3A_161] : memref<640xi32, #tpu.memory_space<vmem>> -> memref<32xi32, #tpu.memory_space<vmem>>
    %dma_wait3A_163 = arith.constant 0 : i32
    %dma_wait3A_164 = arith.constant 0 : i32
    %dma_wait3A_165 = tpu.memref_slice %arg2[%dma_wait3A_163, %dma_wait3A_164] : memref<1000x1024xf32, #tpu.memory_space<hbm>> -> memref<1000x1024xf32, #tpu.memory_space<hbm>>
    tpu.wait_indirect_dma semaphore(%arg15 : memref<!tpu.dma_semaphore, #tpu.memory_space<semaphore_mem>>) src(%dma_wait3A_165 : memref<1000x1024xf32, #tpu.memory_space<hbm>>) dst(%arg11 : memref<32x1024xf32, #tpu.memory_space<vmem>>)
    %dma_wait3A_166 = arith.constant 0 : i32
    %dma_wait3A_167 = tpu.memref_slice %arg6[%add3A_156, %dma_wait3A_166] : memref<20480x1024xf32, #tpu.memory_space<hbm>> -> memref<32x1024xf32, #tpu.memory_space<hbm>>
    %dma_wait3A_168 = arith.constant 0 : i32
    %dma_wait3A_169 = tpu.memref_slice %arg6[%add3A_156, %dma_wait3A_168] : memref<20480x1024xf32, #tpu.memory_space<hbm>> -> memref<32x1024xf32, #tpu.memory_space<hbm>>
    tpu.wait_dma2 semaphore(%arg20 : memref<!tpu.dma_semaphore, #tpu.memory_space<semaphore_mem>>) src(%arg13 : memref<32x1024xf32, #tpu.memory_space<vmem>>) dst(%dma_wait3A_169 : memref<32x1024xf32, #tpu.memory_space<hbm>>)
    %dma_start3A_170 = arith.constant 160 : i32
    %dma_start3A_171 = tpu.memref_slice %arg8[%dma_start3A_170] : memref<640xi32, #tpu.memory_space<vmem>> -> memref<32xi32, #tpu.memory_space<vmem>>
    %dma_start3A_172 = arith.constant 0 : i32
    %dma_start3A_173 = arith.constant 0 : i32
    %dma_start3A_174 = tpu.memref_slice %arg2[%dma_start3A_172, %dma_start3A_173] : memref<1000x1024xf32, #tpu.memory_space<hbm>> -> memref<1000x1024xf32, #tpu.memory_space<hbm>>
    tpu.enqueue_indirect_dma source(%dma_start3A_174 : memref<1000x1024xf32, #tpu.memory_space<hbm>>) target(%arg13 : memref<32x1024xf32, #tpu.memory_space<vmem>>) offsets(%dma_start3A_171 : memref<32xi32, #tpu.memory_space<vmem>>) semaphore(%arg17 : memref<!tpu.dma_semaphore, #tpu.memory_space<semaphore_mem>>)
    %iota3A_175 = tpu.iota {dimensions = array<i32: 0>} : vector<16xi32>
    %add3A_176 = arith.constant 0 : i32
    %add3A_177 = vector.broadcast %add3A_176 : i32 to vector<16xi32>
    %add3A_178 = arith.addi %iota3A_175, %add3A_177 : vector<16xi32>
    %get3A_179 = arith.constant 96 : index
    %get3A_180 = tpu.vector_load %arg9[%get3A_179] {strides = array<i32>} : memref<640xi32, #tpu.memory_space<vmem>>, vector<16xi32>,
    %gather3A_181 = tpu.vector_load_idx %arg11[%add3A_178, %get3A_180] : memref<32x1024xf32, #tpu.memory_space<vmem>>[vector<16xi32>, vector<16xi32>], vector<16xf32>,
    %get3A_182 = arith.constant 96 : index
    %get3A_183 = tpu.vector_load %arg8[%get3A_182] {strides = array<i32>} : memref<640xi32, #tpu.memory_space<vmem>>, vector<16xi32>,
    %gather3A_184 = tpu.vector_load_idx %arg10[%get3A_183] : memref<1000xf32, #tpu.memory_space<vmem>>[vector<16xi32>], vector<16xf32>,
    %get3A_185 = arith.constant 0 : index
    %get3A_186 = tpu.vector_load %arg14[%get3A_185] {strides = array<i32>} : memref<16xf32, #tpu.memory_space<vmem>>, vector<16xf32>,
    %sub3A_187 = arith.subf %gather3A_184, %gather3A_181 : vector<16xf32>
    %add3A_188 = arith.addf %get3A_186, %sub3A_187 : vector<16xf32>
    %swap3A_189 = arith.constant 0 : index
    %swap3A_190 = tpu.vector_load %arg14[%swap3A_189] {strides = array<i32>} : memref<16xf32, #tpu.memory_space<vmem>>, vector<16xf32>,
    tpu.vector_store %arg14[%swap3A_189], %add3A_188 {strides = array<i32>} : memref<16xf32, #tpu.memory_space<vmem>>, vector<16xf32>,
    %iota3A_191 = tpu.iota {dimensions = array<i32: 0>} : vector<16xi32>
    %add3A_192 = arith.constant 16 : i32
    %add3A_193 = vector.broadcast %add3A_192 : i32 to vector<16xi32>
    %add3A_194 = arith.addi %iota3A_191, %add3A_193 : vector<16xi32>
    %get3A_195 = arith.constant 112 : index
    %get3A_196 = tpu.vector_load %arg9[%get3A_195] {strides = array<i32>} : memref<640xi32, #tpu.memory_space<vmem>>, vector<16xi32>,
    %gather3A_197 = tpu.vector_load_idx %arg11[%add3A_194, %get3A_196] : memref<32x1024xf32, #tpu.memory_space<vmem>>[vector<16xi32>, vector<16xi32>], vector<16xf32>,
    %get3A_198 = arith.constant 112 : index
    %get3A_199 = tpu.vector_load %arg8[%get3A_198] {strides = array<i32>} : memref<640xi32, #tpu.memory_space<vmem>>, vector<16xi32>,
    %gather3A_200 = tpu.vector_load_idx %arg10[%get3A_199] : memref<1000xf32, #tpu.memory_space<vmem>>[vector<16xi32>], vector<16xf32>,
    %get3A_201 = arith.constant 0 : index
    %get3A_202 = tpu.vector_load %arg14[%get3A_201] {strides = array<i32>} : memref<16xf32, #tpu.memory_space<vmem>>, vector<16xf32>,
    %sub3A_203 = arith.subf %gather3A_200, %gather3A_197 : vector<16xf32>
    %add3A_204 = arith.addf %get3A_202, %sub3A_203 : vector<16xf32>
    %swap3A_205 = arith.constant 0 : index
    %swap3A_206 = tpu.vector_load %arg14[%swap3A_205] {strides = array<i32>} : memref<16xf32, #tpu.memory_space<vmem>>, vector<16xf32>,
    tpu.vector_store %arg14[%swap3A_205], %add3A_204 {strides = array<i32>} : memref<16xf32, #tpu.memory_space<vmem>>, vector<16xf32>,
    %add3A_207 = arith.constant 96 : i32
    %add3A_208 = arith.addi %mul3A_2, %add3A_207 : i32
    %dma_start3A_209 = arith.constant 0 : i32
    %dma_start3A_210 = tpu.memref_slice %arg6[%add3A_208, %dma_start3A_209] : memref<20480x1024xf32, #tpu.memory_space<hbm>> -> memref<32x1024xf32, #tpu.memory_space<hbm>>
    %dma_start3A_211 = arith.constant 0 : i32
    %dma_start3A_212 = tpu.memref_slice %arg6[%add3A_208, %dma_start3A_211] : memref<20480x1024xf32, #tpu.memory_space<hbm>> -> memref<32x1024xf32, #tpu.memory_space<hbm>>
    tpu.enqueue_dma source(%arg11 : memref<32x1024xf32, #tpu.memory_space<vmem>>) target(%dma_start3A_212 : memref<32x1024xf32, #tpu.memory_space<hbm>>) target_semaphore(%arg18 : memref<!tpu.dma_semaphore, #tpu.memory_space<semaphore_mem>>)
    %dma_wait3A_213 = arith.constant 128 : i32
    %dma_wait3A_214 = tpu.memref_slice %arg8[%dma_wait3A_213] : memref<640xi32, #tpu.memory_space<vmem>> -> memref<32xi32, #tpu.memory_space<vmem>>
    %dma_wait3A_215 = arith.constant 0 : i32
    %dma_wait3A_216 = arith.constant 0 : i32
    %dma_wait3A_217 = tpu.memref_slice %arg2[%dma_wait3A_215, %dma_wait3A_216] : memref<1000x1024xf32, #tpu.memory_space<hbm>> -> memref<1000x1024xf32, #tpu.memory_space<hbm>>
    tpu.wait_indirect_dma semaphore(%arg16 : memref<!tpu.dma_semaphore, #tpu.memory_space<semaphore_mem>>) src(%dma_wait3A_217 : memref<1000x1024xf32, #tpu.memory_space<hbm>>) dst(%arg12 : memref<32x1024xf32, #tpu.memory_space<vmem>>)
    %dma_wait3A_218 = arith.constant 0 : i32
    %dma_wait3A_219 = tpu.memref_slice %arg6[%add3A_208, %dma_wait3A_218] : memref<20480x1024xf32, #tpu.memory_space<hbm>> -> memref<32x1024xf32, #tpu.memory_space<hbm>>
    %dma_wait3A_220 = arith.constant 0 : i32
    %dma_wait3A_221 = tpu.memref_slice %arg6[%add3A_208, %dma_wait3A_220] : memref<20480x1024xf32, #tpu.memory_space<hbm>> -> memref<32x1024xf32, #tpu.memory_space<hbm>>
    tpu.wait_dma2 semaphore(%arg18 : memref<!tpu.dma_semaphore, #tpu.memory_space<semaphore_mem>>) src(%arg11 : memref<32x1024xf32, #tpu.memory_space<vmem>>) dst(%dma_wait3A_221 : memref<32x1024xf32, #tpu.memory_space<hbm>>)
    %dma_start3A_222 = arith.constant 192 : i32
    %dma_start3A_223 = tpu.memref_slice %arg8[%dma_start3A_222] : memref<640xi32, #tpu.memory_space<vmem>> -> memref<32xi32, #tpu.memory_space<vmem>>
    %dma_start3A_224 = arith.constant 0 : i32
    %dma_start3A_225 = arith.constant 0 : i32
    %dma_start3A_226 = tpu.memref_slice %arg2[%dma_start3A_224, %dma_start3A_225] : memref<1000x1024xf32, #tpu.memory_space<hbm>> -> memref<1000x1024xf32, #tpu.memory_space<hbm>>
    tpu.enqueue_indirect_dma source(%dma_start3A_226 : memref<1000x1024xf32, #tpu.memory_space<hbm>>) target(%arg11 : memref<32x1024xf32, #tpu.memory_space<vmem>>) offsets(%dma_start3A_223 : memref<32xi32, #tpu.memory_space<vmem>>) semaphore(%arg15 : memref<!tpu.dma_semaphore, #tpu.memory_space<semaphore_mem>>)
    %iota3A_227 = tpu.iota {dimensions = array<i32: 0>} : vector<16xi32>
    %add3A_228 = arith.constant 0 : i32
    %add3A_229 = vector.broadcast %add3A_228 : i32 to vector<16xi32>
    %add3A_230 = arith.addi %iota3A_227, %add3A_229 : vector<16xi32>
    %get3A_231 = arith.constant 128 : index
    %get3A_232 = tpu.vector_load %arg9[%get3A_231] {strides = array<i32>} : memref<640xi32, #tpu.memory_space<vmem>>, vector<16xi32>,
    %gather3A_233 = tpu.vector_load_idx %arg12[%add3A_230, %get3A_232] : memref<32x1024xf32, #tpu.memory_space<vmem>>[vector<16xi32>, vector<16xi32>], vector<16xf32>,
    %get3A_234 = arith.constant 128 : index
    %get3A_235 = tpu.vector_load %arg8[%get3A_234] {strides = array<i32>} : memref<640xi32, #tpu.memory_space<vmem>>, vector<16xi32>,
    %gather3A_236 = tpu.vector_load_idx %arg10[%get3A_235] : memref<1000xf32, #tpu.memory_space<vmem>>[vector<16xi32>], vector<16xf32>,
    %get3A_237 = arith.constant 0 : index
    %get3A_238 = tpu.vector_load %arg14[%get3A_237] {strides = array<i32>} : memref<16xf32, #tpu.memory_space<vmem>>, vector<16xf32>,
    %sub3A_239 = arith.subf %gather3A_236, %gather3A_233 : vector<16xf32>
    %add3A_240 = arith.addf %get3A_238, %sub3A_239 : vector<16xf32>
    %swap3A_241 = arith.constant 0 : index
    %swap3A_242 = tpu.vector_load %arg14[%swap3A_241] {strides = array<i32>} : memref<16xf32, #tpu.memory_space<vmem>>, vector<16xf32>,
    tpu.vector_store %arg14[%swap3A_241], %add3A_240 {strides = array<i32>} : memref<16xf32, #tpu.memory_space<vmem>>, vector<16xf32>,
    %iota3A_243 = tpu.iota {dimensions = array<i32: 0>} : vector<16xi32>
    %add3A_244 = arith.constant 16 : i32
    %add3A_245 = vector.broadcast %add3A_244 : i32 to vector<16xi32>
    %add3A_246 = arith.addi %iota3A_243, %add3A_245 : vector<16xi32>
    %get3A_247 = arith.constant 144 : index
    %get3A_248 = tpu.vector_load %arg9[%get3A_247] {strides = array<i32>} : memref<640xi32, #tpu.memory_space<vmem>>, vector<16xi32>,
    %gather3A_249 = tpu.vector_load_idx %arg12[%add3A_246, %get3A_248] : memref<32x1024xf32, #tpu.memory_space<vmem>>[vector<16xi32>, vector<16xi32>], vector<16xf32>,
    %get3A_250 = arith.constant 144 : index
    %get3A_251 = tpu.vector_load %arg8[%get3A_250] {strides = array<i32>} : memref<640xi32, #tpu.memory_space<vmem>>, vector<16xi32>,
    %gather3A_252 = tpu.vector_load_idx %arg10[%get3A_251] : memref<1000xf32, #tpu.memory_space<vmem>>[vector<16xi32>], vector<16xf32>,
    %get3A_253 = arith.constant 0 : index
    %get3A_254 = tpu.vector_load %arg14[%get3A_253] {strides = array<i32>} : memref<16xf32, #tpu.memory_space<vmem>>, vector<16xf32>,
    %sub3A_255 = arith.subf %gather3A_252, %gather3A_249 : vector<16xf32>
    %add3A_256 = arith.addf %get3A_254, %sub3A_255 : vector<16xf32>
    %swap3A_257 = arith.constant 0 : index
    %swap3A_258 = tpu.vector_load %arg14[%swap3A_257] {strides = array<i32>} : memref<16xf32, #tpu.memory_space<vmem>>, vector<16xf32>,
    tpu.vector_store %arg14[%swap3A_257], %add3A_256 {strides = array<i32>} : memref<16xf32, #tpu.memory_space<vmem>>, vector<16xf32>,
    %add3A_259 = arith.constant 128 : i32
    %add3A_260 = arith.addi %mul3A_2, %add3A_259 : i32
    %dma_start3A_261 = arith.constant 0 : i32
    %dma_start3A_262 = tpu.memref_slice %arg6[%add3A_260, %dma_start3A_261] : memref<20480x1024xf32, #tpu.memory_space<hbm>> -> memref<32x1024xf32, #tpu.memory_space<hbm>>
    %dma_start3A_263 = arith.constant 0 : i32
    %dma_start3A_264 = tpu.memref_slice %arg6[%add3A_260, %dma_start3A_263] : memref<20480x1024xf32, #tpu.memory_space<hbm>> -> memref<32x1024xf32, #tpu.memory_space<hbm>>
    tpu.enqueue_dma source(%arg12 : memref<32x1024xf32, #tpu.memory_space<vmem>>) target(%dma_start3A_264 : memref<32x1024xf32, #tpu.memory_space<hbm>>) target_semaphore(%arg19 : memref<!tpu.dma_semaphore, #tpu.memory_space<semaphore_mem>>)
    %dma_wait3A_265 = arith.constant 160 : i32
    %dma_wait3A_266 = tpu.memref_slice %arg8[%dma_wait3A_265] : memref<640xi32, #tpu.memory_space<vmem>> -> memref<32xi32, #tpu.memory_space<vmem>>
    %dma_wait3A_267 = arith.constant 0 : i32
    %dma_wait3A_268 = arith.constant 0 : i32
    %dma_wait3A_269 = tpu.memref_slice %arg2[%dma_wait3A_267, %dma_wait3A_268] : memref<1000x1024xf32, #tpu.memory_space<hbm>> -> memref<1000x1024xf32, #tpu.memory_space<hbm>>
    tpu.wait_indirect_dma semaphore(%arg17 : memref<!tpu.dma_semaphore, #tpu.memory_space<semaphore_mem>>) src(%dma_wait3A_269 : memref<1000x1024xf32, #tpu.memory_space<hbm>>) dst(%arg13 : memref<32x1024xf32, #tpu.memory_space<vmem>>)
    %dma_wait3A_270 = arith.constant 0 : i32
    %dma_wait3A_271 = tpu.memref_slice %arg6[%add3A_260, %dma_wait3A_270] : memref<20480x1024xf32, #tpu.memory_space<hbm>> -> memref<32x1024xf32, #tpu.memory_space<hbm>>
    %dma_wait3A_272 = arith.constant 0 : i32
    %dma_wait3A_273 = tpu.memref_slice %arg6[%add3A_260, %dma_wait3A_272] : memref<20480x1024xf32, #tpu.memory_space<hbm>> -> memref<32x1024xf32, #tpu.memory_space<hbm>>
    tpu.wait_dma2 semaphore(%arg19 : memref<!tpu.dma_semaphore, #tpu.memory_space<semaphore_mem>>) src(%arg12 : memref<32x1024xf32, #tpu.memory_space<vmem>>) dst(%dma_wait3A_273 : memref<32x1024xf32, #tpu.memory_space<hbm>>)
    %dma_start3A_274 = arith.constant 224 : i32
    %dma_start3A_275 = tpu.memref_slice %arg8[%dma_start3A_274] : memref<640xi32, #tpu.memory_space<vmem>> -> memref<32xi32, #tpu.memory_space<vmem>>
    %dma_start3A_276 = arith.constant 0 : i32
    %dma_start3A_277 = arith.constant 0 : i32
    %dma_start3A_278 = tpu.memref_slice %arg2[%dma_start3A_276, %dma_start3A_277] : memref<1000x1024xf32, #tpu.memory_space<hbm>> -> memref<1000x1024xf32, #tpu.memory_space<hbm>>
    tpu.enqueue_indirect_dma source(%dma_start3A_278 : memref<1000x1024xf32, #tpu.memory_space<hbm>>) target(%arg12 : memref<32x1024xf32, #tpu.memory_space<vmem>>) offsets(%dma_start3A_275 : memref<32xi32, #tpu.memory_space<vmem>>) semaphore(%arg16 : memref<!tpu.dma_semaphore, #tpu.memory_space<semaphore_mem>>)
    %iota3A_279 = tpu.iota {dimensions = array<i32: 0>} : vector<16xi32>
    %add3A_280 = arith.constant 0 : i32
    %add3A_281 = vector.broadcast %add3A_280 : i32 to vector<16xi32>
    %add3A_282 = arith.addi %iota3A_279, %add3A_281 : vector<16xi32>
    %get3A_283 = arith.constant 160 : index
    %get3A_284 = tpu.vector_load %arg9[%get3A_283] {strides = array<i32>} : memref<640xi32, #tpu.memory_space<vmem>>, vector<16xi32>,
    %gather3A_285 = tpu.vector_load_idx %arg13[%add3A_282, %get3A_284] : memref<32x1024xf32, #tpu.memory_space<vmem>>[vector<16xi32>, vector<16xi32>], vector<16xf32>,
    %get3A_286 = arith.constant 160 : index
    %get3A_287 = tpu.vector_load %arg8[%get3A_286] {strides = array<i32>} : memref<640xi32, #tpu.memory_space<vmem>>, vector<16xi32>,
    %gather3A_288 = tpu.vector_load_idx %arg10[%get3A_287] : memref<1000xf32, #tpu.memory_space<vmem>>[vector<16xi32>], vector<16xf32>,
    %get3A_289 = arith.constant 0 : index
    %get3A_290 = tpu.vector_load %arg14[%get3A_289] {strides = array<i32>} : memref<16xf32, #tpu.memory_space<vmem>>, vector<16xf32>,
    %sub3A_291 = arith.subf %gather3A_288, %gather3A_285 : vector<16xf32>
    %add3A_292 = arith.addf %get3A_290, %sub3A_291 : vector<16xf32>
    %swap3A_293 = arith.constant 0 : index
    %swap3A_294 = tpu.vector_load %arg14[%swap3A_293] {strides = array<i32>} : memref<16xf32, #tpu.memory_space<vmem>>, vector<16xf32>,
    tpu.vector_store %arg14[%swap3A_293], %add3A_292 {strides = array<i32>} : memref<16xf32, #tpu.memory_space<vmem>>, vector<16xf32>,
    %iota3A_295 = tpu.iota {dimensions = array<i32: 0>} : vector<16xi32>
    %add3A_296 = arith.constant 16 : i32
    %add3A_297 = vector.broadcast %add3A_296 : i32 to vector<16xi32>
    %add3A_298 = arith.addi %iota3A_295, %add3A_297 : vector<16xi32>
    %get3A_299 = arith.constant 176 : index
    %get3A_300 = tpu.vector_load %arg9[%get3A_299] {strides = array<i32>} : memref<640xi32, #tpu.memory_space<vmem>>, vector<16xi32>,
    %gather3A_301 = tpu.vector_load_idx %arg13[%add3A_298, %get3A_300] : memref<32x1024xf32, #tpu.memory_space<vmem>>[vector<16xi32>, vector<16xi32>], vector<16xf32>,
    %get3A_302 = arith.constant 176 : index
    %get3A_303 = tpu.vector_load %arg8[%get3A_302] {strides = array<i32>} : memref<640xi32, #tpu.memory_space<vmem>>, vector<16xi32>,
    %gather3A_304 = tpu.vector_load_idx %arg10[%get3A_303] : memref<1000xf32, #tpu.memory_space<vmem>>[vector<16xi32>], vector<16xf32>,
    %get3A_305 = arith.constant 0 : index
    %get3A_306 = tpu.vector_load %arg14[%get3A_305] {strides = array<i32>} : memref<16xf32, #tpu.memory_space<vmem>>, vector<16xf32>,
    %sub3A_307 = arith.subf %gather3A_304, %gather3A_301 : vector<16xf32>
    %add3A_308 = arith.addf %get3A_306, %sub3A_307 : vector<16xf32>
    %swap3A_309 = arith.constant 0 : index
    %swap3A_310 = tpu.vector_load %arg14[%swap3A_309] {strides = array<i32>} : memref<16xf32, #tpu.memory_space<vmem>>, vector<16xf32>,
    tpu.vector_store %arg14[%swap3A_309], %add3A_308 {strides = array<i32>} : memref<16xf32, #tpu.memory_space<vmem>>, vector<16xf32>,
    %add3A_311 = arith.constant 160 : i32
    %add3A_312 = arith.addi %mul3A_2, %add3A_311 : i32
    %dma_start3A_313 = arith.constant 0 : i32
    %dma_start3A_314 = tpu.memref_slice %arg6[%add3A_312, %dma_start3A_313] : memref<20480x1024xf32, #tpu.memory_space<hbm>> -> memref<32x1024xf32, #tpu.memory_space<hbm>>
    %dma_start3A_315 = arith.constant 0 : i32
    %dma_start3A_316 = tpu.memref_slice %arg6[%add3A_312, %dma_start3A_315] : memref<20480x1024xf32, #tpu.memory_space<hbm>> -> memref<32x1024xf32, #tpu.memory_space<hbm>>
    tpu.enqueue_dma source(%arg13 : memref<32x1024xf32, #tpu.memory_space<vmem>>) target(%dma_start3A_316 : memref<32x1024xf32, #tpu.memory_space<hbm>>) target_semaphore(%arg20 : memref<!tpu.dma_semaphore, #tpu.memory_space<semaphore_mem>>)
    %dma_wait3A_317 = arith.constant 192 : i32
    %dma_wait3A_318 = tpu.memref_slice %arg8[%dma_wait3A_317] : memref<640xi32, #tpu.memory_space<vmem>> -> memref<32xi32, #tpu.memory_space<vmem>>
    %dma_wait3A_319 = arith.constant 0 : i32
    %dma_wait3A_320 = arith.constant 0 : i32
    %dma_wait3A_321 = tpu.memref_slice %arg2[%dma_wait3A_319, %dma_wait3A_320] : memref<1000x1024xf32, #tpu.memory_space<hbm>> -> memref<1000x1024xf32, #tpu.memory_space<hbm>>
    tpu.wait_indirect_dma semaphore(%arg15 : memref<!tpu.dma_semaphore, #tpu.memory_space<semaphore_mem>>) src(%dma_wait3A_321 : memref<1000x1024xf32, #tpu.memory_space<hbm>>) dst(%arg11 : memref<32x1024xf32, #tpu.memory_space<vmem>>)
    %dma_wait3A_322 = arith.constant 0 : i32
    %dma_wait3A_323 = tpu.memref_slice %arg6[%add3A_312, %dma_wait3A_322] : memref<20480x1024xf32, #tpu.memory_space<hbm>> -> memref<32x1024xf32, #tpu.memory_space<hbm>>
    %dma_wait3A_324 = arith.constant 0 : i32
    %dma_wait3A_325 = tpu.memref_slice %arg6[%add3A_312, %dma_wait3A_324] : memref<20480x1024xf32, #tpu.memory_space<hbm>> -> memref<32x1024xf32, #tpu.memory_space<hbm>>
    tpu.wait_dma2 semaphore(%arg20 : memref<!tpu.dma_semaphore, #tpu.memory_space<semaphore_mem>>) src(%arg13 : memref<32x1024xf32, #tpu.memory_space<vmem>>) dst(%dma_wait3A_325 : memref<32x1024xf32, #tpu.memory_space<hbm>>)
    %dma_start3A_326 = arith.constant 256 : i32
    %dma_start3A_327 = tpu.memref_slice %arg8[%dma_start3A_326] : memref<640xi32, #tpu.memory_space<vmem>> -> memref<32xi32, #tpu.memory_space<vmem>>
    %dma_start3A_328 = arith.constant 0 : i32
    %dma_start3A_329 = arith.constant 0 : i32
    %dma_start3A_330 = tpu.memref_slice %arg2[%dma_start3A_328, %dma_start3A_329] : memref<1000x1024xf32, #tpu.memory_space<hbm>> -> memref<1000x1024xf32, #tpu.memory_space<hbm>>
    tpu.enqueue_indirect_dma source(%dma_start3A_330 : memref<1000x1024xf32, #tpu.memory_space<hbm>>) target(%arg13 : memref<32x1024xf32, #tpu.memory_space<vmem>>) offsets(%dma_start3A_327 : memref<32xi32, #tpu.memory_space<vmem>>) semaphore(%arg17 : memref<!tpu.dma_semaphore, #tpu.memory_space<semaphore_mem>>)
    %iota3A_331 = tpu.iota {dimensions = array<i32: 0>} : vector<16xi32>
    %add3A_332 = arith.constant 0 : i32
    %add3A_333 = vector.broadcast %add3A_332 : i32 to vector<16xi32>
    %add3A_334 = arith.addi %iota3A_331, %add3A_333 : vector<16xi32>
    %get3A_335 = arith.constant 192 : index
    %get3A_336 = tpu.vector_load %arg9[%get3A_335] {strides = array<i32>} : memref<640xi32, #tpu.memory_space<vmem>>, vector<16xi32>,
    %gather3A_337 = tpu.vector_load_idx %arg11[%add3A_334, %get3A_336] : memref<32x1024xf32, #tpu.memory_space<vmem>>[vector<16xi32>, vector<16xi32>], vector<16xf32>,
    %get3A_338 = arith.constant 192 : index
    %get3A_339 = tpu.vector_load %arg8[%get3A_338] {strides = array<i32>} : memref<640xi32, #tpu.memory_space<vmem>>, vector<16xi32>,
    %gather3A_340 = tpu.vector_load_idx %arg10[%get3A_339] : memref<1000xf32, #tpu.memory_space<vmem>>[vector<16xi32>], vector<16xf32>,
    %get3A_341 = arith.constant 0 : index
    %get3A_342 = tpu.vector_load %arg14[%get3A_341] {strides = array<i32>} : memref<16xf32, #tpu.memory_space<vmem>>, vector<16xf32>,
    %sub3A_343 = arith.subf %gather3A_340, %gather3A_337 : vector<16xf32>
    %add3A_344 = arith.addf %get3A_342, %sub3A_343 : vector<16xf32>
    %swap3A_345 = arith.constant 0 : index
    %swap3A_346 = tpu.vector_load %arg14[%swap3A_345] {strides = array<i32>} : memref<16xf32, #tpu.memory_space<vmem>>, vector<16xf32>,
    tpu.vector_store %arg14[%swap3A_345], %add3A_344 {strides = array<i32>} : memref<16xf32, #tpu.memory_space<vmem>>, vector<16xf32>,
    %iota3A_347 = tpu.iota {dimensions = array<i32: 0>} : vector<16xi32>
    %add3A_348 = arith.constant 16 : i32
    %add3A_349 = vector.broadcast %add3A_348 : i32 to vector<16xi32>
    %add3A_350 = arith.addi %iota3A_347, %add3A_349 : vector<16xi32>
    %get3A_351 = arith.constant 208 : index
    %get3A_352 = tpu.vector_load %arg9[%get3A_351] {strides = array<i32>} : memref<640xi32, #tpu.memory_space<vmem>>, vector<16xi32>,
    %gather3A_353 = tpu.vector_load_idx %arg11[%add3A_350, %get3A_352] : memref<32x1024xf32, #tpu.memory_space<vmem>>[vector<16xi32>, vector<16xi32>], vector<16xf32>,
    %get3A_354 = arith.constant 208 : index
    %get3A_355 = tpu.vector_load %arg8[%get3A_354] {strides = array<i32>} : memref<640xi32, #tpu.memory_space<vmem>>, vector<16xi32>,
    %gather3A_356 = tpu.vector_load_idx %arg10[%get3A_355] : memref<1000xf32, #tpu.memory_space<vmem>>[vector<16xi32>], vector<16xf32>,
    %get3A_357 = arith.constant 0 : index
    %get3A_358 = tpu.vector_load %arg14[%get3A_357] {strides = array<i32>} : memref<16xf32, #tpu.memory_space<vmem>>, vector<16xf32>,
    %sub3A_359 = arith.subf %gather3A_356, %gather3A_353 : vector<16xf32>
    %add3A_360 = arith.addf %get3A_358, %sub3A_359 : vector<16xf32>
    %swap3A_361 = arith.constant 0 : index
    %swap3A_362 = tpu.vector_load %arg14[%swap3A_361] {strides = array<i32>} : memref<16xf32, #tpu.memory_space<vmem>>, vector<16xf32>,
    tpu.vector_store %arg14[%swap3A_361], %add3A_360 {strides = array<i32>} : memref<16xf32, #tpu.memory_space<vmem>>, vector<16xf32>,
    %add3A_363 = arith.constant 192 : i32
    %add3A_364 = arith.addi %mul3A_2, %add3A_363 : i32
    %dma_start3A_365 = arith.constant 0 : i32
    %dma_start3A_366 = tpu.memref_slice %arg6[%add3A_364, %dma_start3A_365] : memref<20480x1024xf32, #tpu.memory_space<hbm>> -> memref<32x1024xf32, #tpu.memory_space<hbm>>
    %dma_start3A_367 = arith.constant 0 : i32
    %dma_start3A_368 = tpu.memref_slice %arg6[%add3A_364, %dma_start3A_367] : memref<20480x1024xf32, #tpu.memory_space<hbm>> -> memref<32x1024xf32, #tpu.memory_space<hbm>>
    tpu.enqueue_dma source(%arg11 : memref<32x1024xf32, #tpu.memory_space<vmem>>) target(%dma_start3A_368 : memref<32x1024xf32, #tpu.memory_space<hbm>>) target_semaphore(%arg18 : memref<!tpu.dma_semaphore, #tpu.memory_space<semaphore_mem>>)
    %dma_wait3A_369 = arith.constant 224 : i32
    %dma_wait3A_370 = tpu.memref_slice %arg8[%dma_wait3A_369] : memref<640xi32, #tpu.memory_space<vmem>> -> memref<32xi32, #tpu.memory_space<vmem>>
    %dma_wait3A_371 = arith.constant 0 : i32
    %dma_wait3A_372 = arith.constant 0 : i32
    %dma_wait3A_373 = tpu.memref_slice %arg2[%dma_wait3A_371, %dma_wait3A_372] : memref<1000x1024xf32, #tpu.memory_space<hbm>> -> memref<1000x1024xf32, #tpu.memory_space<hbm>>
    tpu.wait_indirect_dma semaphore(%arg16 : memref<!tpu.dma_semaphore, #tpu.memory_space<semaphore_mem>>) src(%dma_wait3A_373 : memref<1000x1024xf32, #tpu.memory_space<hbm>>) dst(%arg12 : memref<32x1024xf32, #tpu.memory_space<vmem>>)
    %dma_wait3A_374 = arith.constant 0 : i32
    %dma_wait3A_375 = tpu.memref_slice %arg6[%add3A_364, %dma_wait3A_374] : memref<20480x1024xf32, #tpu.memory_space<hbm>> -> memref<32x1024xf32, #tpu.memory_space<hbm>>
    %dma_wait3A_376 = arith.constant 0 : i32
    %dma_wait3A_377 = tpu.memref_slice %arg6[%add3A_364, %dma_wait3A_376] : memref<20480x1024xf32, #tpu.memory_space<hbm>> -> memref<32x1024xf32, #tpu.memory_space<hbm>>
    tpu.wait_dma2 semaphore(%arg18 : memref<!tpu.dma_semaphore, #tpu.memory_space<semaphore_mem>>) src(%arg11 : memref<32x1024xf32, #tpu.memory_space<vmem>>) dst(%dma_wait3A_377 : memref<32x1024xf32, #tpu.memory_space<hbm>>)
    %dma_start3A_378 = arith.constant 288 : i32
    %dma_start3A_379 = tpu.memref_slice %arg8[%dma_start3A_378] : memref<640xi32, #tpu.memory_space<vmem>> -> memref<32xi32, #tpu.memory_space<vmem>>
    %dma_start3A_380 = arith.constant 0 : i32
    %dma_start3A_381 = arith.constant 0 : i32
    %dma_start3A_382 = tpu.memref_slice %arg2[%dma_start3A_380, %dma_start3A_381] : memref<1000x1024xf32, #tpu.memory_space<hbm>> -> memref<1000x1024xf32, #tpu.memory_space<hbm>>
    tpu.enqueue_indirect_dma source(%dma_start3A_382 : memref<1000x1024xf32, #tpu.memory_space<hbm>>) target(%arg11 : memref<32x1024xf32, #tpu.memory_space<vmem>>) offsets(%dma_start3A_379 : memref<32xi32, #tpu.memory_space<vmem>>) semaphore(%arg15 : memref<!tpu.dma_semaphore, #tpu.memory_space<semaphore_mem>>)
    %iota3A_383 = tpu.iota {dimensions = array<i32: 0>} : vector<16xi32>
    %add3A_384 = arith.constant 0 : i32
    %add3A_385 = vector.broadcast %add3A_384 : i32 to vector<16xi32>
    %add3A_386 = arith.addi %iota3A_383, %add3A_385 : vector<16xi32>
    %get3A_387 = arith.constant 224 : index
    %get3A_388 = tpu.vector_load %arg9[%get3A_387] {strides = array<i32>} : memref<640xi32, #tpu.memory_space<vmem>>, vector<16xi32>,
    %gather3A_389 = tpu.vector_load_idx %arg12[%add3A_386, %get3A_388] : memref<32x1024xf32, #tpu.memory_space<vmem>>[vector<16xi32>, vector<16xi32>], vector<16xf32>,
    %get3A_390 = arith.constant 224 : index
    %get3A_391 = tpu.vector_load %arg8[%get3A_390] {strides = array<i32>} : memref<640xi32, #tpu.memory_space<vmem>>, vector<16xi32>,
    %gather3A_392 = tpu.vector_load_idx %arg10[%get3A_391] : memref<1000xf32, #tpu.memory_space<vmem>>[vector<16xi32>], vector<16xf32>,
    %get3A_393 = arith.constant 0 : index
    %get3A_394 = tpu.vector_load %arg14[%get3A_393] {strides = array<i32>} : memref<16xf32, #tpu.memory_space<vmem>>, vector<16xf32>,
    %sub3A_395 = arith.subf %gather3A_392, %gather3A_389 : vector<16xf32>
    %add3A_396 = arith.addf %get3A_394, %sub3A_395 : vector<16xf32>
    %swap3A_397 = arith.constant 0 : index
    %swap3A_398 = tpu.vector_load %arg14[%swap3A_397] {strides = array<i32>} : memref<16xf32, #tpu.memory_space<vmem>>, vector<16xf32>,
    tpu.vector_store %arg14[%swap3A_397], %add3A_396 {strides = array<i32>} : memref<16xf32, #tpu.memory_space<vmem>>, vector<16xf32>,
    %iota3A_399 = tpu.iota {dimensions = array<i32: 0>} : vector<16xi32>
    %add3A_400 = arith.constant 16 : i32
    %add3A_401 = vector.broadcast %add3A_400 : i32 to vector<16xi32>
    %add3A_402 = arith.addi %iota3A_399, %add3A_401 : vector<16xi32>
    %get3A_403 = arith.constant 240 : index
    %get3A_404 = tpu.vector_load %arg9[%get3A_403] {strides = array<i32>} : memref<640xi32, #tpu.memory_space<vmem>>, vector<16xi32>,
    %gather3A_405 = tpu.vector_load_idx %arg12[%add3A_402, %get3A_404] : memref<32x1024xf32, #tpu.memory_space<vmem>>[vector<16xi32>, vector<16xi32>], vector<16xf32>,
    %get3A_406 = arith.constant 240 : index
    %get3A_407 = tpu.vector_load %arg8[%get3A_406] {strides = array<i32>} : memref<640xi32, #tpu.memory_space<vmem>>, vector<16xi32>,
    %gather3A_408 = tpu.vector_load_idx %arg10[%get3A_407] : memref<1000xf32, #tpu.memory_space<vmem>>[vector<16xi32>], vector<16xf32>,
    %get3A_409 = arith.constant 0 : index
    %get3A_410 = tpu.vector_load %arg14[%get3A_409] {strides = array<i32>} : memref<16xf32, #tpu.memory_space<vmem>>, vector<16xf32>,
    %sub3A_411 = arith.subf %gather3A_408, %gather3A_405 : vector<16xf32>
    %add3A_412 = arith.addf %get3A_410, %sub3A_411 : vector<16xf32>
    %swap3A_413 = arith.constant 0 : index
    %swap3A_414 = tpu.vector_load %arg14[%swap3A_413] {strides = array<i32>} : memref<16xf32, #tpu.memory_space<vmem>>, vector<16xf32>,
    tpu.vector_store %arg14[%swap3A_413], %add3A_412 {strides = array<i32>} : memref<16xf32, #tpu.memory_space<vmem>>, vector<16xf32>,
    %add3A_415 = arith.constant 224 : i32
    %add3A_416 = arith.addi %mul3A_2, %add3A_415 : i32
    %dma_start3A_417 = arith.constant 0 : i32
    %dma_start3A_418 = tpu.memref_slice %arg6[%add3A_416, %dma_start3A_417] : memref<20480x1024xf32, #tpu.memory_space<hbm>> -> memref<32x1024xf32, #tpu.memory_space<hbm>>
    %dma_start3A_419 = arith.constant 0 : i32
    %dma_start3A_420 = tpu.memref_slice %arg6[%add3A_416, %dma_start3A_419] : memref<20480x1024xf32, #tpu.memory_space<hbm>> -> memref<32x1024xf32, #tpu.memory_space<hbm>>
    tpu.enqueue_dma source(%arg12 : memref<32x1024xf32, #tpu.memory_space<vmem>>) target(%dma_start3A_420 : memref<32x1024xf32, #tpu.memory_space<hbm>>) target_semaphore(%arg19 : memref<!tpu.dma_semaphore, #tpu.memory_space<semaphore_mem>>)
    %dma_wait3A_421 = arith.constant 256 : i32
    %dma_wait3A_422 = tpu.memref_slice %arg8[%dma_wait3A_421] : memref<640xi32, #tpu.memory_space<vmem>> -> memref<32xi32, #tpu.memory_space<vmem>>
    %dma_wait3A_423 = arith.constant 0 : i32
    %dma_wait3A_424 = arith.constant 0 : i32
    %dma_wait3A_425 = tpu.memref_slice %arg2[%dma_wait3A_423, %dma_wait3A_424] : memref<1000x1024xf32, #tpu.memory_space<hbm>> -> memref<1000x1024xf32, #tpu.memory_space<hbm>>
    tpu.wait_indirect_dma semaphore(%arg17 : memref<!tpu.dma_semaphore, #tpu.memory_space<semaphore_mem>>) src(%dma_wait3A_425 : memref<1000x1024xf32, #tpu.memory_space<hbm>>) dst(%arg13 : memref<32x1024xf32, #tpu.memory_space<vmem>>)
    %dma_wait3A_426 = arith.constant 0 : i32
    %dma_wait3A_427 = tpu.memref_slice %arg6[%add3A_416, %dma_wait3A_426] : memref<20480x1024xf32, #tpu.memory_space<hbm>> -> memref<32x1024xf32, #tpu.memory_space<hbm>>
    %dma_wait3A_428 = arith.constant 0 : i32
    %dma_wait3A_429 = tpu.memref_slice %arg6[%add3A_416, %dma_wait3A_428] : memref<20480x1024xf32, #tpu.memory_space<hbm>> -> memref<32x1024xf32, #tpu.memory_space<hbm>>
    tpu.wait_dma2 semaphore(%arg19 : memref<!tpu.dma_semaphore, #tpu.memory_space<semaphore_mem>>) src(%arg12 : memref<32x1024xf32, #tpu.memory_space<vmem>>) dst(%dma_wait3A_429 : memref<32x1024xf32, #tpu.memory_space<hbm>>)
    %dma_start3A_430 = arith.constant 320 : i32
    %dma_start3A_431 = tpu.memref_slice %arg8[%dma_start3A_430] : memref<640xi32, #tpu.memory_space<vmem>> -> memref<32xi32, #tpu.memory_space<vmem>>
    %dma_start3A_432 = arith.constant 0 : i32
    %dma_start3A_433 = arith.constant 0 : i32
    %dma_start3A_434 = tpu.memref_slice %arg2[%dma_start3A_432, %dma_start3A_433] : memref<1000x1024xf32, #tpu.memory_space<hbm>> -> memref<1000x1024xf32, #tpu.memory_space<hbm>>
    tpu.enqueue_indirect_dma source(%dma_start3A_434 : memref<1000x1024xf32, #tpu.memory_space<hbm>>) target(%arg12 : memref<32x1024xf32, #tpu.memory_space<vmem>>) offsets(%dma_start3A_431 : memref<32xi32, #tpu.memory_space<vmem>>) semaphore(%arg16 : memref<!tpu.dma_semaphore, #tpu.memory_space<semaphore_mem>>)
    %iota3A_435 = tpu.iota {dimensions = array<i32: 0>} : vector<16xi32>
    %add3A_436 = arith.constant 0 : i32
    %add3A_437 = vector.broadcast %add3A_436 : i32 to vector<16xi32>
    %add3A_438 = arith.addi %iota3A_435, %add3A_437 : vector<16xi32>
    %get3A_439 = arith.constant 256 : index
    %get3A_440 = tpu.vector_load %arg9[%get3A_439] {strides = array<i32>} : memref<640xi32, #tpu.memory_space<vmem>>, vector<16xi32>,
    %gather3A_441 = tpu.vector_load_idx %arg13[%add3A_438, %get3A_440] : memref<32x1024xf32, #tpu.memory_space<vmem>>[vector<16xi32>, vector<16xi32>], vector<16xf32>,
    %get3A_442 = arith.constant 256 : index
    %get3A_443 = tpu.vector_load %arg8[%get3A_442] {strides = array<i32>} : memref<640xi32, #tpu.memory_space<vmem>>, vector<16xi32>,
    %gather3A_444 = tpu.vector_load_idx %arg10[%get3A_443] : memref<1000xf32, #tpu.memory_space<vmem>>[vector<16xi32>], vector<16xf32>,
    %get3A_445 = arith.constant 0 : index
    %get3A_446 = tpu.vector_load %arg14[%get3A_445] {strides = array<i32>} : memref<16xf32, #tpu.memory_space<vmem>>, vector<16xf32>,
    %sub3A_447 = arith.subf %gather3A_444, %gather3A_441 : vector<16xf32>
    %add3A_448 = arith.addf %get3A_446, %sub3A_447 : vector<16xf32>
    %swap3A_449 = arith.constant 0 : index
    %swap3A_450 = tpu.vector_load %arg14[%swap3A_449] {strides = array<i32>} : memref<16xf32, #tpu.memory_space<vmem>>, vector<16xf32>,
    tpu.vector_store %arg14[%swap3A_449], %add3A_448 {strides = array<i32>} : memref<16xf32, #tpu.memory_space<vmem>>, vector<16xf32>,
    %iota3A_451 = tpu.iota {dimensions = array<i32: 0>} : vector<16xi32>
    %add3A_452 = arith.constant 16 : i32
    %add3A_453 = vector.broadcast %add3A_452 : i32 to vector<16xi32>
    %add3A_454 = arith.addi %iota3A_451, %add3A_453 : vector<16xi32>
    %get3A_455 = arith.constant 272 : index
    %get3A_456 = tpu.vector_load %arg9[%get3A_455] {strides = array<i32>} : memref<640xi32, #tpu.memory_space<vmem>>, vector<16xi32>,
    %gather3A_457 = tpu.vector_load_idx %arg13[%add3A_454, %get3A_456] : memref<32x1024xf32, #tpu.memory_space<vmem>>[vector<16xi32>, vector<16xi32>], vector<16xf32>,
    %get3A_458 = arith.constant 272 : index
    %get3A_459 = tpu.vector_load %arg8[%get3A_458] {strides = array<i32>} : memref<640xi32, #tpu.memory_space<vmem>>, vector<16xi32>,
    %gather3A_460 = tpu.vector_load_idx %arg10[%get3A_459] : memref<1000xf32, #tpu.memory_space<vmem>>[vector<16xi32>], vector<16xf32>,
    %get3A_461 = arith.constant 0 : index
    %get3A_462 = tpu.vector_load %arg14[%get3A_461] {strides = array<i32>} : memref<16xf32, #tpu.memory_space<vmem>>, vector<16xf32>,
    %sub3A_463 = arith.subf %gather3A_460, %gather3A_457 : vector<16xf32>
    %add3A_464 = arith.addf %get3A_462, %sub3A_463 : vector<16xf32>
    %swap3A_465 = arith.constant 0 : index
    %swap3A_466 = tpu.vector_load %arg14[%swap3A_465] {strides = array<i32>} : memref<16xf32, #tpu.memory_space<vmem>>, vector<16xf32>,
    tpu.vector_store %arg14[%swap3A_465], %add3A_464 {strides = array<i32>} : memref<16xf32, #tpu.memory_space<vmem>>, vector<16xf32>,
    %add3A_467 = arith.constant 256 : i32
    %add3A_468 = arith.addi %mul3A_2, %add3A_467 : i32
    %dma_start3A_469 = arith.constant 0 : i32
    %dma_start3A_470 = tpu.memref_slice %arg6[%add3A_468, %dma_start3A_469] : memref<20480x1024xf32, #tpu.memory_space<hbm>> -> memref<32x1024xf32, #tpu.memory_space<hbm>>
    %dma_start3A_471 = arith.constant 0 : i32
    %dma_start3A_472 = tpu.memref_slice %arg6[%add3A_468, %dma_start3A_471] : memref<20480x1024xf32, #tpu.memory_space<hbm>> -> memref<32x1024xf32, #tpu.memory_space<hbm>>
    tpu.enqueue_dma source(%arg13 : memref<32x1024xf32, #tpu.memory_space<vmem>>) target(%dma_start3A_472 : memref<32x1024xf32, #tpu.memory_space<hbm>>) target_semaphore(%arg20 : memref<!tpu.dma_semaphore, #tpu.memory_space<semaphore_mem>>)
    %dma_wait3A_473 = arith.constant 288 : i32
    %dma_wait3A_474 = tpu.memref_slice %arg8[%dma_wait3A_473] : memref<640xi32, #tpu.memory_space<vmem>> -> memref<32xi32, #tpu.memory_space<vmem>>
    %dma_wait3A_475 = arith.constant 0 : i32
    %dma_wait3A_476 = arith.constant 0 : i32
    %dma_wait3A_477 = tpu.memref_slice %arg2[%dma_wait3A_475, %dma_wait3A_476] : memref<1000x1024xf32, #tpu.memory_space<hbm>> -> memref<1000x1024xf32, #tpu.memory_space<hbm>>
    tpu.wait_indirect_dma semaphore(%arg15 : memref<!tpu.dma_semaphore, #tpu.memory_space<semaphore_mem>>) src(%dma_wait3A_477 : memref<1000x1024xf32, #tpu.memory_space<hbm>>) dst(%arg11 : memref<32x1024xf32, #tpu.memory_space<vmem>>)
    %dma_wait3A_478 = arith.constant 0 : i32
    %dma_wait3A_479 = tpu.memref_slice %arg6[%add3A_468, %dma_wait3A_478] : memref<20480x1024xf32, #tpu.memory_space<hbm>> -> memref<32x1024xf32, #tpu.memory_space<hbm>>
    %dma_wait3A_480 = arith.constant 0 : i32
    %dma_wait3A_481 = tpu.memref_slice %arg6[%add3A_468, %dma_wait3A_480] : memref<20480x1024xf32, #tpu.memory_space<hbm>> -> memref<32x1024xf32, #tpu.memory_space<hbm>>
    tpu.wait_dma2 semaphore(%arg20 : memref<!tpu.dma_semaphore, #tpu.memory_space<semaphore_mem>>) src(%arg13 : memref<32x1024xf32, #tpu.memory_space<vmem>>) dst(%dma_wait3A_481 : memref<32x1024xf32, #tpu.memory_space<hbm>>)
    %dma_start3A_482 = arith.constant 352 : i32
    %dma_start3A_483 = tpu.memref_slice %arg8[%dma_start3A_482] : memref<640xi32, #tpu.memory_space<vmem>> -> memref<32xi32, #tpu.memory_space<vmem>>
    %dma_start3A_484 = arith.constant 0 : i32
    %dma_start3A_485 = arith.constant 0 : i32
    %dma_start3A_486 = tpu.memref_slice %arg2[%dma_start3A_484, %dma_start3A_485] : memref<1000x1024xf32, #tpu.memory_space<hbm>> -> memref<1000x1024xf32, #tpu.memory_space<hbm>>
    tpu.enqueue_indirect_dma source(%dma_start3A_486 : memref<1000x1024xf32, #tpu.memory_space<hbm>>) target(%arg13 : memref<32x1024xf32, #tpu.memory_space<vmem>>) offsets(%dma_start3A_483 : memref<32xi32, #tpu.memory_space<vmem>>) semaphore(%arg17 : memref<!tpu.dma_semaphore, #tpu.memory_space<semaphore_mem>>)
    %iota3A_487 = tpu.iota {dimensions = array<i32: 0>} : vector<16xi32>
    %add3A_488 = arith.constant 0 : i32
    %add3A_489 = vector.broadcast %add3A_488 : i32 to vector<16xi32>
    %add3A_490 = arith.addi %iota3A_487, %add3A_489 : vector<16xi32>
    %get3A_491 = arith.constant 288 : index
    %get3A_492 = tpu.vector_load %arg9[%get3A_491] {strides = array<i32>} : memref<640xi32, #tpu.memory_space<vmem>>, vector<16xi32>,
    %gather3A_493 = tpu.vector_load_idx %arg11[%add3A_490, %get3A_492] : memref<32x1024xf32, #tpu.memory_space<vmem>>[vector<16xi32>, vector<16xi32>], vector<16xf32>,
    %get3A_494 = arith.constant 288 : index
    %get3A_495 = tpu.vector_load %arg8[%get3A_494] {strides = array<i32>} : memref<640xi32, #tpu.memory_space<vmem>>, vector<16xi32>,
    %gather3A_496 = tpu.vector_load_idx %arg10[%get3A_495] : memref<1000xf32, #tpu.memory_space<vmem>>[vector<16xi32>], vector<16xf32>,
    %get3A_497 = arith.constant 0 : index
    %get3A_498 = tpu.vector_load %arg14[%get3A_497] {strides = array<i32>} : memref<16xf32, #tpu.memory_space<vmem>>, vector<16xf32>,
    %sub3A_499 = arith.subf %gather3A_496, %gather3A_493 : vector<16xf32>
    %add3A_500 = arith.addf %get3A_498, %sub3A_499 : vector<16xf32>
    %swap3A_501 = arith.constant 0 : index
    %swap3A_502 = tpu.vector_load %arg14[%swap3A_501] {strides = array<i32>} : memref<16xf32, #tpu.memory_space<vmem>>, vector<16xf32>,
    tpu.vector_store %arg14[%swap3A_501], %add3A_500 {strides = array<i32>} : memref<16xf32, #tpu.memory_space<vmem>>, vector<16xf32>,
    %iota3A_503 = tpu.iota {dimensions = array<i32: 0>} : vector<16xi32>
    %add3A_504 = arith.constant 16 : i32
    %add3A_505 = vector.broadcast %add3A_504 : i32 to vector<16xi32>
    %add3A_506 = arith.addi %iota3A_503, %add3A_505 : vector<16xi32>
    %get3A_507 = arith.constant 304 : index
    %get3A_508 = tpu.vector_load %arg9[%get3A_507] {strides = array<i32>} : memref<640xi32, #tpu.memory_space<vmem>>, vector<16xi32>,
    %gather3A_509 = tpu.vector_load_idx %arg11[%add3A_506, %get3A_508] : memref<32x1024xf32, #tpu.memory_space<vmem>>[vector<16xi32>, vector<16xi32>], vector<16xf32>,
    %get3A_510 = arith.constant 304 : index
    %get3A_511 = tpu.vector_load %arg8[%get3A_510] {strides = array<i32>} : memref<640xi32, #tpu.memory_space<vmem>>, vector<16xi32>,
    %gather3A_512 = tpu.vector_load_idx %arg10[%get3A_511] : memref<1000xf32, #tpu.memory_space<vmem>>[vector<16xi32>], vector<16xf32>,
    %get3A_513 = arith.constant 0 : index
    %get3A_514 = tpu.vector_load %arg14[%get3A_513] {strides = array<i32>} : memref<16xf32, #tpu.memory_space<vmem>>, vector<16xf32>,
    %sub3A_515 = arith.subf %gather3A_512, %gather3A_509 : vector<16xf32>
    %add3A_516 = arith.addf %get3A_514, %sub3A_515 : vector<16xf32>
    %swap3A_517 = arith.constant 0 : index
    %swap3A_518 = tpu.vector_load %arg14[%swap3A_517] {strides = array<i32>} : memref<16xf32, #tpu.memory_space<vmem>>, vector<16xf32>,
    tpu.vector_store %arg14[%swap3A_517], %add3A_516 {strides = array<i32>} : memref<16xf32, #tpu.memory_space<vmem>>, vector<16xf32>,
    %add3A_519 = arith.constant 288 : i32
    %add3A_520 = arith.addi %mul3A_2, %add3A_519 : i32
    %dma_start3A_521 = arith.constant 0 : i32
    %dma_start3A_522 = tpu.memref_slice %arg6[%add3A_520, %dma_start3A_521] : memref<20480x1024xf32, #tpu.memory_space<hbm>> -> memref<32x1024xf32, #tpu.memory_space<hbm>>
    %dma_start3A_523 = arith.constant 0 : i32
    %dma_start3A_524 = tpu.memref_slice %arg6[%add3A_520, %dma_start3A_523] : memref<20480x1024xf32, #tpu.memory_space<hbm>> -> memref<32x1024xf32, #tpu.memory_space<hbm>>
    tpu.enqueue_dma source(%arg11 : memref<32x1024xf32, #tpu.memory_space<vmem>>) target(%dma_start3A_524 : memref<32x1024xf32, #tpu.memory_space<hbm>>) target_semaphore(%arg18 : memref<!tpu.dma_semaphore, #tpu.memory_space<semaphore_mem>>)
    %dma_wait3A_525 = arith.constant 320 : i32
    %dma_wait3A_526 = tpu.memref_slice %arg8[%dma_wait3A_525] : memref<640xi32, #tpu.memory_space<vmem>> -> memref<32xi32, #tpu.memory_space<vmem>>
    %dma_wait3A_527 = arith.constant 0 : i32
    %dma_wait3A_528 = arith.constant 0 : i32
    %dma_wait3A_529 = tpu.memref_slice %arg2[%dma_wait3A_527, %dma_wait3A_528] : memref<1000x1024xf32, #tpu.memory_space<hbm>> -> memref<1000x1024xf32, #tpu.memory_space<hbm>>
    tpu.wait_indirect_dma semaphore(%arg16 : memref<!tpu.dma_semaphore, #tpu.memory_space<semaphore_mem>>) src(%dma_wait3A_529 : memref<1000x1024xf32, #tpu.memory_space<hbm>>) dst(%arg12 : memref<32x1024xf32, #tpu.memory_space<vmem>>)
    %dma_wait3A_530 = arith.constant 0 : i32
    %dma_wait3A_531 = tpu.memref_slice %arg6[%add3A_520, %dma_wait3A_530] : memref<20480x1024xf32, #tpu.memory_space<hbm>> -> memref<32x1024xf32, #tpu.memory_space<hbm>>
    %dma_wait3A_532 = arith.constant 0 : i32
    %dma_wait3A_533 = tpu.memref_slice %arg6[%add3A_520, %dma_wait3A_532] : memref<20480x1024xf32, #tpu.memory_space<hbm>> -> memref<32x1024xf32, #tpu.memory_space<hbm>>
    tpu.wait_dma2 semaphore(%arg18 : memref<!tpu.dma_semaphore, #tpu.memory_space<semaphore_mem>>) src(%arg11 : memref<32x1024xf32, #tpu.memory_space<vmem>>) dst(%dma_wait3A_533 : memref<32x1024xf32, #tpu.memory_space<hbm>>)
    %dma_start3A_534 = arith.constant 384 : i32
    %dma_start3A_535 = tpu.memref_slice %arg8[%dma_start3A_534] : memref<640xi32, #tpu.memory_space<vmem>> -> memref<32xi32, #tpu.memory_space<vmem>>
    %dma_start3A_536 = arith.constant 0 : i32
    %dma_start3A_537 = arith.constant 0 : i32
    %dma_start3A_538 = tpu.memref_slice %arg2[%dma_start3A_536, %dma_start3A_537] : memref<1000x1024xf32, #tpu.memory_space<hbm>> -> memref<1000x1024xf32, #tpu.memory_space<hbm>>
    tpu.enqueue_indirect_dma source(%dma_start3A_538 : memref<1000x1024xf32, #tpu.memory_space<hbm>>) target(%arg11 : memref<32x1024xf32, #tpu.memory_space<vmem>>) offsets(%dma_start3A_535 : memref<32xi32, #tpu.memory_space<vmem>>) semaphore(%arg15 : memref<!tpu.dma_semaphore, #tpu.memory_space<semaphore_mem>>)
    %iota3A_539 = tpu.iota {dimensions = array<i32: 0>} : vector<16xi32>
    %add3A_540 = arith.constant 0 : i32
    %add3A_541 = vector.broadcast %add3A_540 : i32 to vector<16xi32>
    %add3A_542 = arith.addi %iota3A_539, %add3A_541 : vector<16xi32>
    %get3A_543 = arith.constant 320 : index
    %get3A_544 = tpu.vector_load %arg9[%get3A_543] {strides = array<i32>} : memref<640xi32, #tpu.memory_space<vmem>>, vector<16xi32>,
    %gather3A_545 = tpu.vector_load_idx %arg12[%add3A_542, %get3A_544] : memref<32x1024xf32, #tpu.memory_space<vmem>>[vector<16xi32>, vector<16xi32>], vector<16xf32>,
    %get3A_546 = arith.constant 320 : index
    %get3A_547 = tpu.vector_load %arg8[%get3A_546] {strides = array<i32>} : memref<640xi32, #tpu.memory_space<vmem>>, vector<16xi32>,
    %gather3A_548 = tpu.vector_load_idx %arg10[%get3A_547] : memref<1000xf32, #tpu.memory_space<vmem>>[vector<16xi32>], vector<16xf32>,
    %get3A_549 = arith.constant 0 : index
    %get3A_550 = tpu.vector_load %arg14[%get3A_549] {strides = array<i32>} : memref<16xf32, #tpu.memory_space<vmem>>, vector<16xf32>,
    %sub3A_551 = arith.subf %gather3A_548, %gather3A_545 : vector<16xf32>
    %add3A_552 = arith.addf %get3A_550, %sub3A_551 : vector<16xf32>
    %swap3A_553 = arith.constant 0 : index
    %swap3A_554 = tpu.vector_load %arg14[%swap3A_553] {strides = array<i32>} : memref<16xf32, #tpu.memory_space<vmem>>, vector<16xf32>,
    tpu.vector_store %arg14[%swap3A_553], %add3A_552 {strides = array<i32>} : memref<16xf32, #tpu.memory_space<vmem>>, vector<16xf32>,
    %iota3A_555 = tpu.iota {dimensions = array<i32: 0>} : vector<16xi32>
    %add3A_556 = arith.constant 16 : i32
    %add3A_557 = vector.broadcast %add3A_556 : i32 to vector<16xi32>
    %add3A_558 = arith.addi %iota3A_555, %add3A_557 : vector<16xi32>
    %get3A_559 = arith.constant 336 : index
    %get3A_560 = tpu.vector_load %arg9[%get3A_559] {strides = array<i32>} : memref<640xi32, #tpu.memory_space<vmem>>, vector<16xi32>,
    %gather3A_561 = tpu.vector_load_idx %arg12[%add3A_558, %get3A_560] : memref<32x1024xf32, #tpu.memory_space<vmem>>[vector<16xi32>, vector<16xi32>], vector<16xf32>,
    %get3A_562 = arith.constant 336 : index
    %get3A_563 = tpu.vector_load %arg8[%get3A_562] {strides = array<i32>} : memref<640xi32, #tpu.memory_space<vmem>>, vector<16xi32>,
    %gather3A_564 = tpu.vector_load_idx %arg10[%get3A_563] : memref<1000xf32, #tpu.memory_space<vmem>>[vector<16xi32>], vector<16xf32>,
    %get3A_565 = arith.constant 0 : index
    %get3A_566 = tpu.vector_load %arg14[%get3A_565] {strides = array<i32>} : memref<16xf32, #tpu.memory_space<vmem>>, vector<16xf32>,
    %sub3A_567 = arith.subf %gather3A_564, %gather3A_561 : vector<16xf32>
    %add3A_568 = arith.addf %get3A_566, %sub3A_567 : vector<16xf32>
    %swap3A_569 = arith.constant 0 : index
    %swap3A_570 = tpu.vector_load %arg14[%swap3A_569] {strides = array<i32>} : memref<16xf32, #tpu.memory_space<vmem>>, vector<16xf32>,
    tpu.vector_store %arg14[%swap3A_569], %add3A_568 {strides = array<i32>} : memref<16xf32, #tpu.memory_space<vmem>>, vector<16xf32>,
    %add3A_571 = arith.constant 320 : i32
    %add3A_572 = arith.addi %mul3A_2, %add3A_571 : i32
    %dma_start3A_573 = arith.constant 0 : i32
    %dma_start3A_574 = tpu.memref_slice %arg6[%add3A_572, %dma_start3A_573] : memref<20480x1024xf32, #tpu.memory_space<hbm>> -> memref<32x1024xf32, #tpu.memory_space<hbm>>
    %dma_start3A_575 = arith.constant 0 : i32
    %dma_start3A_576 = tpu.memref_slice %arg6[%add3A_572, %dma_start3A_575] : memref<20480x1024xf32, #tpu.memory_space<hbm>> -> memref<32x1024xf32, #tpu.memory_space<hbm>>
    tpu.enqueue_dma source(%arg12 : memref<32x1024xf32, #tpu.memory_space<vmem>>) target(%dma_start3A_576 : memref<32x1024xf32, #tpu.memory_space<hbm>>) target_semaphore(%arg19 : memref<!tpu.dma_semaphore, #tpu.memory_space<semaphore_mem>>)
    %dma_wait3A_577 = arith.constant 352 : i32
    %dma_wait3A_578 = tpu.memref_slice %arg8[%dma_wait3A_577] : memref<640xi32, #tpu.memory_space<vmem>> -> memref<32xi32, #tpu.memory_space<vmem>>
    %dma_wait3A_579 = arith.constant 0 : i32
    %dma_wait3A_580 = arith.constant 0 : i32
    %dma_wait3A_581 = tpu.memref_slice %arg2[%dma_wait3A_579, %dma_wait3A_580] : memref<1000x1024xf32, #tpu.memory_space<hbm>> -> memref<1000x1024xf32, #tpu.memory_space<hbm>>
    tpu.wait_indirect_dma semaphore(%arg17 : memref<!tpu.dma_semaphore, #tpu.memory_space<semaphore_mem>>) src(%dma_wait3A_581 : memref<1000x1024xf32, #tpu.memory_space<hbm>>) dst(%arg13 : memref<32x1024xf32, #tpu.memory_space<vmem>>)
    %dma_wait3A_582 = arith.constant 0 : i32
    %dma_wait3A_583 = tpu.memref_slice %arg6[%add3A_572, %dma_wait3A_582] : memref<20480x1024xf32, #tpu.memory_space<hbm>> -> memref<32x1024xf32, #tpu.memory_space<hbm>>
    %dma_wait3A_584 = arith.constant 0 : i32
    %dma_wait3A_585 = tpu.memref_slice %arg6[%add3A_572, %dma_wait3A_584] : memref<20480x1024xf32, #tpu.memory_space<hbm>> -> memref<32x1024xf32, #tpu.memory_space<hbm>>
    tpu.wait_dma2 semaphore(%arg19 : memref<!tpu.dma_semaphore, #tpu.memory_space<semaphore_mem>>) src(%arg12 : memref<32x1024xf32, #tpu.memory_space<vmem>>) dst(%dma_wait3A_585 : memref<32x1024xf32, #tpu.memory_space<hbm>>)
    %dma_start3A_586 = arith.constant 416 : i32
    %dma_start3A_587 = tpu.memref_slice %arg8[%dma_start3A_586] : memref<640xi32, #tpu.memory_space<vmem>> -> memref<32xi32, #tpu.memory_space<vmem>>
    %dma_start3A_588 = arith.constant 0 : i32
    %dma_start3A_589 = arith.constant 0 : i32
    %dma_start3A_590 = tpu.memref_slice %arg2[%dma_start3A_588, %dma_start3A_589] : memref<1000x1024xf32, #tpu.memory_space<hbm>> -> memref<1000x1024xf32, #tpu.memory_space<hbm>>
    tpu.enqueue_indirect_dma source(%dma_start3A_590 : memref<1000x1024xf32, #tpu.memory_space<hbm>>) target(%arg12 : memref<32x1024xf32, #tpu.memory_space<vmem>>) offsets(%dma_start3A_587 : memref<32xi32, #tpu.memory_space<vmem>>) semaphore(%arg16 : memref<!tpu.dma_semaphore, #tpu.memory_space<semaphore_mem>>)
    %iota3A_591 = tpu.iota {dimensions = array<i32: 0>} : vector<16xi32>
    %add3A_592 = arith.constant 0 : i32
    %add3A_593 = vector.broadcast %add3A_592 : i32 to vector<16xi32>
    %add3A_594 = arith.addi %iota3A_591, %add3A_593 : vector<16xi32>
    %get3A_595 = arith.constant 352 : index
    %get3A_596 = tpu.vector_load %arg9[%get3A_595] {strides = array<i32>} : memref<640xi32, #tpu.memory_space<vmem>>, vector<16xi32>,
    %gather3A_597 = tpu.vector_load_idx %arg13[%add3A_594, %get3A_596] : memref<32x1024xf32, #tpu.memory_space<vmem>>[vector<16xi32>, vector<16xi32>], vector<16xf32>,
    %get3A_598 = arith.constant 352 : index
    %get3A_599 = tpu.vector_load %arg8[%get3A_598] {strides = array<i32>} : memref<640xi32, #tpu.memory_space<vmem>>, vector<16xi32>,
    %gather3A_600 = tpu.vector_load_idx %arg10[%get3A_599] : memref<1000xf32, #tpu.memory_space<vmem>>[vector<16xi32>], vector<16xf32>,
    %get3A_601 = arith.constant 0 : index
    %get3A_602 = tpu.vector_load %arg14[%get3A_601] {strides = array<i32>} : memref<16xf32, #tpu.memory_space<vmem>>, vector<16xf32>,
    %sub3A_603 = arith.subf %gather3A_600, %gather3A_597 : vector<16xf32>
    %add3A_604 = arith.addf %get3A_602, %sub3A_603 : vector<16xf32>
    %swap3A_605 = arith.constant 0 : index
    %swap3A_606 = tpu.vector_load %arg14[%swap3A_605] {strides = array<i32>} : memref<16xf32, #tpu.memory_space<vmem>>, vector<16xf32>,
    tpu.vector_store %arg14[%swap3A_605], %add3A_604 {strides = array<i32>} : memref<16xf32, #tpu.memory_space<vmem>>, vector<16xf32>,
    %iota3A_607 = tpu.iota {dimensions = array<i32: 0>} : vector<16xi32>
    %add3A_608 = arith.constant 16 : i32
    %add3A_609 = vector.broadcast %add3A_608 : i32 to vector<16xi32>
    %add3A_610 = arith.addi %iota3A_607, %add3A_609 : vector<16xi32>
    %get3A_611 = arith.constant 368 : index
    %get3A_612 = tpu.vector_load %arg9[%get3A_611] {strides = array<i32>} : memref<640xi32, #tpu.memory_space<vmem>>, vector<16xi32>,
    %gather3A_613 = tpu.vector_load_idx %arg13[%add3A_610, %get3A_612] : memref<32x1024xf32, #tpu.memory_space<vmem>>[vector<16xi32>, vector<16xi32>], vector<16xf32>,
    %get3A_614 = arith.constant 368 : index
    %get3A_615 = tpu.vector_load %arg8[%get3A_614] {strides = array<i32>} : memref<640xi32, #tpu.memory_space<vmem>>, vector<16xi32>,
    %gather3A_616 = tpu.vector_load_idx %arg10[%get3A_615] : memref<1000xf32, #tpu.memory_space<vmem>>[vector<16xi32>], vector<16xf32>,
    %get3A_617 = arith.constant 0 : index
    %get3A_618 = tpu.vector_load %arg14[%get3A_617] {strides = array<i32>} : memref<16xf32, #tpu.memory_space<vmem>>, vector<16xf32>,
    %sub3A_619 = arith.subf %gather3A_616, %gather3A_613 : vector<16xf32>
    %add3A_620 = arith.addf %get3A_618, %sub3A_619 : vector<16xf32>
    %swap3A_621 = arith.constant 0 : index
    %swap3A_622 = tpu.vector_load %arg14[%swap3A_621] {strides = array<i32>} : memref<16xf32, #tpu.memory_space<vmem>>, vector<16xf32>,
    tpu.vector_store %arg14[%swap3A_621], %add3A_620 {strides = array<i32>} : memref<16xf32, #tpu.memory_space<vmem>>, vector<16xf32>,
    %add3A_623 = arith.constant 352 : i32
    %add3A_624 = arith.addi %mul3A_2, %add3A_623 : i32
    %dma_start3A_625 = arith.constant 0 : i32
    %dma_start3A_626 = tpu.memref_slice %arg6[%add3A_624, %dma_start3A_625] : memref<20480x1024xf32, #tpu.memory_space<hbm>> -> memref<32x1024xf32, #tpu.memory_space<hbm>>
    %dma_start3A_627 = arith.constant 0 : i32
    %dma_start3A_628 = tpu.memref_slice %arg6[%add3A_624, %dma_start3A_627] : memref<20480x1024xf32, #tpu.memory_space<hbm>> -> memref<32x1024xf32, #tpu.memory_space<hbm>>
    tpu.enqueue_dma source(%arg13 : memref<32x1024xf32, #tpu.memory_space<vmem>>) target(%dma_start3A_628 : memref<32x1024xf32, #tpu.memory_space<hbm>>) target_semaphore(%arg20 : memref<!tpu.dma_semaphore, #tpu.memory_space<semaphore_mem>>)
    %dma_wait3A_629 = arith.constant 384 : i32
    %dma_wait3A_630 = tpu.memref_slice %arg8[%dma_wait3A_629] : memref<640xi32, #tpu.memory_space<vmem>> -> memref<32xi32, #tpu.memory_space<vmem>>
    %dma_wait3A_631 = arith.constant 0 : i32
    %dma_wait3A_632 = arith.constant 0 : i32
    %dma_wait3A_633 = tpu.memref_slice %arg2[%dma_wait3A_631, %dma_wait3A_632] : memref<1000x1024xf32, #tpu.memory_space<hbm>> -> memref<1000x1024xf32, #tpu.memory_space<hbm>>
    tpu.wait_indirect_dma semaphore(%arg15 : memref<!tpu.dma_semaphore, #tpu.memory_space<semaphore_mem>>) src(%dma_wait3A_633 : memref<1000x1024xf32, #tpu.memory_space<hbm>>) dst(%arg11 : memref<32x1024xf32, #tpu.memory_space<vmem>>)
    %dma_wait3A_634 = arith.constant 0 : i32
    %dma_wait3A_635 = tpu.memref_slice %arg6[%add3A_624, %dma_wait3A_634] : memref<20480x1024xf32, #tpu.memory_space<hbm>> -> memref<32x1024xf32, #tpu.memory_space<hbm>>
    %dma_wait3A_636 = arith.constant 0 : i32
    %dma_wait3A_637 = tpu.memref_slice %arg6[%add3A_624, %dma_wait3A_636] : memref<20480x1024xf32, #tpu.memory_space<hbm>> -> memref<32x1024xf32, #tpu.memory_space<hbm>>
    tpu.wait_dma2 semaphore(%arg20 : memref<!tpu.dma_semaphore, #tpu.memory_space<semaphore_mem>>) src(%arg13 : memref<32x1024xf32, #tpu.memory_space<vmem>>) dst(%dma_wait3A_637 : memref<32x1024xf32, #tpu.memory_space<hbm>>)
    %dma_start3A_638 = arith.constant 448 : i32
    %dma_start3A_639 = tpu.memref_slice %arg8[%dma_start3A_638] : memref<640xi32, #tpu.memory_space<vmem>> -> memref<32xi32, #tpu.memory_space<vmem>>
    %dma_start3A_640 = arith.constant 0 : i32
    %dma_start3A_641 = arith.constant 0 : i32
    %dma_start3A_642 = tpu.memref_slice %arg2[%dma_start3A_640, %dma_start3A_641] : memref<1000x1024xf32, #tpu.memory_space<hbm>> -> memref<1000x1024xf32, #tpu.memory_space<hbm>>
    tpu.enqueue_indirect_dma source(%dma_start3A_642 : memref<1000x1024xf32, #tpu.memory_space<hbm>>) target(%arg13 : memref<32x1024xf32, #tpu.memory_space<vmem>>) offsets(%dma_start3A_639 : memref<32xi32, #tpu.memory_space<vmem>>) semaphore(%arg17 : memref<!tpu.dma_semaphore, #tpu.memory_space<semaphore_mem>>)
    %iota3A_643 = tpu.iota {dimensions = array<i32: 0>} : vector<16xi32>
    %add3A_644 = arith.constant 0 : i32
    %add3A_645 = vector.broadcast %add3A_644 : i32 to vector<16xi32>
    %add3A_646 = arith.addi %iota3A_643, %add3A_645 : vector<16xi32>
    %get3A_647 = arith.constant 384 : index
    %get3A_648 = tpu.vector_load %arg9[%get3A_647] {strides = array<i32>} : memref<640xi32, #tpu.memory_space<vmem>>, vector<16xi32>,
    %gather3A_649 = tpu.vector_load_idx %arg11[%add3A_646, %get3A_648] : memref<32x1024xf32, #tpu.memory_space<vmem>>[vector<16xi32>, vector<16xi32>], vector<16xf32>,
    %get3A_650 = arith.constant 384 : index
    %get3A_651 = tpu.vector_load %arg8[%get3A_650] {strides = array<i32>} : memref<640xi32, #tpu.memory_space<vmem>>, vector<16xi32>,
    %gather3A_652 = tpu.vector_load_idx %arg10[%get3A_651] : memref<1000xf32, #tpu.memory_space<vmem>>[vector<16xi32>], vector<16xf32>,
    %get3A_653 = arith.constant 0 : index
    %get3A_654 = tpu.vector_load %arg14[%get3A_653] {strides = array<i32>} : memref<16xf32, #tpu.memory_space<vmem>>, vector<16xf32>,
    %sub3A_655 = arith.subf %gather3A_652, %gather3A_649 : vector<16xf32>
    %add3A_656 = arith.addf %get3A_654, %sub3A_655 : vector<16xf32>
    %swap3A_657 = arith.constant 0 : index
    %swap3A_658 = tpu.vector_load %arg14[%swap3A_657] {strides = array<i32>} : memref<16xf32, #tpu.memory_space<vmem>>, vector<16xf32>,
    tpu.vector_store %arg14[%swap3A_657], %add3A_656 {strides = array<i32>} : memref<16xf32, #tpu.memory_space<vmem>>, vector<16xf32>,
    %iota3A_659 = tpu.iota {dimensions = array<i32: 0>} : vector<16xi32>
    %add3A_660 = arith.constant 16 : i32
    %add3A_661 = vector.broadcast %add3A_660 : i32 to vector<16xi32>
    %add3A_662 = arith.addi %iota3A_659, %add3A_661 : vector<16xi32>
    %get3A_663 = arith.constant 400 : index
    %get3A_664 = tpu.vector_load %arg9[%get3A_663] {strides = array<i32>} : memref<640xi32, #tpu.memory_space<vmem>>, vector<16xi32>,
    %gather3A_665 = tpu.vector_load_idx %arg11[%add3A_662, %get3A_664] : memref<32x1024xf32, #tpu.memory_space<vmem>>[vector<16xi32>, vector<16xi32>], vector<16xf32>,
    %get3A_666 = arith.constant 400 : index
    %get3A_667 = tpu.vector_load %arg8[%get3A_666] {strides = array<i32>} : memref<640xi32, #tpu.memory_space<vmem>>, vector<16xi32>,
    %gather3A_668 = tpu.vector_load_idx %arg10[%get3A_667] : memref<1000xf32, #tpu.memory_space<vmem>>[vector<16xi32>], vector<16xf32>,
    %get3A_669 = arith.constant 0 : index
    %get3A_670 = tpu.vector_load %arg14[%get3A_669] {strides = array<i32>} : memref<16xf32, #tpu.memory_space<vmem>>, vector<16xf32>,
    %sub3A_671 = arith.subf %gather3A_668, %gather3A_665 : vector<16xf32>
    %add3A_672 = arith.addf %get3A_670, %sub3A_671 : vector<16xf32>
    %swap3A_673 = arith.constant 0 : index
    %swap3A_674 = tpu.vector_load %arg14[%swap3A_673] {strides = array<i32>} : memref<16xf32, #tpu.memory_space<vmem>>, vector<16xf32>,
    tpu.vector_store %arg14[%swap3A_673], %add3A_672 {strides = array<i32>} : memref<16xf32, #tpu.memory_space<vmem>>, vector<16xf32>,
    %add3A_675 = arith.constant 384 : i32
    %add3A_676 = arith.addi %mul3A_2, %add3A_675 : i32
    %dma_start3A_677 = arith.constant 0 : i32
    %dma_start3A_678 = tpu.memref_slice %arg6[%add3A_676, %dma_start3A_677] : memref<20480x1024xf32, #tpu.memory_space<hbm>> -> memref<32x1024xf32, #tpu.memory_space<hbm>>
    %dma_start3A_679 = arith.constant 0 : i32
    %dma_start3A_680 = tpu.memref_slice %arg6[%add3A_676, %dma_start3A_679] : memref<20480x1024xf32, #tpu.memory_space<hbm>> -> memref<32x1024xf32, #tpu.memory_space<hbm>>
    tpu.enqueue_dma source(%arg11 : memref<32x1024xf32, #tpu.memory_space<vmem>>) target(%dma_start3A_680 : memref<32x1024xf32, #tpu.memory_space<hbm>>) target_semaphore(%arg18 : memref<!tpu.dma_semaphore, #tpu.memory_space<semaphore_mem>>)
    %dma_wait3A_681 = arith.constant 416 : i32
    %dma_wait3A_682 = tpu.memref_slice %arg8[%dma_wait3A_681] : memref<640xi32, #tpu.memory_space<vmem>> -> memref<32xi32, #tpu.memory_space<vmem>>
    %dma_wait3A_683 = arith.constant 0 : i32
    %dma_wait3A_684 = arith.constant 0 : i32
    %dma_wait3A_685 = tpu.memref_slice %arg2[%dma_wait3A_683, %dma_wait3A_684] : memref<1000x1024xf32, #tpu.memory_space<hbm>> -> memref<1000x1024xf32, #tpu.memory_space<hbm>>
    tpu.wait_indirect_dma semaphore(%arg16 : memref<!tpu.dma_semaphore, #tpu.memory_space<semaphore_mem>>) src(%dma_wait3A_685 : memref<1000x1024xf32, #tpu.memory_space<hbm>>) dst(%arg12 : memref<32x1024xf32, #tpu.memory_space<vmem>>)
    %dma_wait3A_686 = arith.constant 0 : i32
    %dma_wait3A_687 = tpu.memref_slice %arg6[%add3A_676, %dma_wait3A_686] : memref<20480x1024xf32, #tpu.memory_space<hbm>> -> memref<32x1024xf32, #tpu.memory_space<hbm>>
    %dma_wait3A_688 = arith.constant 0 : i32
    %dma_wait3A_689 = tpu.memref_slice %arg6[%add3A_676, %dma_wait3A_688] : memref<20480x1024xf32, #tpu.memory_space<hbm>> -> memref<32x1024xf32, #tpu.memory_space<hbm>>
    tpu.wait_dma2 semaphore(%arg18 : memref<!tpu.dma_semaphore, #tpu.memory_space<semaphore_mem>>) src(%arg11 : memref<32x1024xf32, #tpu.memory_space<vmem>>) dst(%dma_wait3A_689 : memref<32x1024xf32, #tpu.memory_space<hbm>>)
    %dma_start3A_690 = arith.constant 480 : i32
    %dma_start3A_691 = tpu.memref_slice %arg8[%dma_start3A_690] : memref<640xi32, #tpu.memory_space<vmem>> -> memref<32xi32, #tpu.memory_space<vmem>>
    %dma_start3A_692 = arith.constant 0 : i32
    %dma_start3A_693 = arith.constant 0 : i32
    %dma_start3A_694 = tpu.memref_slice %arg2[%dma_start3A_692, %dma_start3A_693] : memref<1000x1024xf32, #tpu.memory_space<hbm>> -> memref<1000x1024xf32, #tpu.memory_space<hbm>>
    tpu.enqueue_indirect_dma source(%dma_start3A_694 : memref<1000x1024xf32, #tpu.memory_space<hbm>>) target(%arg11 : memref<32x1024xf32, #tpu.memory_space<vmem>>) offsets(%dma_start3A_691 : memref<32xi32, #tpu.memory_space<vmem>>) semaphore(%arg15 : memref<!tpu.dma_semaphore, #tpu.memory_space<semaphore_mem>>)
    %iota3A_695 = tpu.iota {dimensions = array<i32: 0>} : vector<16xi32>
    %add3A_696 = arith.constant 0 : i32
    %add3A_697 = vector.broadcast %add3A_696 : i32 to vector<16xi32>
    %add3A_698 = arith.addi %iota3A_695, %add3A_697 : vector<16xi32>
    %get3A_699 = arith.constant 416 : index
    %get3A_700 = tpu.vector_load %arg9[%get3A_699] {strides = array<i32>} : memref<640xi32, #tpu.memory_space<vmem>>, vector<16xi32>,
    %gather3A_701 = tpu.vector_load_idx %arg12[%add3A_698, %get3A_700] : memref<32x1024xf32, #tpu.memory_space<vmem>>[vector<16xi32>, vector<16xi32>], vector<16xf32>,
    %get3A_702 = arith.constant 416 : index
    %get3A_703 = tpu.vector_load %arg8[%get3A_702] {strides = array<i32>} : memref<640xi32, #tpu.memory_space<vmem>>, vector<16xi32>,
    %gather3A_704 = tpu.vector_load_idx %arg10[%get3A_703] : memref<1000xf32, #tpu.memory_space<vmem>>[vector<16xi32>], vector<16xf32>,
    %get3A_705 = arith.constant 0 : index
    %get3A_706 = tpu.vector_load %arg14[%get3A_705] {strides = array<i32>} : memref<16xf32, #tpu.memory_space<vmem>>, vector<16xf32>,
    %sub3A_707 = arith.subf %gather3A_704, %gather3A_701 : vector<16xf32>
    %add3A_708 = arith.addf %get3A_706, %sub3A_707 : vector<16xf32>
    %swap3A_709 = arith.constant 0 : index
    %swap3A_710 = tpu.vector_load %arg14[%swap3A_709] {strides = array<i32>} : memref<16xf32, #tpu.memory_space<vmem>>, vector<16xf32>,
    tpu.vector_store %arg14[%swap3A_709], %add3A_708 {strides = array<i32>} : memref<16xf32, #tpu.memory_space<vmem>>, vector<16xf32>,
    %iota3A_711 = tpu.iota {dimensions = array<i32: 0>} : vector<16xi32>
    %add3A_712 = arith.constant 16 : i32
    %add3A_713 = vector.broadcast %add3A_712 : i32 to vector<16xi32>
    %add3A_714 = arith.addi %iota3A_711, %add3A_713 : vector<16xi32>
    %get3A_715 = arith.constant 432 : index
    %get3A_716 = tpu.vector_load %arg9[%get3A_715] {strides = array<i32>} : memref<640xi32, #tpu.memory_space<vmem>>, vector<16xi32>,
    %gather3A_717 = tpu.vector_load_idx %arg12[%add3A_714, %get3A_716] : memref<32x1024xf32, #tpu.memory_space<vmem>>[vector<16xi32>, vector<16xi32>], vector<16xf32>,
    %get3A_718 = arith.constant 432 : index
    %get3A_719 = tpu.vector_load %arg8[%get3A_718] {strides = array<i32>} : memref<640xi32, #tpu.memory_space<vmem>>, vector<16xi32>,
    %gather3A_720 = tpu.vector_load_idx %arg10[%get3A_719] : memref<1000xf32, #tpu.memory_space<vmem>>[vector<16xi32>], vector<16xf32>,
    %get3A_721 = arith.constant 0 : index
    %get3A_722 = tpu.vector_load %arg14[%get3A_721] {strides = array<i32>} : memref<16xf32, #tpu.memory_space<vmem>>, vector<16xf32>,
    %sub3A_723 = arith.subf %gather3A_720, %gather3A_717 : vector<16xf32>
    %add3A_724 = arith.addf %get3A_722, %sub3A_723 : vector<16xf32>
    %swap3A_725 = arith.constant 0 : index
    %swap3A_726 = tpu.vector_load %arg14[%swap3A_725] {strides = array<i32>} : memref<16xf32, #tpu.memory_space<vmem>>, vector<16xf32>,
    tpu.vector_store %arg14[%swap3A_725], %add3A_724 {strides = array<i32>} : memref<16xf32, #tpu.memory_space<vmem>>, vector<16xf32>,
    %add3A_727 = arith.constant 416 : i32
    %add3A_728 = arith.addi %mul3A_2, %add3A_727 : i32
    %dma_start3A_729 = arith.constant 0 : i32
    %dma_start3A_730 = tpu.memref_slice %arg6[%add3A_728, %dma_start3A_729] : memref<20480x1024xf32, #tpu.memory_space<hbm>> -> memref<32x1024xf32, #tpu.memory_space<hbm>>
    %dma_start3A_731 = arith.constant 0 : i32
    %dma_start3A_732 = tpu.memref_slice %arg6[%add3A_728, %dma_start3A_731] : memref<20480x1024xf32, #tpu.memory_space<hbm>> -> memref<32x1024xf32, #tpu.memory_space<hbm>>
    tpu.enqueue_dma source(%arg12 : memref<32x1024xf32, #tpu.memory_space<vmem>>) target(%dma_start3A_732 : memref<32x1024xf32, #tpu.memory_space<hbm>>) target_semaphore(%arg19 : memref<!tpu.dma_semaphore, #tpu.memory_space<semaphore_mem>>)
    %dma_wait3A_733 = arith.constant 448 : i32
    %dma_wait3A_734 = tpu.memref_slice %arg8[%dma_wait3A_733] : memref<640xi32, #tpu.memory_space<vmem>> -> memref<32xi32, #tpu.memory_space<vmem>>
    %dma_wait3A_735 = arith.constant 0 : i32
    %dma_wait3A_736 = arith.constant 0 : i32
    %dma_wait3A_737 = tpu.memref_slice %arg2[%dma_wait3A_735, %dma_wait3A_736] : memref<1000x1024xf32, #tpu.memory_space<hbm>> -> memref<1000x1024xf32, #tpu.memory_space<hbm>>
    tpu.wait_indirect_dma semaphore(%arg17 : memref<!tpu.dma_semaphore, #tpu.memory_space<semaphore_mem>>) src(%dma_wait3A_737 : memref<1000x1024xf32, #tpu.memory_space<hbm>>) dst(%arg13 : memref<32x1024xf32, #tpu.memory_space<vmem>>)
    %dma_wait3A_738 = arith.constant 0 : i32
    %dma_wait3A_739 = tpu.memref_slice %arg6[%add3A_728, %dma_wait3A_738] : memref<20480x1024xf32, #tpu.memory_space<hbm>> -> memref<32x1024xf32, #tpu.memory_space<hbm>>
    %dma_wait3A_740 = arith.constant 0 : i32
    %dma_wait3A_741 = tpu.memref_slice %arg6[%add3A_728, %dma_wait3A_740] : memref<20480x1024xf32, #tpu.memory_space<hbm>> -> memref<32x1024xf32, #tpu.memory_space<hbm>>
    tpu.wait_dma2 semaphore(%arg19 : memref<!tpu.dma_semaphore, #tpu.memory_space<semaphore_mem>>) src(%arg12 : memref<32x1024xf32, #tpu.memory_space<vmem>>) dst(%dma_wait3A_741 : memref<32x1024xf32, #tpu.memory_space<hbm>>)
    %dma_start3A_742 = arith.constant 512 : i32
    %dma_start3A_743 = tpu.memref_slice %arg8[%dma_start3A_742] : memref<640xi32, #tpu.memory_space<vmem>> -> memref<32xi32, #tpu.memory_space<vmem>>
    %dma_start3A_744 = arith.constant 0 : i32
    %dma_start3A_745 = arith.constant 0 : i32
    %dma_start3A_746 = tpu.memref_slice %arg2[%dma_start3A_744, %dma_start3A_745] : memref<1000x1024xf32, #tpu.memory_space<hbm>> -> memref<1000x1024xf32, #tpu.memory_space<hbm>>
    tpu.enqueue_indirect_dma source(%dma_start3A_746 : memref<1000x1024xf32, #tpu.memory_space<hbm>>) target(%arg12 : memref<32x1024xf32, #tpu.memory_space<vmem>>) offsets(%dma_start3A_743 : memref<32xi32, #tpu.memory_space<vmem>>) semaphore(%arg16 : memref<!tpu.dma_semaphore, #tpu.memory_space<semaphore_mem>>)
    %iota3A_747 = tpu.iota {dimensions = array<i32: 0>} : vector<16xi32>
    %add3A_748 = arith.constant 0 : i32
    %add3A_749 = vector.broadcast %add3A_748 : i32 to vector<16xi32>
    %add3A_750 = arith.addi %iota3A_747, %add3A_749 : vector<16xi32>
    %get3A_751 = arith.constant 448 : index
    %get3A_752 = tpu.vector_load %arg9[%get3A_751] {strides = array<i32>} : memref<640xi32, #tpu.memory_space<vmem>>, vector<16xi32>,
    %gather3A_753 = tpu.vector_load_idx %arg13[%add3A_750, %get3A_752] : memref<32x1024xf32, #tpu.memory_space<vmem>>[vector<16xi32>, vector<16xi32>], vector<16xf32>,
    %get3A_754 = arith.constant 448 : index
    %get3A_755 = tpu.vector_load %arg8[%get3A_754] {strides = array<i32>} : memref<640xi32, #tpu.memory_space<vmem>>, vector<16xi32>,
    %gather3A_756 = tpu.vector_load_idx %arg10[%get3A_755] : memref<1000xf32, #tpu.memory_space<vmem>>[vector<16xi32>], vector<16xf32>,
    %get3A_757 = arith.constant 0 : index
    %get3A_758 = tpu.vector_load %arg14[%get3A_757] {strides = array<i32>} : memref<16xf32, #tpu.memory_space<vmem>>, vector<16xf32>,
    %sub3A_759 = arith.subf %gather3A_756, %gather3A_753 : vector<16xf32>
    %add3A_760 = arith.addf %get3A_758, %sub3A_759 : vector<16xf32>
    %swap3A_761 = arith.constant 0 : index
    %swap3A_762 = tpu.vector_load %arg14[%swap3A_761] {strides = array<i32>} : memref<16xf32, #tpu.memory_space<vmem>>, vector<16xf32>,
    tpu.vector_store %arg14[%swap3A_761], %add3A_760 {strides = array<i32>} : memref<16xf32, #tpu.memory_space<vmem>>, vector<16xf32>,
    %iota3A_763 = tpu.iota {dimensions = array<i32: 0>} : vector<16xi32>
    %add3A_764 = arith.constant 16 : i32
    %add3A_765 = vector.broadcast %add3A_764 : i32 to vector<16xi32>
    %add3A_766 = arith.addi %iota3A_763, %add3A_765 : vector<16xi32>
    %get3A_767 = arith.constant 464 : index
    %get3A_768 = tpu.vector_load %arg9[%get3A_767] {strides = array<i32>} : memref<640xi32, #tpu.memory_space<vmem>>, vector<16xi32>,
    %gather3A_769 = tpu.vector_load_idx %arg13[%add3A_766, %get3A_768] : memref<32x1024xf32, #tpu.memory_space<vmem>>[vector<16xi32>, vector<16xi32>], vector<16xf32>,
    %get3A_770 = arith.constant 464 : index
    %get3A_771 = tpu.vector_load %arg8[%get3A_770] {strides = array<i32>} : memref<640xi32, #tpu.memory_space<vmem>>, vector<16xi32>,
    %gather3A_772 = tpu.vector_load_idx %arg10[%get3A_771] : memref<1000xf32, #tpu.memory_space<vmem>>[vector<16xi32>], vector<16xf32>,
    %get3A_773 = arith.constant 0 : index
    %get3A_774 = tpu.vector_load %arg14[%get3A_773] {strides = array<i32>} : memref<16xf32, #tpu.memory_space<vmem>>, vector<16xf32>,
    %sub3A_775 = arith.subf %gather3A_772, %gather3A_769 : vector<16xf32>
    %add3A_776 = arith.addf %get3A_774, %sub3A_775 : vector<16xf32>
    %swap3A_777 = arith.constant 0 : index
    %swap3A_778 = tpu.vector_load %arg14[%swap3A_777] {strides = array<i32>} : memref<16xf32, #tpu.memory_space<vmem>>, vector<16xf32>,
    tpu.vector_store %arg14[%swap3A_777], %add3A_776 {strides = array<i32>} : memref<16xf32, #tpu.memory_space<vmem>>, vector<16xf32>,
    %add3A_779 = arith.constant 448 : i32
    %add3A_780 = arith.addi %mul3A_2, %add3A_779 : i32
    %dma_start3A_781 = arith.constant 0 : i32
    %dma_start3A_782 = tpu.memref_slice %arg6[%add3A_780, %dma_start3A_781] : memref<20480x1024xf32, #tpu.memory_space<hbm>> -> memref<32x1024xf32, #tpu.memory_space<hbm>>
    %dma_start3A_783 = arith.constant 0 : i32
    %dma_start3A_784 = tpu.memref_slice %arg6[%add3A_780, %dma_start3A_783] : memref<20480x1024xf32, #tpu.memory_space<hbm>> -> memref<32x1024xf32, #tpu.memory_space<hbm>>
    tpu.enqueue_dma source(%arg13 : memref<32x1024xf32, #tpu.memory_space<vmem>>) target(%dma_start3A_784 : memref<32x1024xf32, #tpu.memory_space<hbm>>) target_semaphore(%arg20 : memref<!tpu.dma_semaphore, #tpu.memory_space<semaphore_mem>>)
    %dma_wait3A_785 = arith.constant 480 : i32
    %dma_wait3A_786 = tpu.memref_slice %arg8[%dma_wait3A_785] : memref<640xi32, #tpu.memory_space<vmem>> -> memref<32xi32, #tpu.memory_space<vmem>>
    %dma_wait3A_787 = arith.constant 0 : i32
    %dma_wait3A_788 = arith.constant 0 : i32
    %dma_wait3A_789 = tpu.memref_slice %arg2[%dma_wait3A_787, %dma_wait3A_788] : memref<1000x1024xf32, #tpu.memory_space<hbm>> -> memref<1000x1024xf32, #tpu.memory_space<hbm>>
    tpu.wait_indirect_dma semaphore(%arg15 : memref<!tpu.dma_semaphore, #tpu.memory_space<semaphore_mem>>) src(%dma_wait3A_789 : memref<1000x1024xf32, #tpu.memory_space<hbm>>) dst(%arg11 : memref<32x1024xf32, #tpu.memory_space<vmem>>)
    %dma_wait3A_790 = arith.constant 0 : i32
    %dma_wait3A_791 = tpu.memref_slice %arg6[%add3A_780, %dma_wait3A_790] : memref<20480x1024xf32, #tpu.memory_space<hbm>> -> memref<32x1024xf32, #tpu.memory_space<hbm>>
    %dma_wait3A_792 = arith.constant 0 : i32
    %dma_wait3A_793 = tpu.memref_slice %arg6[%add3A_780, %dma_wait3A_792] : memref<20480x1024xf32, #tpu.memory_space<hbm>> -> memref<32x1024xf32, #tpu.memory_space<hbm>>
    tpu.wait_dma2 semaphore(%arg20 : memref<!tpu.dma_semaphore, #tpu.memory_space<semaphore_mem>>) src(%arg13 : memref<32x1024xf32, #tpu.memory_space<vmem>>) dst(%dma_wait3A_793 : memref<32x1024xf32, #tpu.memory_space<hbm>>)
    %dma_start3A_794 = arith.constant 544 : i32
    %dma_start3A_795 = tpu.memref_slice %arg8[%dma_start3A_794] : memref<640xi32, #tpu.memory_space<vmem>> -> memref<32xi32, #tpu.memory_space<vmem>>
    %dma_start3A_796 = arith.constant 0 : i32
    %dma_start3A_797 = arith.constant 0 : i32
    %dma_start3A_798 = tpu.memref_slice %arg2[%dma_start3A_796, %dma_start3A_797] : memref<1000x1024xf32, #tpu.memory_space<hbm>> -> memref<1000x1024xf32, #tpu.memory_space<hbm>>
    tpu.enqueue_indirect_dma source(%dma_start3A_798 : memref<1000x1024xf32, #tpu.memory_space<hbm>>) target(%arg13 : memref<32x1024xf32, #tpu.memory_space<vmem>>) offsets(%dma_start3A_795 : memref<32xi32, #tpu.memory_space<vmem>>) semaphore(%arg17 : memref<!tpu.dma_semaphore, #tpu.memory_space<semaphore_mem>>)
    %iota3A_799 = tpu.iota {dimensions = array<i32: 0>} : vector<16xi32>
    %add3A_800 = arith.constant 0 : i32
    %add3A_801 = vector.broadcast %add3A_800 : i32 to vector<16xi32>
    %add3A_802 = arith.addi %iota3A_799, %add3A_801 : vector<16xi32>
    %get3A_803 = arith.constant 480 : index
    %get3A_804 = tpu.vector_load %arg9[%get3A_803] {strides = array<i32>} : memref<640xi32, #tpu.memory_space<vmem>>, vector<16xi32>,
    %gather3A_805 = tpu.vector_load_idx %arg11[%add3A_802, %get3A_804] : memref<32x1024xf32, #tpu.memory_space<vmem>>[vector<16xi32>, vector<16xi32>], vector<16xf32>,
    %get3A_806 = arith.constant 480 : index
    %get3A_807 = tpu.vector_load %arg8[%get3A_806] {strides = array<i32>} : memref<640xi32, #tpu.memory_space<vmem>>, vector<16xi32>,
    %gather3A_808 = tpu.vector_load_idx %arg10[%get3A_807] : memref<1000xf32, #tpu.memory_space<vmem>>[vector<16xi32>], vector<16xf32>,
    %get3A_809 = arith.constant 0 : index
    %get3A_810 = tpu.vector_load %arg14[%get3A_809] {strides = array<i32>} : memref<16xf32, #tpu.memory_space<vmem>>, vector<16xf32>,
    %sub3A_811 = arith.subf %gather3A_808, %gather3A_805 : vector<16xf32>
    %add3A_812 = arith.addf %get3A_810, %sub3A_811 : vector<16xf32>
    %swap3A_813 = arith.constant 0 : index
    %swap3A_814 = tpu.vector_load %arg14[%swap3A_813] {strides = array<i32>} : memref<16xf32, #tpu.memory_space<vmem>>, vector<16xf32>,
    tpu.vector_store %arg14[%swap3A_813], %add3A_812 {strides = array<i32>} : memref<16xf32, #tpu.memory_space<vmem>>, vector<16xf32>,
    %iota3A_815 = tpu.iota {dimensions = array<i32: 0>} : vector<16xi32>
    %add3A_816 = arith.constant 16 : i32
    %add3A_817 = vector.broadcast %add3A_816 : i32 to vector<16xi32>
    %add3A_818 = arith.addi %iota3A_815, %add3A_817 : vector<16xi32>
    %get3A_819 = arith.constant 496 : index
    %get3A_820 = tpu.vector_load %arg9[%get3A_819] {strides = array<i32>} : memref<640xi32, #tpu.memory_space<vmem>>, vector<16xi32>,
    %gather3A_821 = tpu.vector_load_idx %arg11[%add3A_818, %get3A_820] : memref<32x1024xf32, #tpu.memory_space<vmem>>[vector<16xi32>, vector<16xi32>], vector<16xf32>,
    %get3A_822 = arith.constant 496 : index
    %get3A_823 = tpu.vector_load %arg8[%get3A_822] {strides = array<i32>} : memref<640xi32, #tpu.memory_space<vmem>>, vector<16xi32>,
    %gather3A_824 = tpu.vector_load_idx %arg10[%get3A_823] : memref<1000xf32, #tpu.memory_space<vmem>>[vector<16xi32>], vector<16xf32>,
    %get3A_825 = arith.constant 0 : index
    %get3A_826 = tpu.vector_load %arg14[%get3A_825] {strides = array<i32>} : memref<16xf32, #tpu.memory_space<vmem>>, vector<16xf32>,
    %sub3A_827 = arith.subf %gather3A_824, %gather3A_821 : vector<16xf32>
    %add3A_828 = arith.addf %get3A_826, %sub3A_827 : vector<16xf32>
    %swap3A_829 = arith.constant 0 : index
    %swap3A_830 = tpu.vector_load %arg14[%swap3A_829] {strides = array<i32>} : memref<16xf32, #tpu.memory_space<vmem>>, vector<16xf32>,
    tpu.vector_store %arg14[%swap3A_829], %add3A_828 {strides = array<i32>} : memref<16xf32, #tpu.memory_space<vmem>>, vector<16xf32>,
    %add3A_831 = arith.constant 480 : i32
    %add3A_832 = arith.addi %mul3A_2, %add3A_831 : i32
    %dma_start3A_833 = arith.constant 0 : i32
    %dma_start3A_834 = tpu.memref_slice %arg6[%add3A_832, %dma_start3A_833] : memref<20480x1024xf32, #tpu.memory_space<hbm>> -> memref<32x1024xf32, #tpu.memory_space<hbm>>
    %dma_start3A_835 = arith.constant 0 : i32
    %dma_start3A_836 = tpu.memref_slice %arg6[%add3A_832, %dma_start3A_835] : memref<20480x1024xf32, #tpu.memory_space<hbm>> -> memref<32x1024xf32, #tpu.memory_space<hbm>>
    tpu.enqueue_dma source(%arg11 : memref<32x1024xf32, #tpu.memory_space<vmem>>) target(%dma_start3A_836 : memref<32x1024xf32, #tpu.memory_space<hbm>>) target_semaphore(%arg18 : memref<!tpu.dma_semaphore, #tpu.memory_space<semaphore_mem>>)
    %dma_wait3A_837 = arith.constant 512 : i32
    %dma_wait3A_838 = tpu.memref_slice %arg8[%dma_wait3A_837] : memref<640xi32, #tpu.memory_space<vmem>> -> memref<32xi32, #tpu.memory_space<vmem>>
    %dma_wait3A_839 = arith.constant 0 : i32
    %dma_wait3A_840 = arith.constant 0 : i32
    %dma_wait3A_841 = tpu.memref_slice %arg2[%dma_wait3A_839, %dma_wait3A_840] : memref<1000x1024xf32, #tpu.memory_space<hbm>> -> memref<1000x1024xf32, #tpu.memory_space<hbm>>
    tpu.wait_indirect_dma semaphore(%arg16 : memref<!tpu.dma_semaphore, #tpu.memory_space<semaphore_mem>>) src(%dma_wait3A_841 : memref<1000x1024xf32, #tpu.memory_space<hbm>>) dst(%arg12 : memref<32x1024xf32, #tpu.memory_space<vmem>>)
    %dma_wait3A_842 = arith.constant 0 : i32
    %dma_wait3A_843 = tpu.memref_slice %arg6[%add3A_832, %dma_wait3A_842] : memref<20480x1024xf32, #tpu.memory_space<hbm>> -> memref<32x1024xf32, #tpu.memory_space<hbm>>
    %dma_wait3A_844 = arith.constant 0 : i32
    %dma_wait3A_845 = tpu.memref_slice %arg6[%add3A_832, %dma_wait3A_844] : memref<20480x1024xf32, #tpu.memory_space<hbm>> -> memref<32x1024xf32, #tpu.memory_space<hbm>>
    tpu.wait_dma2 semaphore(%arg18 : memref<!tpu.dma_semaphore, #tpu.memory_space<semaphore_mem>>) src(%arg11 : memref<32x1024xf32, #tpu.memory_space<vmem>>) dst(%dma_wait3A_845 : memref<32x1024xf32, #tpu.memory_space<hbm>>)
    %dma_start3A_846 = arith.constant 576 : i32
    %dma_start3A_847 = tpu.memref_slice %arg8[%dma_start3A_846] : memref<640xi32, #tpu.memory_space<vmem>> -> memref<32xi32, #tpu.memory_space<vmem>>
    %dma_start3A_848 = arith.constant 0 : i32
    %dma_start3A_849 = arith.constant 0 : i32
    %dma_start3A_850 = tpu.memref_slice %arg2[%dma_start3A_848, %dma_start3A_849] : memref<1000x1024xf32, #tpu.memory_space<hbm>> -> memref<1000x1024xf32, #tpu.memory_space<hbm>>
    tpu.enqueue_indirect_dma source(%dma_start3A_850 : memref<1000x1024xf32, #tpu.memory_space<hbm>>) target(%arg11 : memref<32x1024xf32, #tpu.memory_space<vmem>>) offsets(%dma_start3A_847 : memref<32xi32, #tpu.memory_space<vmem>>) semaphore(%arg15 : memref<!tpu.dma_semaphore, #tpu.memory_space<semaphore_mem>>)
    %iota3A_851 = tpu.iota {dimensions = array<i32: 0>} : vector<16xi32>
    %add3A_852 = arith.constant 0 : i32
    %add3A_853 = vector.broadcast %add3A_852 : i32 to vector<16xi32>
    %add3A_854 = arith.addi %iota3A_851, %add3A_853 : vector<16xi32>
    %get3A_855 = arith.constant 512 : index
    %get3A_856 = tpu.vector_load %arg9[%get3A_855] {strides = array<i32>} : memref<640xi32, #tpu.memory_space<vmem>>, vector<16xi32>,
    %gather3A_857 = tpu.vector_load_idx %arg12[%add3A_854, %get3A_856] : memref<32x1024xf32, #tpu.memory_space<vmem>>[vector<16xi32>, vector<16xi32>], vector<16xf32>,
    %get3A_858 = arith.constant 512 : index
    %get3A_859 = tpu.vector_load %arg8[%get3A_858] {strides = array<i32>} : memref<640xi32, #tpu.memory_space<vmem>>, vector<16xi32>,
    %gather3A_860 = tpu.vector_load_idx %arg10[%get3A_859] : memref<1000xf32, #tpu.memory_space<vmem>>[vector<16xi32>], vector<16xf32>,
    %get3A_861 = arith.constant 0 : index
    %get3A_862 = tpu.vector_load %arg14[%get3A_861] {strides = array<i32>} : memref<16xf32, #tpu.memory_space<vmem>>, vector<16xf32>,
    %sub3A_863 = arith.subf %gather3A_860, %gather3A_857 : vector<16xf32>
    %add3A_864 = arith.addf %get3A_862, %sub3A_863 : vector<16xf32>
    %swap3A_865 = arith.constant 0 : index
    %swap3A_866 = tpu.vector_load %arg14[%swap3A_865] {strides = array<i32>} : memref<16xf32, #tpu.memory_space<vmem>>, vector<16xf32>,
    tpu.vector_store %arg14[%swap3A_865], %add3A_864 {strides = array<i32>} : memref<16xf32, #tpu.memory_space<vmem>>, vector<16xf32>,
    %iota3A_867 = tpu.iota {dimensions = array<i32: 0>} : vector<16xi32>
    %add3A_868 = arith.constant 16 : i32
    %add3A_869 = vector.broadcast %add3A_868 : i32 to vector<16xi32>
    %add3A_870 = arith.addi %iota3A_867, %add3A_869 : vector<16xi32>
    %get3A_871 = arith.constant 528 : index
    %get3A_872 = tpu.vector_load %arg9[%get3A_871] {strides = array<i32>} : memref<640xi32, #tpu.memory_space<vmem>>, vector<16xi32>,
    %gather3A_873 = tpu.vector_load_idx %arg12[%add3A_870, %get3A_872] : memref<32x1024xf32, #tpu.memory_space<vmem>>[vector<16xi32>, vector<16xi32>], vector<16xf32>,
    %get3A_874 = arith.constant 528 : index
    %get3A_875 = tpu.vector_load %arg8[%get3A_874] {strides = array<i32>} : memref<640xi32, #tpu.memory_space<vmem>>, vector<16xi32>,
    %gather3A_876 = tpu.vector_load_idx %arg10[%get3A_875] : memref<1000xf32, #tpu.memory_space<vmem>>[vector<16xi32>], vector<16xf32>,
    %get3A_877 = arith.constant 0 : index
    %get3A_878 = tpu.vector_load %arg14[%get3A_877] {strides = array<i32>} : memref<16xf32, #tpu.memory_space<vmem>>, vector<16xf32>,
    %sub3A_879 = arith.subf %gather3A_876, %gather3A_873 : vector<16xf32>
    %add3A_880 = arith.addf %get3A_878, %sub3A_879 : vector<16xf32>
    %swap3A_881 = arith.constant 0 : index
    %swap3A_882 = tpu.vector_load %arg14[%swap3A_881] {strides = array<i32>} : memref<16xf32, #tpu.memory_space<vmem>>, vector<16xf32>,
    tpu.vector_store %arg14[%swap3A_881], %add3A_880 {strides = array<i32>} : memref<16xf32, #tpu.memory_space<vmem>>, vector<16xf32>,
    %add3A_883 = arith.constant 512 : i32
    %add3A_884 = arith.addi %mul3A_2, %add3A_883 : i32
    %dma_start3A_885 = arith.constant 0 : i32
    %dma_start3A_886 = tpu.memref_slice %arg6[%add3A_884, %dma_start3A_885] : memref<20480x1024xf32, #tpu.memory_space<hbm>> -> memref<32x1024xf32, #tpu.memory_space<hbm>>
    %dma_start3A_887 = arith.constant 0 : i32
    %dma_start3A_888 = tpu.memref_slice %arg6[%add3A_884, %dma_start3A_887] : memref<20480x1024xf32, #tpu.memory_space<hbm>> -> memref<32x1024xf32, #tpu.memory_space<hbm>>
    tpu.enqueue_dma source(%arg12 : memref<32x1024xf32, #tpu.memory_space<vmem>>) target(%dma_start3A_888 : memref<32x1024xf32, #tpu.memory_space<hbm>>) target_semaphore(%arg19 : memref<!tpu.dma_semaphore, #tpu.memory_space<semaphore_mem>>)
    %dma_wait3A_889 = arith.constant 544 : i32
    %dma_wait3A_890 = tpu.memref_slice %arg8[%dma_wait3A_889] : memref<640xi32, #tpu.memory_space<vmem>> -> memref<32xi32, #tpu.memory_space<vmem>>
    %dma_wait3A_891 = arith.constant 0 : i32
    %dma_wait3A_892 = arith.constant 0 : i32
    %dma_wait3A_893 = tpu.memref_slice %arg2[%dma_wait3A_891, %dma_wait3A_892] : memref<1000x1024xf32, #tpu.memory_space<hbm>> -> memref<1000x1024xf32, #tpu.memory_space<hbm>>
    tpu.wait_indirect_dma semaphore(%arg17 : memref<!tpu.dma_semaphore, #tpu.memory_space<semaphore_mem>>) src(%dma_wait3A_893 : memref<1000x1024xf32, #tpu.memory_space<hbm>>) dst(%arg13 : memref<32x1024xf32, #tpu.memory_space<vmem>>)
    %dma_wait3A_894 = arith.constant 0 : i32
    %dma_wait3A_895 = tpu.memref_slice %arg6[%add3A_884, %dma_wait3A_894] : memref<20480x1024xf32, #tpu.memory_space<hbm>> -> memref<32x1024xf32, #tpu.memory_space<hbm>>
    %dma_wait3A_896 = arith.constant 0 : i32
    %dma_wait3A_897 = tpu.memref_slice %arg6[%add3A_884, %dma_wait3A_896] : memref<20480x1024xf32, #tpu.memory_space<hbm>> -> memref<32x1024xf32, #tpu.memory_space<hbm>>
    tpu.wait_dma2 semaphore(%arg19 : memref<!tpu.dma_semaphore, #tpu.memory_space<semaphore_mem>>) src(%arg12 : memref<32x1024xf32, #tpu.memory_space<vmem>>) dst(%dma_wait3A_897 : memref<32x1024xf32, #tpu.memory_space<hbm>>)
    %dma_start3A_898 = arith.constant 608 : i32
    %dma_start3A_899 = tpu.memref_slice %arg8[%dma_start3A_898] : memref<640xi32, #tpu.memory_space<vmem>> -> memref<32xi32, #tpu.memory_space<vmem>>
    %dma_start3A_900 = arith.constant 0 : i32
    %dma_start3A_901 = arith.constant 0 : i32
    %dma_start3A_902 = tpu.memref_slice %arg2[%dma_start3A_900, %dma_start3A_901] : memref<1000x1024xf32, #tpu.memory_space<hbm>> -> memref<1000x1024xf32, #tpu.memory_space<hbm>>
    tpu.enqueue_indirect_dma source(%dma_start3A_902 : memref<1000x1024xf32, #tpu.memory_space<hbm>>) target(%arg12 : memref<32x1024xf32, #tpu.memory_space<vmem>>) offsets(%dma_start3A_899 : memref<32xi32, #tpu.memory_space<vmem>>) semaphore(%arg16 : memref<!tpu.dma_semaphore, #tpu.memory_space<semaphore_mem>>)
    %iota3A_903 = tpu.iota {dimensions = array<i32: 0>} : vector<16xi32>
    %add3A_904 = arith.constant 0 : i32
    %add3A_905 = vector.broadcast %add3A_904 : i32 to vector<16xi32>
    %add3A_906 = arith.addi %iota3A_903, %add3A_905 : vector<16xi32>
    %get3A_907 = arith.constant 544 : index
    %get3A_908 = tpu.vector_load %arg9[%get3A_907] {strides = array<i32>} : memref<640xi32, #tpu.memory_space<vmem>>, vector<16xi32>,
    %gather3A_909 = tpu.vector_load_idx %arg13[%add3A_906, %get3A_908] : memref<32x1024xf32, #tpu.memory_space<vmem>>[vector<16xi32>, vector<16xi32>], vector<16xf32>,
    %get3A_910 = arith.constant 544 : index
    %get3A_911 = tpu.vector_load %arg8[%get3A_910] {strides = array<i32>} : memref<640xi32, #tpu.memory_space<vmem>>, vector<16xi32>,
    %gather3A_912 = tpu.vector_load_idx %arg10[%get3A_911] : memref<1000xf32, #tpu.memory_space<vmem>>[vector<16xi32>], vector<16xf32>,
    %get3A_913 = arith.constant 0 : index
    %get3A_914 = tpu.vector_load %arg14[%get3A_913] {strides = array<i32>} : memref<16xf32, #tpu.memory_space<vmem>>, vector<16xf32>,
    %sub3A_915 = arith.subf %gather3A_912, %gather3A_909 : vector<16xf32>
    %add3A_916 = arith.addf %get3A_914, %sub3A_915 : vector<16xf32>
    %swap3A_917 = arith.constant 0 : index
    %swap3A_918 = tpu.vector_load %arg14[%swap3A_917] {strides = array<i32>} : memref<16xf32, #tpu.memory_space<vmem>>, vector<16xf32>,
    tpu.vector_store %arg14[%swap3A_917], %add3A_916 {strides = array<i32>} : memref<16xf32, #tpu.memory_space<vmem>>, vector<16xf32>,
    %iota3A_919 = tpu.iota {dimensions = array<i32: 0>} : vector<16xi32>
    %add3A_920 = arith.constant 16 : i32
    %add3A_921 = vector.broadcast %add3A_920 : i32 to vector<16xi32>
    %add3A_922 = arith.addi %iota3A_919, %add3A_921 : vector<16xi32>
    %get3A_923 = arith.constant 560 : index
    %get3A_924 = tpu.vector_load %arg9[%get3A_923] {strides = array<i32>} : memref<640xi32, #tpu.memory_space<vmem>>, vector<16xi32>,
    %gather3A_925 = tpu.vector_load_idx %arg13[%add3A_922, %get3A_924] : memref<32x1024xf32, #tpu.memory_space<vmem>>[vector<16xi32>, vector<16xi32>], vector<16xf32>,
    %get3A_926 = arith.constant 560 : index
    %get3A_927 = tpu.vector_load %arg8[%get3A_926] {strides = array<i32>} : memref<640xi32, #tpu.memory_space<vmem>>, vector<16xi32>,
    %gather3A_928 = tpu.vector_load_idx %arg10[%get3A_927] : memref<1000xf32, #tpu.memory_space<vmem>>[vector<16xi32>], vector<16xf32>,
    %get3A_929 = arith.constant 0 : index
    %get3A_930 = tpu.vector_load %arg14[%get3A_929] {strides = array<i32>} : memref<16xf32, #tpu.memory_space<vmem>>, vector<16xf32>,
    %sub3A_931 = arith.subf %gather3A_928, %gather3A_925 : vector<16xf32>
    %add3A_932 = arith.addf %get3A_930, %sub3A_931 : vector<16xf32>
    %swap3A_933 = arith.constant 0 : index
    %swap3A_934 = tpu.vector_load %arg14[%swap3A_933] {strides = array<i32>} : memref<16xf32, #tpu.memory_space<vmem>>, vector<16xf32>,
    tpu.vector_store %arg14[%swap3A_933], %add3A_932 {strides = array<i32>} : memref<16xf32, #tpu.memory_space<vmem>>, vector<16xf32>,
    %add3A_935 = arith.constant 544 : i32
    %add3A_936 = arith.addi %mul3A_2, %add3A_935 : i32
    %dma_start3A_937 = arith.constant 0 : i32
    %dma_start3A_938 = tpu.memref_slice %arg6[%add3A_936, %dma_start3A_937] : memref<20480x1024xf32, #tpu.memory_space<hbm>> -> memref<32x1024xf32, #tpu.memory_space<hbm>>
    %dma_start3A_939 = arith.constant 0 : i32
    %dma_start3A_940 = tpu.memref_slice %arg6[%add3A_936, %dma_start3A_939] : memref<20480x1024xf32, #tpu.memory_space<hbm>> -> memref<32x1024xf32, #tpu.memory_space<hbm>>
    tpu.enqueue_dma source(%arg13 : memref<32x1024xf32, #tpu.memory_space<vmem>>) target(%dma_start3A_940 : memref<32x1024xf32, #tpu.memory_space<hbm>>) target_semaphore(%arg20 : memref<!tpu.dma_semaphore, #tpu.memory_space<semaphore_mem>>)
    %dma_wait3A_941 = arith.constant 576 : i32
    %dma_wait3A_942 = tpu.memref_slice %arg8[%dma_wait3A_941] : memref<640xi32, #tpu.memory_space<vmem>> -> memref<32xi32, #tpu.memory_space<vmem>>
    %dma_wait3A_943 = arith.constant 0 : i32
    %dma_wait3A_944 = arith.constant 0 : i32
    %dma_wait3A_945 = tpu.memref_slice %arg2[%dma_wait3A_943, %dma_wait3A_944] : memref<1000x1024xf32, #tpu.memory_space<hbm>> -> memref<1000x1024xf32, #tpu.memory_space<hbm>>
    tpu.wait_indirect_dma semaphore(%arg15 : memref<!tpu.dma_semaphore, #tpu.memory_space<semaphore_mem>>) src(%dma_wait3A_945 : memref<1000x1024xf32, #tpu.memory_space<hbm>>) dst(%arg11 : memref<32x1024xf32, #tpu.memory_space<vmem>>)
    %iota3A_946 = tpu.iota {dimensions = array<i32: 0>} : vector<16xi32>
    %add3A_947 = arith.constant 0 : i32
    %add3A_948 = vector.broadcast %add3A_947 : i32 to vector<16xi32>
    %add3A_949 = arith.addi %iota3A_946, %add3A_948 : vector<16xi32>
    %get3A_950 = arith.constant 576 : index
    %get3A_951 = tpu.vector_load %arg9[%get3A_950] {strides = array<i32>} : memref<640xi32, #tpu.memory_space<vmem>>, vector<16xi32>,
    %gather3A_952 = tpu.vector_load_idx %arg11[%add3A_949, %get3A_951] : memref<32x1024xf32, #tpu.memory_space<vmem>>[vector<16xi32>, vector<16xi32>], vector<16xf32>,
    %get3A_953 = arith.constant 576 : index
    %get3A_954 = tpu.vector_load %arg8[%get3A_953] {strides = array<i32>} : memref<640xi32, #tpu.memory_space<vmem>>, vector<16xi32>,
    %gather3A_955 = tpu.vector_load_idx %arg10[%get3A_954] : memref<1000xf32, #tpu.memory_space<vmem>>[vector<16xi32>], vector<16xf32>,
    %get3A_956 = arith.constant 0 : index
    %get3A_957 = tpu.vector_load %arg14[%get3A_956] {strides = array<i32>} : memref<16xf32, #tpu.memory_space<vmem>>, vector<16xf32>,
    %sub3A_958 = arith.subf %gather3A_955, %gather3A_952 : vector<16xf32>
    %add3A_959 = arith.addf %get3A_957, %sub3A_958 : vector<16xf32>
    %swap3A_960 = arith.constant 0 : index
    %swap3A_961 = tpu.vector_load %arg14[%swap3A_960] {strides = array<i32>} : memref<16xf32, #tpu.memory_space<vmem>>, vector<16xf32>,
    tpu.vector_store %arg14[%swap3A_960], %add3A_959 {strides = array<i32>} : memref<16xf32, #tpu.memory_space<vmem>>, vector<16xf32>,
    %iota3A_962 = tpu.iota {dimensions = array<i32: 0>} : vector<16xi32>
    %add3A_963 = arith.constant 16 : i32
    %add3A_964 = vector.broadcast %add3A_963 : i32 to vector<16xi32>
    %add3A_965 = arith.addi %iota3A_962, %add3A_964 : vector<16xi32>
    %get3A_966 = arith.constant 592 : index
    %get3A_967 = tpu.vector_load %arg9[%get3A_966] {strides = array<i32>} : memref<640xi32, #tpu.memory_space<vmem>>, vector<16xi32>,
    %gather3A_968 = tpu.vector_load_idx %arg11[%add3A_965, %get3A_967] : memref<32x1024xf32, #tpu.memory_space<vmem>>[vector<16xi32>, vector<16xi32>], vector<16xf32>,
    %get3A_969 = arith.constant 592 : index
    %get3A_970 = tpu.vector_load %arg8[%get3A_969] {strides = array<i32>} : memref<640xi32, #tpu.memory_space<vmem>>, vector<16xi32>,
    %gather3A_971 = tpu.vector_load_idx %arg10[%get3A_970] : memref<1000xf32, #tpu.memory_space<vmem>>[vector<16xi32>], vector<16xf32>,
    %get3A_972 = arith.constant 0 : index
    %get3A_973 = tpu.vector_load %arg14[%get3A_972] {strides = array<i32>} : memref<16xf32, #tpu.memory_space<vmem>>, vector<16xf32>,
    %sub3A_974 = arith.subf %gather3A_971, %gather3A_968 : vector<16xf32>
    %add3A_975 = arith.addf %get3A_973, %sub3A_974 : vector<16xf32>
    %swap3A_976 = arith.constant 0 : index
    %swap3A_977 = tpu.vector_load %arg14[%swap3A_976] {strides = array<i32>} : memref<16xf32, #tpu.memory_space<vmem>>, vector<16xf32>,
    tpu.vector_store %arg14[%swap3A_976], %add3A_975 {strides = array<i32>} : memref<16xf32, #tpu.memory_space<vmem>>, vector<16xf32>,
    %add3A_978 = arith.constant 576 : i32
    %add3A_979 = arith.addi %mul3A_2, %add3A_978 : i32
    %dma_start3A_980 = arith.constant 0 : i32
    %dma_start3A_981 = tpu.memref_slice %arg6[%add3A_979, %dma_start3A_980] : memref<20480x1024xf32, #tpu.memory_space<hbm>> -> memref<32x1024xf32, #tpu.memory_space<hbm>>
    %dma_start3A_982 = arith.constant 0 : i32
    %dma_start3A_983 = tpu.memref_slice %arg6[%add3A_979, %dma_start3A_982] : memref<20480x1024xf32, #tpu.memory_space<hbm>> -> memref<32x1024xf32, #tpu.memory_space<hbm>>
    tpu.enqueue_dma source(%arg11 : memref<32x1024xf32, #tpu.memory_space<vmem>>) target(%dma_start3A_983 : memref<32x1024xf32, #tpu.memory_space<hbm>>) target_semaphore(%arg18 : memref<!tpu.dma_semaphore, #tpu.memory_space<semaphore_mem>>)
    %dma_wait3A_984 = arith.constant 608 : i32
    %dma_wait3A_985 = tpu.memref_slice %arg8[%dma_wait3A_984] : memref<640xi32, #tpu.memory_space<vmem>> -> memref<32xi32, #tpu.memory_space<vmem>>
    %dma_wait3A_986 = arith.constant 0 : i32
    %dma_wait3A_987 = arith.constant 0 : i32
    %dma_wait3A_988 = tpu.memref_slice %arg2[%dma_wait3A_986, %dma_wait3A_987] : memref<1000x1024xf32, #tpu.memory_space<hbm>> -> memref<1000x1024xf32, #tpu.memory_space<hbm>>
    tpu.wait_indirect_dma semaphore(%arg16 : memref<!tpu.dma_semaphore, #tpu.memory_space<semaphore_mem>>) src(%dma_wait3A_988 : memref<1000x1024xf32, #tpu.memory_space<hbm>>) dst(%arg12 : memref<32x1024xf32, #tpu.memory_space<vmem>>)
    %iota3A_989 = tpu.iota {dimensions = array<i32: 0>} : vector<16xi32>
    %add3A_990 = arith.constant 0 : i32
    %add3A_991 = vector.broadcast %add3A_990 : i32 to vector<16xi32>
    %add3A_992 = arith.addi %iota3A_989, %add3A_991 : vector<16xi32>
    %get3A_993 = arith.constant 608 : index
    %get3A_994 = tpu.vector_load %arg9[%get3A_993] {strides = array<i32>} : memref<640xi32, #tpu.memory_space<vmem>>, vector<16xi32>,
    %gather3A_995 = tpu.vector_load_idx %arg12[%add3A_992, %get3A_994] : memref<32x1024xf32, #tpu.memory_space<vmem>>[vector<16xi32>, vector<16xi32>], vector<16xf32>,
    %get3A_996 = arith.constant 608 : index
    %get3A_997 = tpu.vector_load %arg8[%get3A_996] {strides = array<i32>} : memref<640xi32, #tpu.memory_space<vmem>>, vector<16xi32>,
    %gather3A_998 = tpu.vector_load_idx %arg10[%get3A_997] : memref<1000xf32, #tpu.memory_space<vmem>>[vector<16xi32>], vector<16xf32>,
    %get3A_999 = arith.constant 0 : index
    %get3A_1000 = tpu.vector_load %arg14[%get3A_999] {strides = array<i32>} : memref<16xf32, #tpu.memory_space<vmem>>, vector<16xf32>,
    %sub3A_1001 = arith.subf %gather3A_998, %gather3A_995 : vector<16xf32>
    %add3A_1002 = arith.addf %get3A_1000, %sub3A_1001 : vector<16xf32>
    %swap3A_1003 = arith.constant 0 : index
    %swap3A_1004 = tpu.vector_load %arg14[%swap3A_1003] {strides = array<i32>} : memref<16xf32, #tpu.memory_space<vmem>>, vector<16xf32>,
    tpu.vector_store %arg14[%swap3A_1003], %add3A_1002 {strides = array<i32>} : memref<16xf32, #tpu.memory_space<vmem>>, vector<16xf32>,
    %iota3A_1005 = tpu.iota {dimensions = array<i32: 0>} : vector<16xi32>
    %add3A_1006 = arith.constant 16 : i32
    %add3A_1007 = vector.broadcast %add3A_1006 : i32 to vector<16xi32>
    %add3A_1008 = arith.addi %iota3A_1005, %add3A_1007 : vector<16xi32>
    %get3A_1009 = arith.constant 624 : index
    %get3A_1010 = tpu.vector_load %arg9[%get3A_1009] {strides = array<i32>} : memref<640xi32, #tpu.memory_space<vmem>>, vector<16xi32>,
    %gather3A_1011 = tpu.vector_load_idx %arg12[%add3A_1008, %get3A_1010] : memref<32x1024xf32, #tpu.memory_space<vmem>>[vector<16xi32>, vector<16xi32>], vector<16xf32>,
    %get3A_1012 = arith.constant 624 : index
    %get3A_1013 = tpu.vector_load %arg8[%get3A_1012] {strides = array<i32>} : memref<640xi32, #tpu.memory_space<vmem>>, vector<16xi32>,
    %gather3A_1014 = tpu.vector_load_idx %arg10[%get3A_1013] : memref<1000xf32, #tpu.memory_space<vmem>>[vector<16xi32>], vector<16xf32>,
    %get3A_1015 = arith.constant 0 : index
    %get3A_1016 = tpu.vector_load %arg14[%get3A_1015] {strides = array<i32>} : memref<16xf32, #tpu.memory_space<vmem>>, vector<16xf32>,
    %sub3A_1017 = arith.subf %gather3A_1014, %gather3A_1011 : vector<16xf32>
    %add3A_1018 = arith.addf %get3A_1016, %sub3A_1017 : vector<16xf32>
    %swap3A_1019 = arith.constant 0 : index
    %swap3A_1020 = tpu.vector_load %arg14[%swap3A_1019] {strides = array<i32>} : memref<16xf32, #tpu.memory_space<vmem>>, vector<16xf32>,
    tpu.vector_store %arg14[%swap3A_1019], %add3A_1018 {strides = array<i32>} : memref<16xf32, #tpu.memory_space<vmem>>, vector<16xf32>,
    %add3A_1021 = arith.constant 608 : i32
    %add3A_1022 = arith.addi %mul3A_2, %add3A_1021 : i32
    %dma_start3A_1023 = arith.constant 0 : i32
    %dma_start3A_1024 = tpu.memref_slice %arg6[%add3A_1022, %dma_start3A_1023] : memref<20480x1024xf32, #tpu.memory_space<hbm>> -> memref<32x1024xf32, #tpu.memory_space<hbm>>
    %dma_start3A_1025 = arith.constant 0 : i32
    %dma_start3A_1026 = tpu.memref_slice %arg6[%add3A_1022, %dma_start3A_1025] : memref<20480x1024xf32, #tpu.memory_space<hbm>> -> memref<32x1024xf32, #tpu.memory_space<hbm>>
    tpu.enqueue_dma source(%arg12 : memref<32x1024xf32, #tpu.memory_space<vmem>>) target(%dma_start3A_1026 : memref<32x1024xf32, #tpu.memory_space<hbm>>) target_semaphore(%arg19 : memref<!tpu.dma_semaphore, #tpu.memory_space<semaphore_mem>>)
    %dma_wait3A_1027 = arith.constant 0 : i32
    %dma_wait3A_1028 = tpu.memref_slice %arg6[%add3A_979, %dma_wait3A_1027] : memref<20480x1024xf32, #tpu.memory_space<hbm>> -> memref<32x1024xf32, #tpu.memory_space<hbm>>
    %dma_wait3A_1029 = arith.constant 0 : i32
    %dma_wait3A_1030 = tpu.memref_slice %arg6[%add3A_979, %dma_wait3A_1029] : memref<20480x1024xf32, #tpu.memory_space<hbm>> -> memref<32x1024xf32, #tpu.memory_space<hbm>>
    tpu.wait_dma2 semaphore(%arg18 : memref<!tpu.dma_semaphore, #tpu.memory_space<semaphore_mem>>) src(%arg11 : memref<32x1024xf32, #tpu.memory_space<vmem>>) dst(%dma_wait3A_1030 : memref<32x1024xf32, #tpu.memory_space<hbm>>)
    %dma_wait3A_1031 = arith.constant 0 : i32
    %dma_wait3A_1032 = tpu.memref_slice %arg6[%add3A_1022, %dma_wait3A_1031] : memref<20480x1024xf32, #tpu.memory_space<hbm>> -> memref<32x1024xf32, #tpu.memory_space<hbm>>
    %dma_wait3A_1033 = arith.constant 0 : i32
    %dma_wait3A_1034 = tpu.memref_slice %arg6[%add3A_1022, %dma_wait3A_1033] : memref<20480x1024xf32, #tpu.memory_space<hbm>> -> memref<32x1024xf32, #tpu.memory_space<hbm>>
    tpu.wait_dma2 semaphore(%arg19 : memref<!tpu.dma_semaphore, #tpu.memory_space<semaphore_mem>>) src(%arg12 : memref<32x1024xf32, #tpu.memory_space<vmem>>) dst(%dma_wait3A_1034 : memref<32x1024xf32, #tpu.memory_space<hbm>>)
    %dma_wait3A_1035 = arith.constant 0 : i32
    %dma_wait3A_1036 = tpu.memref_slice %arg6[%add3A_936, %dma_wait3A_1035] : memref<20480x1024xf32, #tpu.memory_space<hbm>> -> memref<32x1024xf32, #tpu.memory_space<hbm>>
    %dma_wait3A_1037 = arith.constant 0 : i32
    %dma_wait3A_1038 = tpu.memref_slice %arg6[%add3A_936, %dma_wait3A_1037] : memref<20480x1024xf32, #tpu.memory_space<hbm>> -> memref<32x1024xf32, #tpu.memory_space<hbm>>
    tpu.wait_dma2 semaphore(%arg20 : memref<!tpu.dma_semaphore, #tpu.memory_space<semaphore_mem>>) src(%arg13 : memref<32x1024xf32, #tpu.memory_space<vmem>>) dst(%dma_wait3A_1038 : memref<32x1024xf32, #tpu.memory_space<hbm>>)
    "tpu.region"() ({
      %run_scoped3A = tpu.sem_alloc : memref<!tpu.dma_semaphore, #tpu.memory_space<semaphore_mem>>
      %dma_start3A_1039 = arith.constant 0 : i32
      %dma_start3A_1040 = tpu.memref_slice %arg7[%add3A, %dma_start3A_1039] : memref<32x16xf32, #tpu.memory_space<hbm>> -> memref<1x16xf32, #tpu.memory_space<hbm>>
      %dma_start3A_1041 = tpu.memref_squeeze %dma_start3A_1040 : memref<1x16xf32, #tpu.memory_space<hbm>> -> memref<16xf32, #tpu.memory_space<hbm>>
      %dma_start3A_1042 = arith.constant 0 : i32
      %dma_start3A_1043 = tpu.memref_slice %arg7[%add3A, %dma_start3A_1042] : memref<32x16xf32, #tpu.memory_space<hbm>> -> memref<1x16xf32, #tpu.memory_space<hbm>>
      %dma_start3A_1044 = tpu.memref_squeeze %dma_start3A_1043 : memref<1x16xf32, #tpu.memory_space<hbm>> -> memref<16xf32, #tpu.memory_space<hbm>>
      tpu.enqueue_dma source(%arg14 : memref<16xf32, #tpu.memory_space<vmem>>) target(%dma_start3A_1044 : memref<16xf32, #tpu.memory_space<hbm>>) target_semaphore(%run_scoped3A : memref<!tpu.dma_semaphore, #tpu.memory_space<semaphore_mem>>)
      %dma_wait3A_1045 = arith.constant 0 : i32
      %dma_wait3A_1046 = tpu.memref_slice %arg7[%add3A, %dma_wait3A_1045] : memref<32x16xf32, #tpu.memory_space<hbm>> -> memref<1x16xf32, #tpu.memory_space<hbm>>
      %dma_wait3A_1047 = tpu.memref_squeeze %dma_wait3A_1046 : memref<1x16xf32, #tpu.memory_space<hbm>> -> memref<16xf32, #tpu.memory_space<hbm>>
      %dma_wait3A_1048 = arith.constant 0 : i32
      %dma_wait3A_1049 = tpu.memref_slice %arg7[%add3A, %dma_wait3A_1048] : memref<32x16xf32, #tpu.memory_space<hbm>> -> memref<1x16xf32, #tpu.memory_space<hbm>>
      %dma_wait3A_1050 = tpu.memref_squeeze %dma_wait3A_1049 : memref<1x16xf32, #tpu.memory_space<hbm>> -> memref<16xf32, #tpu.memory_space<hbm>>
      tpu.wait_dma2 semaphore(%run_scoped3A : memref<!tpu.dma_semaphore, #tpu.memory_space<semaphore_mem>>) src(%arg14 : memref<16xf32, #tpu.memory_space<vmem>>) dst(%dma_wait3A_1050 : memref<16xf32, #tpu.memory_space<hbm>>)
      tpu.yield
    }) : () -> ()
    return
  }
}

module attributes {stable_mosaic.version = 14 : i64} {
  func.func @_lse_body(%arg0: memref<1000x1000xf32, #tpu.memory_space<vmem>>, %arg1: memref<1000xf32, #tpu.memory_space<vmem>>) attributes {dimension_semantics = [], scalar_prefetch = 0 : i64, scratch_operands = 0 : i64, tpu.core_type = #tpu.core_type<tc>} {
    %get3A = arith.constant 0 : index
    %get3A_0 = arith.constant 0 : index
    %get3A_1 = vector.load %arg0[%get3A, %get3A_0] : memref<1000x1000xf32, #tpu.memory_space<vmem>>, vector<1000x1000xf32>
    %reduce_max3A = arith.constant dense<0xFF800000> : vector<1000xf32>
    %reduce_max3A_2 = vector.multi_reduction <maximumf>, %get3A_1, %reduce_max3A [1] : vector<1000x1000xf32> to vector<1000xf32>
    %broadcast_in_dim3A = vector.shape_cast %reduce_max3A_2 : vector<1000xf32> to vector<1000x1xf32>
    %sub3A = vector.broadcast %broadcast_in_dim3A : vector<1000x1xf32> to vector<1000x1000xf32>
    %sub3A_3 = arith.subf %get3A_1, %sub3A : vector<1000x1000xf32>
    %exp3A = math.exp %sub3A_3 : vector<1000x1000xf32>
    %reduce_sum3A = arith.constant dense<0.000000e+00> : vector<1000xf32>
    %reduce_sum3A_4 = vector.multi_reduction <add>, %exp3A, %reduce_sum3A [1] : vector<1000x1000xf32> to vector<1000xf32>
    %log3A = math.log %reduce_sum3A_4 : vector<1000xf32>
    %add3A = arith.addf %reduce_max3A_2, %log3A : vector<1000xf32>
    %swap3A = arith.constant 0 : index
    %swap3A_5 = vector.load %arg1[%swap3A] : memref<1000xf32, #tpu.memory_space<vmem>>, vector<1000xf32>
    tpu.vector_store %arg1[%swap3A], %add3A {strides = array<i32>} : memref<1000xf32, #tpu.memory_space<vmem>>, vector<1000xf32>,
    return
  }
}

module attributes {stable_mosaic.version = 14 : i64} {
  func.func @_loss_body(%arg0: memref<32x16xf32, #tpu.memory_space<vmem>>, %arg1: memref<1x1xf32, #tpu.memory_space<vmem>>) attributes {dimension_semantics = [], scalar_prefetch = 0 : i64, scratch_operands = 0 : i64, tpu.core_type = #tpu.core_type<tc>} {
    %get3A = arith.constant 0 : index
    %get3A_0 = arith.constant 0 : index
    %get3A_1 = vector.load %arg0[%get3A, %get3A_0] : memref<32x16xf32, #tpu.memory_space<vmem>>, vector<32x16xf32>
    %reduce_sum3A = vector.shape_cast %get3A_1 : vector<32x16xf32> to vector<1x32x16xf32>
    %reduce_sum3A_2 = arith.constant dense<0.000000e+00> : vector<1xf32>
    %reduce_sum3A_3 = vector.multi_reduction <add>, %reduce_sum3A, %reduce_sum3A_2 [1, 2] : vector<1x32x16xf32> to vector<1xf32>
    %reduce_sum3A_4 = vector.shape_cast %reduce_sum3A_3 : vector<1xf32> to vector<1x1x1xf32>
    %reduce_sum3A_5 = vector.extract %reduce_sum3A_4[0, 0, 0] : f32 from vector<1x1x1xf32>
    %div3A = arith.constant 2.048000e+04 : f32
    %div3A_6 = arith.divf %reduce_sum3A_5, %div3A : f32
    %reshape3A = vector.broadcast %div3A_6 : f32 to vector<1x1xf32>
    %swap3A = arith.constant 0 : index
    %swap3A_7 = arith.constant 0 : index
    %swap3A_8 = vector.load %arg1[%swap3A, %swap3A_7] : memref<1x1xf32, #tpu.memory_space<vmem>>, vector<1x1xf32>
    tpu.vector_store %arg1[%swap3A, %swap3A_7], %reshape3A {strides = array<i32>} : memref<1x1xf32, #tpu.memory_space<vmem>>, vector<1x1xf32>,
    return
  }
}

module attributes {stable_mosaic.version = 14 : i64} {
  func.func @_tpose_body(%arg0: i32, %arg1: memref<1024x1024xf32, #tpu.memory_space<vmem>>, %arg2: memref<1000x1024xf32, #tpu.memory_space<vmem>>) attributes {dimension_semantics = [#tpu.dimension_semantics<arbitrary>], iteration_bounds = array<i64: 20>, scalar_prefetch = 0 : i64, scratch_operands = 0 : i64, tpu.core_type = #tpu.core_type<tc>, window_params = [{transform_indices = @transform_0, window_bounds = array<i64: 1024, 1024>}, {transform_indices = @transform_1, window_bounds = array<i64: 1000, 1024>}]} {
    %get3A = arith.constant 0 : index
    %get3A_0 = arith.constant 0 : index
    %get3A_1 = vector.load %arg1[%get3A, %get3A_0] : memref<1024x1024xf32, #tpu.memory_space<vmem>>, vector<1024x1024xf32>
    %transpose3A = tpu.transpose %get3A_1, [1, 0] : vector<1024x1024xf32> -> vector<1024x1024xf32>
    %slice3A = vector.extract_strided_slice %transpose3A {offsets = [0, 0], sizes = [1000, 1024], strides = [1, 1]} : vector<1024x1024xf32> to vector<1000x1024xf32>
    %swap3A = arith.constant 0 : index
    %swap3A_2 = arith.constant 0 : index
    %swap3A_3 = vector.load %arg2[%swap3A, %swap3A_2] : memref<1000x1024xf32, #tpu.memory_space<vmem>>, vector<1000x1024xf32>
    tpu.vector_store %arg2[%swap3A, %swap3A_2], %slice3A {strides = array<i32>} : memref<1000x1024xf32, #tpu.memory_space<vmem>>, vector<1000x1024xf32>,
    return
  }
  func.func @transform_0(%arg0: i32) -> (i32, i32) {
    %c0_i32 = arith.constant 0 : i32
    %c0_i32_0 = arith.constant 0 : i32
    return %arg0, %c0_i32 : i32, i32
  }
  func.func @transform_1(%arg0: i32) -> (i32, i32) {
    %c0_i32 = arith.constant 0 : i32
    %c0_i32_0 = arith.constant 0 : i32
    return %c0_i32, %arg0 : i32, i32
  }
}

</mosaic_0001>

<sc_bundles>
// kernel: kernel.6.cloned.1.call-start
scs
__scs_entry_jumppad:
0x0: {  	(pc) =	sbr.rel $0x88, $3  }
0x1: {  	(tag) =	ssettag $0x0;
	lr =	simm.s32 $0x1  }
0x2: {  	[smem:$0x3F9E] =	sst lr;
	_ =	strace $0xD0000000  }
0x3: {  	_ = 	snop  }
0x4: {  	_ = 	snop  }
0x5: {  	_ = 	snop  }
0x6: {  	_ = 	snop  }
0x7: {  	_ = 	snop  }
__scs_overlays_trampoline_lowered:
0x8: {  	[smem:$0x3FAD] =	sst s0  }
0x9: {  	[smem:$0x3FAE] =	sst s1  }
0xa: {  	[smem:$0x3FAF] =	sst s2  }
0xb: {  	[smem:$0x3FB0] =	sst s3  }
0xc: {  	[smem:$0x3FB1] =	sst s4  }
0xd: {  	[smem:$0x3FB2] =	sst s5  }
0xe: {  	[smem:$0x3FB3] =	sst s6  }
0xf: {  	[smem:$0x3FB4] =	sst s7  }
0x10: {  	[smem:$0x3FB5] =	sst s8  }
0x11: {  	[smem:$0x3FB6] =	sst s9;
	s0 =	simm.s32 @!p0 $0x0  }
0x12: {  	s1 =	sld [smem:$0x3F9C];
	s0 =	simm.s32 @p0 $0x1  }
0x13: {  	[smem:$0x3FB7] =	sst s0;
	s0 =	simm.s32 @!p1 $0x0  }
0x14: {  	s2 =	sld [smem:$0x3F9B];
	s0 =	simm.s32 @p1 $0x1  }
0x15: {  	[smem:$0x3FB8] =	sst s0;
	s0 =	simm.s32 @!p2 $0x0  }
0x16: {  	s3 =	sld [smem:$0x3FDB];
	s0 =	simm.s32 @p2 $0x1  }
0x17: {  	s4 =	simm.s32 $0x1BF5;
	[smem:$0x3FBA] =	sst s0  }
0x18: {  	s0 =	sld [smem:$0x3F9D];
	_ =	swait.ge [sflag:s4], $0x0  }
0x19: {  	s7 =	sld [smem:$0x3F9E]  }
0x1a: {  	s8 =	sadd.s32 $0xFFFFE003, lr  }
0x1b: {  	s9 =	sadd.s32 $0xFFFFFEF7, lr;
	s5 =	simm.s32 $0xFFFFFFFF;
	p2 =	slt.u32 s8, $0xFFFFF086  }
0x1c: {  	p1 =	slt.u32 s9, $0xF7A;
	s5 =	simm.s32 @!p2 $0x0  }
0x1d: {  	s5 =	simm.s32 @p1 $0x1;
	p0 =	seq.s32 s7, s2  }
0x1e: {  	s7 =	smul.u32 @!p0 $0xF7A, s2;
	p2 =	seq.s32 @!p0 s5, $0x0  }
0x1f: {  	s9 =	smul.u32 $0xF7A, s1;
	s8 =	simm.s32 @!p0 $0x1BF5;
	p2 =	por !p2, p0  }
0x20: {  	[sflag:s8] =	ssyncset.s32 @!p0 $0xFFFFF086;
	s6 =	sadd.s32 @!p0 s3, s7;
	s7 =	simm.s32 @!p0 $0x108  }
0x21: {  	s3 =	sadd.s32 s3, s9;
	s6 =	sadd.s32 @!p0 $0x88, s6;
	s7 =	simm.s32 @p2 $0x1082  }
0x22: {  	[simem:s7], [sflag:s8] =	dma.local @!p0 [hbm:s6], $0xF7A  }
0x23: {  	s9 =	sor.u32 $0xD0000000, s2;
	s6 =	simm.s32 $0x108;
	_ =	swait.ge @!p0 [sflag:s8], $0x0  }
0x24: {  	s3 =	sadd.s32 $0x88, s3;
	s6 =	simm.s32 @!p1 $0x1082;
	[sflag:s4] =	ssyncset.s32 $0xFFFFF086  }
0x25: {  	[simem:s6], [sflag:s4] =	dma.local [hbm:s3], $0xF7A  }
0x26: {  	[smem:$0x3F9E] =	sst s1;
	(tag) =	ssettag s2;
	_ =	strace s9  }
0x27: {  	s1 =	sld [smem:$0x3FAE]  }
0x28: {  	s2 =	sld [smem:$0x3FAF]  }
0x29: {  	s4 =	sld [smem:$0x3FB1]  }
0x2a: {  	p0 =	seq.s32 s5, $0x0;
	s5 =	sld [smem:$0x3FB2]  }
0x2b: {  	s6 =	sld [smem:$0x3FB3]  }
0x2c: {  	s7 =	sld [smem:$0x3FB4]  }
0x2d: {  	s3 =	simm.s32 $0x108;
	s8 =	sld [smem:$0x3FB5]  }
0x2e: {  	s3 =	simm.s32 @!p0 $0x1082;
	s9 =	sld [smem:$0x3FB6]  }
0x2f: {  	lr =	sadd.s32 s0, s3;
	s0 =	sld [smem:$0x3FAD]  }
0x30: {  	s3 =	sld [smem:$0x3FB0]  }
0x31: {  	[smem:$0x3FB9] =	sst s10  }
0x32: {  	s10 =	sld [smem:$0x3FB7];
	_ =	sdelay $0x3  }
0x33: {  	p0 =	seq.s32 s10, $0x1;
	s10 =	sld [smem:$0x3FB9];
	_ =	sdelay $0x3  }
0x34: {  	[smem:$0x3FB9] =	sst s10  }
0x35: {  	s10 =	sld [smem:$0x3FB8];
	_ =	sdelay $0x3  }
0x36: {  	p1 =	seq.s32 s10, $0x1;
	s10 =	sld [smem:$0x3FB9];
	_ =	sdelay $0x3  }
0x37: {  	[smem:$0x3FB9] =	sst s10  }
0x38: {  	s10 =	sld [smem:$0x3FBA]  }
0x39: {  	_ = 	snop;
	(pc) =	sbr.ind lr, $3  }
0x3a: {  	_ = 	snop  }
0x3b: {  	_ = 	snop  }
0x3c: {  	p2 =	seq.s32 s10, $0x1;
	s10 =	sld [smem:$0x3FB9]  }
0x3d: {  	_ =	shalt  }
0x3e: {  	_ =	shalt  }
0x3f: {  	_ =	shalt  }
0x40: {  	_ =	shalt  }
0x41: {  	_ =	shalt  }
0x42: {  	_ =	shalt  }
0x43: {  	_ =	shalt  }
0x44: {  	_ =	shalt  }
0x45: {  	_ =	shalt  }
0x46: {  	_ =	shalt  }
0x47: {  	_ =	shalt  }
0x48: {  	_ =	shalt  }
0x49: {  	_ =	shalt  }
0x4a: {  	_ =	shalt  }
0x4b: {  	_ =	shalt  }
0x4c: {  	_ =	shalt  }
0x4d: {  	_ =	shalt  }
0x4e: {  	_ =	shalt  }
0x4f: {  	_ =	shalt  }
0x50: {  	_ =	shalt  }
0x51: {  	_ =	shalt  }
0x52: {  	_ =	shalt  }
0x53: {  	_ =	shalt  }
0x54: {  	_ =	shalt  }
0x55: {  	_ =	shalt  }
0x56: {  	_ =	shalt  }
0x57: {  	_ =	shalt  }
0x58: {  	_ =	shalt  }
0x59: {  	_ =	shalt  }
0x5a: {  	_ =	shalt  }
0x5b: {  	_ =	shalt  }
0x5c: {  	_ =	shalt  }
0x5d: {  	_ =	shalt  }
0x5e: {  	_ =	shalt  }
0x5f: {  	_ =	shalt  }
0x60: {  	_ =	shalt  }
0x61: {  	_ =	shalt  }
0x62: {  	_ =	shalt  }
0x63: {  	_ =	shalt  }
0x64: {  	_ =	shalt  }
0x65: {  	_ =	shalt  }
0x66: {  	_ =	shalt  }
0x67: {  	_ =	shalt  }
0x68: {  	_ =	shalt  }
0x69: {  	_ =	shalt  }
0x6a: {  	_ =	shalt  }
0x6b: {  	_ =	shalt  }
0x6c: {  	_ =	shalt  }
0x6d: {  	_ =	shalt  }
0x6e: {  	_ =	shalt  }
0x6f: {  	_ =	shalt  }
0x70: {  	_ =	shalt  }
0x71: {  	_ =	shalt  }
0x72: {  	_ =	shalt  }
0x73: {  	_ =	shalt  }
0x74: {  	_ =	shalt  }
0x75: {  	_ =	shalt  }
0x76: {  	_ =	shalt  }
0x77: {  	_ =	shalt  }
0x78: {  	_ =	shalt  }
0x79: {  	_ =	shalt  }
0x7a: {  	_ =	shalt  }
0x7b: {  	_ =	shalt  }
0x7c: {  	_ =	shalt  }
0x7d: {  	_ =	shalt  }
0x7e: {  	_ =	shalt  }
0x7f: {  	_ =	shalt  }
0x80: {  	_ =	shalt  }
0x81: {  	_ =	shalt  }
0x82: {  	_ =	shalt  }
0x83: {  	_ =	shalt  }
0x84: {  	_ =	shalt  }
0x85: {  	_ =	shalt  }
0x86: {  	_ =	shalt  }
0x87: {  	_ =	shalt  }
.Lfunc_end0:
.L_simem_size_0:
called_computation_lowered:
.L_overlay_start_0:
0x88: {  	s2 =	sld [smem:$0x3FD9]  }
0x89: {  	s3 =	sld [smem:$0x3FFE];
	_ =	sdelay $0x1  }
0x8a: {  	s1 =	srdreg.scid  }
0x8b: {  	s0 =	sand.u32 $0x1, s1  }
0x8c: {  	s14 =	sshll.u32 s0, $0xA;
	s2 =	sadd.s32 s3, s2  }
0x8d: {  	s2 =	sadd.s32 s2, s14  }
0x8e: {  	[smem:$0x3FC5] =	sst s2  }
0x8f: {  	_ = 	snop  }
0x90: {  	s2 =	sld [smem:$0x3FD0];
	_ =	sdelay $0x2  }
0x91: {  	s15 =	simm.s32 $0xA;
	s4 =	simm.s32 $0x10  }
0x92: {  	[smem:s4], [sflag:s15] =	dma.local [hbm:s2], $0x1  }
0x93: {  	_ =	swait.eq [sflag:s15], $0x1  }
0x94: {  	[sflag:s15] =	ssyncset.done $0x0  }
0x95: {  	[sflag:s15] =	ssyncadd.s32 $0xFFFFFFFF  }
0x96: {  	s16 =	sld [smem:$0x10];
	(tm) =	ssettm $0x1  }
0x97: {  	s17 =	sld [smem:$0x3FFB];
	_ =	sdelay $0x3  }
0x98: {  	_ =	strace s17  }
0x99: {  	s3 =	sld [smem:$0x3FFC];
	_ =	sdelay $0x3  }
0x9a: {  	_ =	strace s3  }
0x9b: {  	s3 =	sld [smem:$0x3FFD];
	_ =	sdelay $0x3  }
0x9c: {  	_ =	strace s3  }
0x9d: {  	_ =	strace $0x8FFFFFFF  }
0x9e: {  	s18 =	sld [smem:$0x3FDB];
	_ =	sdelay $0x1  }
0x9f: {  	s19 =	simm.s32 $_scs_section_size  }
0xa0: {  	s5 =	simm.s32 $_size__tile_overlayer_lowered;
	s6 =	simm.s32 $_tile_overlayer_lowered  }
0xa1: {  	s22 =	simm.s32 $0x1BFF;
	s21 =	sshll.u32 s6, $0x1;
	s3 =	sadd.s32 s19, s18  }
0xa2: {  	s7 =	simm.s32 $0x0;
	s20 =	sshll.u32 s5, $0x1;
	s5 =	sadd.s32 s21, s3  }
0xa3: {  	[timem:s7], [sflag:s22] =	dma.local [hbm:s5], s20  }
0xa4: {  	_ =	swait.ge [sflag:s22], s20  }
0xa5: {  	s4 =	ssub.s32 $0x0, s20;
	[sflag:s22] =	ssyncset.done $0x0  }
0xa6: {  	[sflag:s22] =	ssyncadd.s32 s4;
	_ =	sdelay $0x1  }
0xa7: {  	s23 =	simm.s32 $0x1B8B  }
0xa8: {  	_ =	swait.ge [sflag:s23], $0x1  }
0xa9: {  	[sflag:s23] =	ssyncset.done $0x0  }
0xaa: {  	s25 =	simm.s32 $0x1B8E;
	s24 =	sld [smem:$0x3FFE];
	[sflag:s23] =	ssyncadd.s32 $0xFFFFFFFF  }
0xab: {  	s26 =	simm.s32 $execute0_lowered;
	[smem:$0x3FD2] =	sst s25  }
0xac: {  	s5 =	sshll.u32 s26, $0x1;
	_ =	strace $0x80000046;
	[dreg:$0x1] =	wrdreg $0xFFFFFFFF  }
0xad: {  	s28 =	simm.s32 $_size_execute0_lowered;
	s3 =	sadd.s32 s3, s5;
	[dreg:$0x0] =	wrdreg $0x0  }
0xae: {  	s5 =	sshll.u32 s28, $0x1;
	[dreg:$0x2] =	wrdreg s3  }
0xaf: {  	[dreg:$0x3] =	wrdreg s5  }
0xb0: {  	[dreg:$0x4] =	wrdreg $0xC0  }
0xb1: {  	_ =	task [dreg:s7], $0x5FFFF  }
0xb2: {  	[dreg:$0x1] =	wrdreg $0xFFFFFFFF  }
0xb3: {  	[dreg:$0x0] =	wrdreg $0x60  }
0xb4: {  	[dreg:$0x2] =	wrdreg s16  }
0xb5: {  	[dreg:$0x3] =	wrdreg s24  }
0xb6: {  	[dreg:$0x4] =	wrdreg $0x9  }
0xb7: {  	_ =	task.clear_ibuf [dreg:s7], $0x5FFFF;
	_ =	strace $0x90000046  }
0xb8: {  	s29 =	simm.s32 $0x9;
	_ =	strace $0x80000048  }
0xb9: {  	_ =	swait.ge [sflag:s29], $0x1  }
0xba: {  	[sflag:s29] =	ssyncadd.s32 $0xFFFFFFFF  }
0xbb: {  	_ =	strace $0x90000048  }
0xbc: {  	_ =	sfence  }
0xbd: {  	s30 =	sld [smem:$0x0];
	_ =	sdelay $0x2  }
0xbe: {  	s31 =	sshll.u32 s1, $0xD;
	s1 =	sshrl.u32 s1, $0x2  }
0xbf: {  	s3 =	sand.u32 $0x4000, s31;
	s1 =	sadd.s32 s1, s30  }
0xc0: {  	s0 =	sor.u32 s3, s0;
	s1 =	sshll.u32 s1, $0x11  }
0xc1: {  	s0 =	sor.u32 s1, s0  }
0xc2: {  	s0 =	sadd.s32 $0x8F2B, s0  }
0xc3: {  	[sflag:s0] =	ssyncadd.remote.s32 $0x1  }
0xc4: {  	_ =	sfence.sel $0xFFFF  }
0xc5: {  	[dreg:$0x0] =	wrdreg $0xFFFFFFFF;
	(pc) =	sbr.abs _section_cstart, $3  }
0xc6: {  	[dreg:$0x1] =	wrdreg $0xFFFFFFFF  }
0xc7: {  	_ =	task.clear_ibuf [dreg:s7], $0x2FFFF;
	_ =	strace $0x9FFFFFFF  }
0xc8: {  	(tm) =	ssettm $0x7FFFFFFF  }
0xc9: {  	_ =	shalt  }
tec
execute0_lowered:
.L_overlay_start_1:
0x0: {  	(tag) =	ssettag $0x1  }
0x1: {  	s0 =	srdreg.scid  }
0x2: {  	s0 =	sand.u32 $0x1, s0  }
0x3: {  	s9 =	stileid.u32;
	s1 =	sshll.u32 s0, $0x4  }
0x4: {  	s2 =	rddreg [dreg:$0x0];
	s1 =	sor.u32 s9, s1  }
0x5: {  	s4 =	rddreg [dreg:$0x1];
	s3 =	simm.s32 $0x0;
	s5 =	smul.u32 $0x50, s1  }
0x6: {  	[smem:$0x7FF] =	sst s3;
	s7 =	smul.u32 $0x14000, s1  }
0x7: {  	s6 =	sadd.s32 $0xE00, s4;
	s8 =	sadd.s32 $0x2600, s4;
	_ =	strace $0x80000047  }
0x8: {  	[dreg:$0x3] =	wrdreg s6;
	s5 =	sadd.s32 s5, s4;
	s7 =	sadd.s32 s8, s7  }
0x9: {  	s25 =	sadd.s32 $0x1000, s5;
	[dreg:$0x1c] =	wrdreg s7  }
0xa: {  	s26 =	smul.u32 $0xA0000, s1;
	s5 =	sadd.s32 $0x1A00, s5;
	[dreg:$0x4] =	wrdreg s25  }
0xb: {  	s30 =	sadd.s32 $0x1000, s7;
	[dreg:$0x5] =	wrdreg s5  }
0xc: {  	s6 =	sshrl.u32 s26, $0x3;
	s31 =	sadd.s32 $0x2000, s7;
	[dreg:$0x6] =	wrdreg s30  }
0xd: {  	s7 =	sadd.s32 $0x3000, s7;
	s6 =	sadd.s32 s8, s6;
	[dreg:$0x7] =	wrdreg s31  }
0xe: {  	[dreg:$0x8] =	wrdreg s7;
	s8 =	sadd.s32 $0x4000, s6  }
0xf: {  	s10 =	sadd.s32 $0x5000, s6;
	[dreg:$0x9] =	wrdreg s8  }
0x10: {  	s11 =	sadd.s32 $0x6000, s6;
	[dreg:$0xa] =	wrdreg s10  }
0x11: {  	s12 =	sadd.s32 $0x7000, s6;
	[dreg:$0xb] =	wrdreg s11  }
0x12: {  	v3 =	vlaneseq.u32;
	v0 =	vimm.f32 $0.0e+00;
	vm0 =	vmmov $0xffff;
	s13 =	sadd.s32 $0x8000, s6;
	[dreg:$0xc] =	wrdreg s12  }
0x13: {  	v4 =	vimm.s32 $0x2380;
	vm1 =	vcmask $0x300;
	v5 =	vimm.s32 $0x6380;
	s28 =	simm.s32 $0x8900;
	s14 =	sadd.s32 $0x9000, s6;
	[dreg:$0xd] =	wrdreg s13  }
0x14: {  	vm2 =	vcmask $0x704;
	s29 =	simm.s32 $0x3;
	v2 =	vshrl.u32 v3, $0x3;
	v1 =	vand.u32 $0x7, v3;
	s16 =	sadd.s32 $0xA000, s6;
	[dreg:$0xe] =	wrdreg s14  }
0x15: {  	s15 =	sshll.u32 s9, $0x4;
	v4 =	vsel vm1, $0x0, v4;
	v5 =	vsel vm1, $0x4000, v5;
	vm1 =	vcmask $0xB08;
	s17 =	sadd.s32 $0xB000, s6;
	[dreg:$0xf] =	wrdreg s16  }
0x16: {  	v3 =	vor.u32 $0x8, v3;
	s0 =	ssub.s32 $0x2, s0;
	v4 =	vsel vm2, $0x80, v4;
	v5 =	vsel vm2, $0x4080, v5;
	s18 =	sadd.s32 $0xC000, s6;
	[dreg:$0x10] =	wrdreg s17  }
0x17: {  	vm2 =	vcmask $0xF0C;
	s20 =	sshrl.u32 s0, $0x1;
	v4 =	vsel vm1, $0x100, v4;
	v5 =	vsel vm1, $0x4100, v5;
	s19 =	sadd.s32 $0xD000, s6;
	[dreg:$0x11] =	wrdreg s18  }
0x18: {  	vm1 =	vcmask $0x1310;
	s0 =	ssub.s32 s0, s20;
	v4 =	vsel vm2, $0x180, v4;
	v5 =	vsel vm2, $0x4180, v5;
	s21 =	sadd.s32 $0xE000, s6;
	[dreg:$0x12] =	wrdreg s19  }
0x19: {  	s1 =	sshll.u32 s1, $0x4;
	vm2 =	vcmask $0x1714;
	v4 =	vsel vm1, $0x200, v4;
	v5 =	vsel vm1, $0x4200, v5;
	s22 =	sadd.s32 $0xF000, s6;
	[dreg:$0x13] =	wrdreg s21  }
0x1a: {  	s1 =	sand.u32 $0x180, s1;
	vm1 =	vcmask $0x1B18;
	v4 =	vsel vm2, $0x280, v4;
	v5 =	vsel vm2, $0x4280, v5;
	s23 =	sadd.s32 $0x10000, s6;
	[dreg:$0x14] =	wrdreg s22  }
0x1b: {  	vm2 =	vcmask $0x1F1C;
	v4 =	vsel vm1, $0x300, v4;
	v5 =	vsel vm1, $0x4300, v5;
	s7 =	sand.u32 $0x70, s15;
	s24 =	sadd.s32 $0x11000, s6;
	[dreg:$0x15] =	wrdreg s23  }
0x1c: {  	vm1 =	vcmask $0x2320;
	s5 =	sadd.s32 $0x100, s2;
	s25 =	sadd.s32 $0x12000, s6;
	v4 =	vsel vm2, $0x380, v4;
	v5 =	vsel vm2, $0x4380, v5;
	[dreg:$0x16] =	wrdreg s24  }
0x1d: {  	s26 =	sadd.s32 $0x13000, s6;
	s6 =	sadd.s32 $0x200, s2;
	vm2 =	vcmask $0x2724;
	[dreg:$0x17] =	wrdreg s25;
	v4 =	vsel vm1, $0x2000, v4;
	v5 =	vsel vm1, $0x6000, v5  }
0x1e: {  	s30 =	simm.s32 $0x280;
	s31 =	simm.s32 $0x18900;
	[dreg:$0x18] =	wrdreg s26;
	vm1 =	vcmask $0x2B28;
	v4 =	vsel vm2, $0x2080, v4;
	v5 =	vsel vm2, $0x6080, v5  }
0x1f: {  	s4 =	sadd.s32 s7, s4;
	s7 =	sadd.s32 $0x300, s2;
	[dreg:$0x1a] =	wrdreg s30;
	vm2 =	vcmask $0x2F2C;
	v4 =	vsel vm1, $0x2100, v4;
	v5 =	vsel vm1, $0x6100, v5  }
0x20: {  	s10 =	simm.s32 $0x500;
	s11 =	simm.s32 $0x900;
	[dreg:$0x1b] =	wrdreg s31;
	vm1 =	vcmask $0x3330;
	v4 =	vsel vm2, $0x2180, v4;
	v5 =	vsel vm2, $0x6180, v5  }
0x21: {  	s21 =	simm.s32 $0x1;
	s22 =	simm.s32 $0x10900;
	s1 =	sadd.s32 s1, s4;
	vm2 =	vcmask $0x3734;
	v4 =	vsel vm1, $0x2200, v4;
	v5 =	vsel vm1, $0x6200, v5  }
0x22: {  	s23 =	simm.s32 $0x2;
	s24 =	simm.s32 $0x4;
	s1 =	sadd.s32 $0x2400, s1;
	vm1 =	vcmask $0x3B38;
	v4 =	vsel vm2, $0x2280, v4;
	v5 =	vsel vm2, $0x6280, v5  }
0x23: {  	v2 =	vmul.u32 $0x8, v2;
	s26 =	simm.s32 $0x5;
	s4 =	smax.u32 s0, $0x1;
	[dreg:$0x19] =	wrdreg s1;
	v4 =	vsel vm1, $0x2300, v4;
	v5 =	vsel vm1, $0x6300, v5  }
.LBB2_1:
0x24: {  	[dreg:$0x1d] =	wrdreg s4  }
0x25: {  	s30 =	rddreg [dreg:$0x4];
	s0 =	simm.s32 $0x7  }
0x26: {  	[tilespmem:s3], [sflag:$0x7] =	stream.linear.gather [hbm4b:s30+s3], $0x280, $0x38;
	[tilespmem:$0x18980] =	vst v63  }
0x27: {  	_ =	swait.ge [sflag:s0], $0x280  }
0x28: {  	s17 =	rddreg [dreg:$0x5];
	[sflag:s0] =	ssyncset.done $0x0  }
0x29: {  	s31 =	rddreg [dreg:$0x1a];
	[sflag:s0] =	ssyncadd.s32 $0xFFFFFD80  }
0x2a: {  	[tilespmem:s31], [sflag:$0x7] =	stream.linear.gather [hbm4b:s17+s3], $0x280, $0x38;
	[tilespmem:$0x18980] =	vst v63  }
0x2b: {  	_ =	swait.ge [sflag:s0], $0x280  }
0x2c: {  	[sflag:s0] =	ssyncset.done $0x0  }
0x2d: {  	s18 =	rddreg [dreg:$0x3];
	[sflag:s0] =	ssyncadd.s32 $0xFFFFFD80  }
0x2e: {  	[tilespmem:s10], [sflag:$0x7] =	stream.linear.gather [hbm4b:s18+s3], $0x400, $0x38;
	[tilespmem:$0x18980] =	vst v63  }
0x2f: {  	_ =	swait.ge [sflag:s0], $0x400  }
0x30: {  	[sflag:s0] =	ssyncset.done $0x0  }
0x31: {  	[sflag:s0] =	ssyncadd.s32 $0xFFFFFC00  }
0x32: {  	v6 =	vld [tilespmem:$0x0];
	_ =	sdelay $0x4  }
0x33: {  	v7 =	vshll.u32 v6, $0x3  }
0x34: {  	v6 =	vand.u32 $0x7, v6;
	v7 =	vand.u32 $0xFFFFFFC0, v7  }
0x35: {  	v6 =	vor.u32 v6, v7  }
0x36: {  	v7 =	vperm.xlane v6, v1;
	_ =	sdelay $0x1  }
0x37: {  	v7 =	vadd.s32 v2, v7;
	_ =	sdelay $0x3  }
0x38: {  	[tilespmem:$0x18900] =	vst v0  }
0x39: {  	[tilespmem:s11], [sflag:$0x1] =	stream.indirect_vreg.gather [hbm4b:s2+s3], $0x80, v7, vm0, $0xb8;
	[tilespmem:$0x18980] =	vst v63  }
0x3a: {  	s19 =	simm.s32 $0x1100;
	v6 =	vperm.xlane v6, v3  }
0x3b: {  	[tilespmem:s19], [sflag:$0x1] =	stream.indirect_vreg.gather [hbm4b:s5+s3], $0x80, v7, vm0, $0xb8;
	[tilespmem:$0x18980] =	vst v63  }
0x3c: {  	s20 =	simm.s32 $0x1900;
	v6 =	vadd.s32 v2, v6  }
0x3d: {  	[tilespmem:s20], [sflag:$0x1] =	stream.indirect_vreg.gather [hbm4b:s6+s3], $0x80, v7, vm0, $0xb8;
	[tilespmem:$0x18980] =	vst v63  }
0x3e: {  	s25 =	simm.s32 $0x2100  }
0x3f: {  	[tilespmem:s25], [sflag:$0x1] =	stream.indirect_vreg.gather [hbm4b:s7+s3], $0x80, v7, vm0, $0xb8;
	[tilespmem:$0x18980] =	vst v63  }
0x40: {  	s30 =	simm.s32 $0x2900  }
0x41: {  	[tilespmem:s30], [sflag:$0x1] =	stream.indirect_vreg.gather [hbm4b:s2+s3], $0x80, v6, vm0, $0xb8;
	[tilespmem:$0x18980] =	vst v63  }
0x42: {  	s31 =	simm.s32 $0x3100  }
0x43: {  	[tilespmem:s31], [sflag:$0x1] =	stream.indirect_vreg.gather [hbm4b:s5+s3], $0x80, v6, vm0, $0xb8;
	[tilespmem:$0x18980] =	vst v63  }
0x44: {  	s4 =	simm.s32 $0x3900  }
0x45: {  	[tilespmem:s4], [sflag:$0x1] =	stream.indirect_vreg.gather [hbm4b:s6+s3], $0x80, v6, vm0, $0xb8;
	[tilespmem:$0x18980] =	vst v63  }
0x46: {  	s8 =	simm.s32 $0x4100  }
0x47: {  	[tilespmem:s8], [sflag:$0x1] =	stream.indirect_vreg.gather [hbm4b:s7+s3], $0x80, v6, vm0, $0xb8;
	[tilespmem:$0x18980] =	vst v63  }
0x48: {  	v6 =	vld [tilespmem:$0x10];
	_ =	sdelay $0x4  }
0x49: {  	v7 =	vshll.u32 v6, $0x3  }
0x4a: {  	v6 =	vand.u32 $0x7, v6;
	v7 =	vand.u32 $0xFFFFFFC0, v7  }
0x4b: {  	v6 =	vor.u32 v6, v7  }
0x4c: {  	v7 =	vperm.xlane v6, v1;
	_ =	sdelay $0x1  }
0x4d: {  	v7 =	vadd.s32 v2, v7;
	_ =	sdelay $0x3  }
0x4e: {  	s9 =	simm.s32 $0x4900  }
0x4f: {  	[tilespmem:s9], [sflag:$0x1] =	stream.indirect_vreg.gather [hbm4b:s2+s3], $0x80, v7, vm0, $0xb8;
	[tilespmem:$0x18980] =	vst v63  }
0x50: {  	s13 =	simm.s32 $0x5100;
	v6 =	vperm.xlane v6, v3  }
0x51: {  	[tilespmem:s13], [sflag:$0x1] =	stream.indirect_vreg.gather [hbm4b:s5+s3], $0x80, v7, vm0, $0xb8;
	[tilespmem:$0x18980] =	vst v63  }
0x52: {  	s14 =	simm.s32 $0x5900;
	v6 =	vadd.s32 v2, v6  }
0x53: {  	[tilespmem:s14], [sflag:$0x1] =	stream.indirect_vreg.gather [hbm4b:s6+s3], $0x80, v7, vm0, $0xb8;
	[tilespmem:$0x18980] =	vst v63  }
0x54: {  	s15 =	simm.s32 $0x6100  }
0x55: {  	[tilespmem:s15], [sflag:$0x1] =	stream.indirect_vreg.gather [hbm4b:s7+s3], $0x80, v7, vm0, $0xb8;
	[tilespmem:$0x18980] =	vst v63  }
0x56: {  	s16 =	simm.s32 $0x6900  }
0x57: {  	[tilespmem:s16], [sflag:$0x1] =	stream.indirect_vreg.gather [hbm4b:s2+s3], $0x80, v6, vm0, $0xb8;
	[tilespmem:$0x18980] =	vst v63  }
0x58: {  	s17 =	simm.s32 $0x7100  }
0x59: {  	[tilespmem:s17], [sflag:$0x1] =	stream.indirect_vreg.gather [hbm4b:s5+s3], $0x80, v6, vm0, $0xb8;
	[tilespmem:$0x18980] =	vst v63  }
0x5a: {  	s25 =	simm.s32 $0x7900  }
0x5b: {  	[tilespmem:s25], [sflag:$0x1] =	stream.indirect_vreg.gather [hbm4b:s6+s3], $0x80, v6, vm0, $0xb8;
	[tilespmem:$0x18980] =	vst v63  }
0x5c: {  	s30 =	simm.s32 $0x8100  }
0x5d: {  	[tilespmem:s30], [sflag:$0x1] =	stream.indirect_vreg.gather [hbm4b:s7+s3], $0x80, v6, vm0, $0xb8;
	[tilespmem:$0x18980] =	vst v63  }
0x5e: {  	v6 =	vld [tilespmem:$0x20];
	_ =	sdelay $0x4  }
0x5f: {  	v7 =	vshll.u32 v6, $0x3  }
0x60: {  	v6 =	vand.u32 $0x7, v6;
	v7 =	vand.u32 $0xFFFFFFC0, v7  }
0x61: {  	v6 =	vor.u32 v6, v7  }
0x62: {  	v7 =	vperm.xlane v6, v1;
	_ =	sdelay $0x1  }
0x63: {  	v7 =	vadd.s32 v2, v7;
	_ =	sdelay $0x4  }
0x64: {  	[tilespmem:s28], [sflag:$0x2] =	stream.indirect_vreg.gather [hbm4b:s2+s3], $0x80, v7, vm0, $0xb8;
	[tilespmem:$0x18980] =	vst v63  }
0x65: {  	s25 =	simm.s32 $0x9100;
	v6 =	vperm.xlane v6, v3  }
0x66: {  	[tilespmem:s25], [sflag:$0x2] =	stream.indirect_vreg.gather [hbm4b:s5+s3], $0x80, v7, vm0, $0xb8;
	[tilespmem:$0x18980] =	vst v63  }
0x67: {  	v6 =	vadd.s32 v2, v6;
	s25 =	simm.s32 $0x9900  }
0x68: {  	[tilespmem:s25], [sflag:$0x2] =	stream.indirect_vreg.gather [hbm4b:s6+s3], $0x80, v7, vm0, $0xb8;
	[tilespmem:$0x18980] =	vst v63  }
0x69: {  	s30 =	simm.s32 $0xA100  }
0x6a: {  	[tilespmem:s30], [sflag:$0x2] =	stream.indirect_vreg.gather [hbm4b:s7+s3], $0x80, v7, vm0, $0xb8;
	[tilespmem:$0x18980] =	vst v63  }
0x6b: {  	s30 =	simm.s32 $0xA900  }
0x6c: {  	[tilespmem:s30], [sflag:$0x2] =	stream.indirect_vreg.gather [hbm4b:s2+s3], $0x80, v6, vm0, $0xb8;
	[tilespmem:$0x18980] =	vst v63  }
0x6d: {  	s30 =	simm.s32 $0xB100  }
0x6e: {  	[tilespmem:s30], [sflag:$0x2] =	stream.indirect_vreg.gather [hbm4b:s5+s3], $0x80, v6, vm0, $0xb8;
	[tilespmem:$0x18980] =	vst v63  }
0x6f: {  	s30 =	simm.s32 $0xB900  }
0x70: {  	[tilespmem:s30], [sflag:$0x2] =	stream.indirect_vreg.gather [hbm4b:s6+s3], $0x80, v6, vm0, $0xb8;
	[tilespmem:$0x18980] =	vst v63  }
0x71: {  	s30 =	simm.s32 $0xC100  }
0x72: {  	[tilespmem:s30], [sflag:$0x2] =	stream.indirect_vreg.gather [hbm4b:s7+s3], $0x80, v6, vm0, $0xb8;
	[tilespmem:$0x18980] =	vst v63  }
0x73: {  	v6 =	vld [tilespmem:$0x30];
	_ =	sdelay $0x4  }
0x74: {  	v7 =	vshll.u32 v6, $0x3  }
0x75: {  	v6 =	vand.u32 $0x7, v6;
	v7 =	vand.u32 $0xFFFFFFC0, v7  }
0x76: {  	v6 =	vor.u32 v6, v7  }
0x77: {  	v7 =	vperm.xlane v6, v1;
	_ =	sdelay $0x1  }
0x78: {  	v7 =	vadd.s32 v2, v7;
	_ =	sdelay $0x3  }
0x79: {  	s30 =	simm.s32 $0xC900  }
0x7a: {  	[tilespmem:s30], [sflag:$0x2] =	stream.indirect_vreg.gather [hbm4b:s2+s3], $0x80, v7, vm0, $0xb8;
	[tilespmem:$0x18980] =	vst v63  }
0x7b: {  	v6 =	vperm.xlane v6, v3;
	s30 =	simm.s32 $0xD100  }
0x7c: {  	[tilespmem:s30], [sflag:$0x2] =	stream.indirect_vreg.gather [hbm4b:s5+s3], $0x80, v7, vm0, $0xb8;
	[tilespmem:$0x18980] =	vst v63  }
0x7d: {  	v6 =	vadd.s32 v2, v6;
	s30 =	simm.s32 $0xD900  }
0x7e: {  	[tilespmem:s30], [sflag:$0x2] =	stream.indirect_vreg.gather [hbm4b:s6+s3], $0x80, v7, vm0, $0xb8;
	[tilespmem:$0x18980] =	vst v63  }
0x7f: {  	s30 =	simm.s32 $0xE100  }
0x80: {  	[tilespmem:s30], [sflag:$0x2] =	stream.indirect_vreg.gather [hbm4b:s7+s3], $0x80, v7, vm0, $0xb8;
	[tilespmem:$0x18980] =	vst v63  }
0x81: {  	s30 =	simm.s32 $0xE900  }
0x82: {  	[tilespmem:s30], [sflag:$0x2] =	stream.indirect_vreg.gather [hbm4b:s2+s3], $0x80, v6, vm0, $0xb8;
	[tilespmem:$0x18980] =	vst v63  }
0x83: {  	s30 =	simm.s32 $0xF100  }
0x84: {  	[tilespmem:s30], [sflag:$0x2] =	stream.indirect_vreg.gather [hbm4b:s5+s3], $0x80, v6, vm0, $0xb8;
	[tilespmem:$0x18980] =	vst v63  }
0x85: {  	s30 =	simm.s32 $0xF900  }
0x86: {  	[tilespmem:s30], [sflag:$0x2] =	stream.indirect_vreg.gather [hbm4b:s6+s3], $0x80, v6, vm0, $0xb8;
	[tilespmem:$0x18980] =	vst v63  }
0x87: {  	s30 =	simm.s32 $0x10100  }
0x88: {  	[tilespmem:s30], [sflag:$0x2] =	stream.indirect_vreg.gather [hbm4b:s7+s3], $0x80, v6, vm0, $0xb8;
	[tilespmem:$0x18980] =	vst v63  }
0x89: {  	_ =	swait.ge [sflag:s21], $0x8000  }
0x8a: {  	[sflag:s21] =	ssyncset.done $0x0  }
0x8b: {  	[sflag:s21] =	ssyncadd.s32 $0xFFFF8000  }
0x8c: {  	v6 =	vld [tilespmem:$0x40];
	_ =	sdelay $0x4  }
0x8d: {  	v7 =	vshll.u32 v6, $0x3  }
0x8e: {  	v6 =	vand.u32 $0x7, v6;
	v7 =	vand.u32 $0xFFFFFFC0, v7  }
0x8f: {  	v6 =	vor.u32 v6, v7  }
0x90: {  	v7 =	vperm.xlane v6, v1;
	_ =	sdelay $0x1  }
0x91: {  	v7 =	vadd.s32 v2, v7;
	_ =	sdelay $0x4  }
0x92: {  	[tilespmem:s22], [sflag:$0x3] =	stream.indirect_vreg.gather [hbm4b:s2+s3], $0x80, v7, vm0, $0xb8;
	[tilespmem:$0x18980] =	vst v63  }
0x93: {  	s30 =	simm.s32 $0x11100;
	v6 =	vperm.xlane v6, v3  }
0x94: {  	[tilespmem:s30], [sflag:$0x3] =	stream.indirect_vreg.gather [hbm4b:s5+s3], $0x80, v7, vm0, $0xb8;
	[tilespmem:$0x18980] =	vst v63  }
0x95: {  	v6 =	vadd.s32 v2, v6;
	s30 =	simm.s32 $0x11900  }
0x96: {  	[tilespmem:s30], [sflag:$0x3] =	stream.indirect_vreg.gather [hbm4b:s6+s3], $0x80, v7, vm0, $0xb8;
	[tilespmem:$0x18980] =	vst v63  }
0x97: {  	s30 =	simm.s32 $0x12100  }
0x98: {  	[tilespmem:s30], [sflag:$0x3] =	stream.indirect_vreg.gather [hbm4b:s7+s3], $0x80, v7, vm0, $0xb8;
	[tilespmem:$0x18980] =	vst v63  }
0x99: {  	s30 =	simm.s32 $0x12900  }
0x9a: {  	[tilespmem:s30], [sflag:$0x3] =	stream.indirect_vreg.gather [hbm4b:s2+s3], $0x80, v6, vm0, $0xb8;
	[tilespmem:$0x18980] =	vst v63  }
0x9b: {  	s30 =	simm.s32 $0x13100  }
0x9c: {  	[tilespmem:s30], [sflag:$0x3] =	stream.indirect_vreg.gather [hbm4b:s5+s3], $0x80, v6, vm0, $0xb8;
	[tilespmem:$0x18980] =	vst v63  }
0x9d: {  	s30 =	simm.s32 $0x13900  }
0x9e: {  	[tilespmem:s30], [sflag:$0x3] =	stream.indirect_vreg.gather [hbm4b:s6+s3], $0x80, v6, vm0, $0xb8;
	[tilespmem:$0x18980] =	vst v63  }
0x9f: {  	s30 =	simm.s32 $0x14100  }
0xa0: {  	[tilespmem:s30], [sflag:$0x3] =	stream.indirect_vreg.gather [hbm4b:s7+s3], $0x80, v6, vm0, $0xb8;
	[tilespmem:$0x18980] =	vst v63  }
0xa1: {  	v6 =	vld [tilespmem:$0x50];
	_ =	sdelay $0x4  }
0xa2: {  	v7 =	vshll.u32 v6, $0x3  }
0xa3: {  	v6 =	vand.u32 $0x7, v6;
	v7 =	vand.u32 $0xFFFFFFC0, v7  }
0xa4: {  	v6 =	vor.u32 v6, v7  }
0xa5: {  	v7 =	vperm.xlane v6, v1;
	_ =	sdelay $0x1  }
0xa6: {  	v7 =	vadd.s32 v2, v7;
	_ =	sdelay $0x3  }
0xa7: {  	s30 =	simm.s32 $0x14900  }
0xa8: {  	[tilespmem:s30], [sflag:$0x3] =	stream.indirect_vreg.gather [hbm4b:s2+s3], $0x80, v7, vm0, $0xb8;
	[tilespmem:$0x18980] =	vst v63  }
0xa9: {  	v6 =	vperm.xlane v6, v3;
	s30 =	simm.s32 $0x15100  }
0xaa: {  	[tilespmem:s30], [sflag:$0x3] =	stream.indirect_vreg.gather [hbm4b:s5+s3], $0x80, v7, vm0, $0xb8;
	[tilespmem:$0x18980] =	vst v63  }
0xab: {  	v6 =	vadd.s32 v2, v6;
	s30 =	simm.s32 $0x15900  }
0xac: {  	[tilespmem:s30], [sflag:$0x3] =	stream.indirect_vreg.gather [hbm4b:s6+s3], $0x80, v7, vm0, $0xb8;
	[tilespmem:$0x18980] =	vst v63  }
0xad: {  	s30 =	simm.s32 $0x16100  }
0xae: {  	[tilespmem:s30], [sflag:$0x3] =	stream.indirect_vreg.gather [hbm4b:s7+s3], $0x80, v7, vm0, $0xb8;
	[tilespmem:$0x18980] =	vst v63  }
0xaf: {  	s30 =	simm.s32 $0x16900  }
0xb0: {  	[tilespmem:s30], [sflag:$0x3] =	stream.indirect_vreg.gather [hbm4b:s2+s3], $0x80, v6, vm0, $0xb8;
	[tilespmem:$0x18980] =	vst v63  }
0xb1: {  	s30 =	simm.s32 $0x17100  }
0xb2: {  	[tilespmem:s30], [sflag:$0x3] =	stream.indirect_vreg.gather [hbm4b:s5+s3], $0x80, v6, vm0, $0xb8;
	[tilespmem:$0x18980] =	vst v63  }
0xb3: {  	s30 =	simm.s32 $0x17900  }
0xb4: {  	[tilespmem:s30], [sflag:$0x3] =	stream.indirect_vreg.gather [hbm4b:s6+s3], $0x80, v6, vm0, $0xb8;
	[tilespmem:$0x18980] =	vst v63  }
0xb5: {  	s30 =	simm.s32 $0x18100  }
0xb6: {  	[tilespmem:s30], [sflag:$0x3] =	stream.indirect_vreg.gather [hbm4b:s7+s3], $0x80, v6, vm0, $0xb8;
	[tilespmem:$0x18980] =	vst v63  }
0xb7: {  	v6 =	vld [tilespmem:$0x280];
	_ =	sdelay $0x3  }
0xb8: {  	v8 =	vld [tilespmem:$0x0]  }
0xb9: {  	v7 =	vshll.u32 v6, $0x3  }
0xba: {  	v6 =	vand.u32 $0x7F, v6;
	v7 =	vand.u32 $0xFFFFFC00, v7  }
0xbb: {  	v6 =	vor.u32 v6, v7  }
0xbc: {  	v6 =	vadd.s32 v4, v6;
	_ =	sdelay $0x1  }
0xbd: {  	v7 =	vld [tilespmem:$0x290];
	_ =	sdelay $0x1  }
0xbe: {  	v8 =	vld.idx.msk [tilespmem:v8+s10+$0x0], $0xffff  }
0xbf: {  	v6 =	vld.idx.msk [tilespmem:v6+s11+$0x0], $0xffff;
	_ =	sdelay $0x1  }
0xc0: {  	v9 =	vld [tilespmem:$0x18900];
	v10 =	vshll.u32 v7, $0x3  }
0xc1: {  	v11 =	vld [tilespmem:$0x10];
	v7 =	vand.u32 $0x7F, v7;
	v10 =	vand.u32 $0xFFFFFC00, v10  }
0xc2: {  	v7 =	vor.u32 v7, v10  }
0xc3: {  	v7 =	vadd.s32 v5, v7;
	v6 =	vsub.f32 v8, v6;
	_ =	sdelay $0x1  }
0xc4: {  	v6 =	vadd.f32 v6, v9;
	_ =	sdelay $0x1  }
0xc5: {  	[tilespmem:$0x18900] =	vst v6  }
0xc6: {  	v7 =	vld.idx.msk [tilespmem:v7+s11+$0x0], $0xffff  }
0xc7: {  	v20 =	vld.idx.msk [tilespmem:v11+s10+$0x0], $0xffff;
	_ =	sdelay $0x4  }
0xc8: {  	v7 =	vsub.f32 v20, v7;
	_ =	sdelay $0x1  }
0xc9: {  	v6 =	vadd.f32 v7, v6;
	_ =	sdelay $0x1  }
0xca: {  	s30 =	rddreg [dreg:$0x1c];
	[tilespmem:$0x18900] =	vst v6  }
0xcb: {  	[hbm4b:s30+s3] =	stream.linear.scatter [tilespmem:s11], [sflag:$0x4], $0x8000, $0x38;
	[tilespmem:$0x18980] =	vst v63  }
0xcc: {  	_ =	swait.ge [sflag:s23], $0x8000  }
0xcd: {  	[sflag:s23] =	ssyncset.done $0x0  }
0xce: {  	[sflag:s23] =	ssyncadd.s32 $0xFFFF8000  }
0xcf: {  	_ =	swait.ge [sflag:s24], $0x8000  }
0xd0: {  	[sflag:s24] =	ssyncset.done $0x0  }
0xd1: {  	[sflag:s24] =	ssyncadd.s32 $0xFFFF8000  }
0xd2: {  	v6 =	vld [tilespmem:$0x60];
	_ =	sdelay $0x4  }
0xd3: {  	v7 =	vshll.u32 v6, $0x3  }
0xd4: {  	v6 =	vand.u32 $0x7, v6;
	v7 =	vand.u32 $0xFFFFFFC0, v7  }
0xd5: {  	v6 =	vor.u32 v6, v7  }
0xd6: {  	v7 =	vperm.xlane v6, v1;
	_ =	sdelay $0x1  }
0xd7: {  	v7 =	vadd.s32 v2, v7;
	_ =	sdelay $0x4  }
0xd8: {  	[tilespmem:s11], [sflag:$0x1] =	stream.indirect_vreg.gather [hbm4b:s2+s3], $0x80, v7, vm0, $0xb8;
	[tilespmem:$0x18980] =	vst v63  }
0xd9: {  	s1 =	simm.s32 $0x1100;
	v6 =	vperm.xlane v6, v3  }
0xda: {  	[tilespmem:s1], [sflag:$0x1] =	stream.indirect_vreg.gather [hbm4b:s5+s3], $0x80, v7, vm0, $0xb8;
	[tilespmem:$0x18980] =	vst v63  }
0xdb: {  	s18 =	simm.s32 $0x1900;
	v6 =	vadd.s32 v2, v6  }
0xdc: {  	[tilespmem:s18], [sflag:$0x1] =	stream.indirect_vreg.gather [hbm4b:s6+s3], $0x80, v7, vm0, $0xb8;
	[tilespmem:$0x18980] =	vst v63  }
0xdd: {  	s19 =	simm.s32 $0x2100  }
0xde: {  	[tilespmem:s19], [sflag:$0x1] =	stream.indirect_vreg.gather [hbm4b:s7+s3], $0x80, v7, vm0, $0xb8;
	[tilespmem:$0x18980] =	vst v63  }
0xdf: {  	s20 =	simm.s32 $0x2900  }
0xe0: {  	[tilespmem:s20], [sflag:$0x1] =	stream.indirect_vreg.gather [hbm4b:s2+s3], $0x80, v6, vm0, $0xb8;
	[tilespmem:$0x18980] =	vst v63  }
0xe1: {  	s31 =	simm.s32 $0x3100  }
0xe2: {  	[tilespmem:s31], [sflag:$0x1] =	stream.indirect_vreg.gather [hbm4b:s5+s3], $0x80, v6, vm0, $0xb8;
	[tilespmem:$0x18980] =	vst v63  }
0xe3: {  	s12 =	simm.s32 $0x3900  }
0xe4: {  	[tilespmem:s12], [sflag:$0x1] =	stream.indirect_vreg.gather [hbm4b:s6+s3], $0x80, v6, vm0, $0xb8;
	[tilespmem:$0x18980] =	vst v63  }
0xe5: {  	s4 =	simm.s32 $0x4100  }
0xe6: {  	[tilespmem:s4], [sflag:$0x1] =	stream.indirect_vreg.gather [hbm4b:s7+s3], $0x80, v6, vm0, $0xb8;
	[tilespmem:$0x18980] =	vst v63  }
0xe7: {  	v6 =	vld [tilespmem:$0x70];
	_ =	sdelay $0x4  }
0xe8: {  	v7 =	vshll.u32 v6, $0x3  }
0xe9: {  	v6 =	vand.u32 $0x7, v6;
	v7 =	vand.u32 $0xFFFFFFC0, v7  }
0xea: {  	v6 =	vor.u32 v6, v7  }
0xeb: {  	v7 =	vperm.xlane v6, v1;
	_ =	sdelay $0x1  }
0xec: {  	v7 =	vadd.s32 v2, v7;
	_ =	sdelay $0x3  }
0xed: {  	s8 =	simm.s32 $0x4900  }
0xee: {  	[tilespmem:s8], [sflag:$0x1] =	stream.indirect_vreg.gather [hbm4b:s2+s3], $0x80, v7, vm0, $0xb8;
	[tilespmem:$0x18980] =	vst v63  }
0xef: {  	s9 =	simm.s32 $0x5100;
	v6 =	vperm.xlane v6, v3  }
0xf0: {  	[tilespmem:s9], [sflag:$0x1] =	stream.indirect_vreg.gather [hbm4b:s5+s3], $0x80, v7, vm0, $0xb8;
	[tilespmem:$0x18980] =	vst v63  }
0xf1: {  	s13 =	simm.s32 $0x5900;
	v6 =	vadd.s32 v2, v6  }
0xf2: {  	[tilespmem:s13], [sflag:$0x1] =	stream.indirect_vreg.gather [hbm4b:s6+s3], $0x80, v7, vm0, $0xb8;
	[tilespmem:$0x18980] =	vst v63  }
0xf3: {  	s14 =	simm.s32 $0x6100  }
0xf4: {  	[tilespmem:s14], [sflag:$0x1] =	stream.indirect_vreg.gather [hbm4b:s7+s3], $0x80, v7, vm0, $0xb8;
	[tilespmem:$0x18980] =	vst v63  }
0xf5: {  	s15 =	simm.s32 $0x6900  }
0xf6: {  	[tilespmem:s15], [sflag:$0x1] =	stream.indirect_vreg.gather [hbm4b:s2+s3], $0x80, v6, vm0, $0xb8;
	[tilespmem:$0x18980] =	vst v63  }
0xf7: {  	s16 =	simm.s32 $0x7100  }
0xf8: {  	[tilespmem:s16], [sflag:$0x1] =	stream.indirect_vreg.gather [hbm4b:s5+s3], $0x80, v6, vm0, $0xb8;
	[tilespmem:$0x18980] =	vst v63  }
0xf9: {  	s17 =	simm.s32 $0x7900  }
0xfa: {  	[tilespmem:s17], [sflag:$0x1] =	stream.indirect_vreg.gather [hbm4b:s6+s3], $0x80, v6, vm0, $0xb8;
	[tilespmem:$0x18980] =	vst v63  }
0xfb: {  	s0 =	simm.s32 $0x8100  }
0xfc: {  	[tilespmem:s0], [sflag:$0x1] =	stream.indirect_vreg.gather [hbm4b:s7+s3], $0x80, v6, vm0, $0xb8;
	[tilespmem:$0x18980] =	vst v63  }
0xfd: {  	v6 =	vld [tilespmem:$0x2A0];
	_ =	sdelay $0x3  }
0xfe: {  	v21 =	vld [tilespmem:$0x20]  }
0xff: {  	v7 =	vshll.u32 v6, $0x3  }
0x100: {  	v6 =	vand.u32 $0x7F, v6;
	v7 =	vand.u32 $0xFFFFFC00, v7  }
0x101: {  	v6 =	vor.u32 v6, v7  }
0x102: {  	v6 =	vadd.s32 v4, v6;
	_ =	sdelay $0x1  }
0x103: {  	v7 =	vld [tilespmem:$0x2B0];
	_ =	sdelay $0x1  }
0x104: {  	v8 =	vld.idx.msk [tilespmem:v21+s10+$0x0], $0xffff  }
0x105: {  	v6 =	vld.idx.msk [tilespmem:v6+s28+$0x0], $0xffff;
	_ =	sdelay $0x1  }
0x106: {  	v22 =	vld [tilespmem:$0x18900];
	v23 =	vshll.u32 v7, $0x3  }
0x107: {  	v24 =	vld [tilespmem:$0x30];
	v7 =	vand.u32 $0x7F, v7;
	v10 =	vand.u32 $0xFFFFFC00, v23  }
0x108: {  	v7 =	vor.u32 v7, v10  }
0x109: {  	v7 =	vadd.s32 v5, v7;
	v6 =	vsub.f32 v8, v6;
	_ =	sdelay $0x1  }
0x10a: {  	v6 =	vadd.f32 v6, v22;
	_ =	sdelay $0x1  }
0x10b: {  	[tilespmem:$0x18900] =	vst v6  }
0x10c: {  	v7 =	vld.idx.msk [tilespmem:v7+s28+$0x0], $0xffff  }
0x10d: {  	v25 =	vld.idx.msk [tilespmem:v24+s10+$0x0], $0xffff;
	_ =	sdelay $0x4  }
0x10e: {  	v7 =	vsub.f32 v25, v7;
	_ =	sdelay $0x1  }
0x10f: {  	v6 =	vadd.f32 v7, v6;
	_ =	sdelay $0x1  }
0x110: {  	s19 =	rddreg [dreg:$0x6];
	[tilespmem:$0x18900] =	vst v6  }
0x111: {  	[hbm4b:s19+s3] =	stream.linear.scatter [tilespmem:s28], [sflag:$0x5], $0x8000, $0x38;
	[tilespmem:$0x18980] =	vst v63  }
0x112: {  	_ =	swait.ge [sflag:s29], $0x8000  }
0x113: {  	[sflag:s29] =	ssyncset.done $0x0  }
0x114: {  	[sflag:s29] =	ssyncadd.s32 $0xFFFF8000  }
0x115: {  	_ =	swait.ge [sflag:s26], $0x8000  }
0x116: {  	[sflag:s26] =	ssyncset.done $0x0  }
0x117: {  	[sflag:s26] =	ssyncadd.s32 $0xFFFF8000  }
0x118: {  	v6 =	vld [tilespmem:$0x80];
	_ =	sdelay $0x4  }
0x119: {  	v7 =	vshll.u32 v6, $0x3  }
0x11a: {  	v6 =	vand.u32 $0x7, v6;
	v7 =	vand.u32 $0xFFFFFFC0, v7  }
0x11b: {  	v6 =	vor.u32 v6, v7  }
0x11c: {  	v7 =	vperm.xlane v6, v1;
	_ =	sdelay $0x1  }
0x11d: {  	v7 =	vadd.s32 v2, v7;
	_ =	sdelay $0x4  }
0x11e: {  	[tilespmem:s28], [sflag:$0x2] =	stream.indirect_vreg.gather [hbm4b:s2+s3], $0x80, v7, vm0, $0xb8;
	[tilespmem:$0x18980] =	vst v63  }
0x11f: {  	s20 =	simm.s32 $0x9100;
	v6 =	vperm.xlane v6, v3  }
0x120: {  	[tilespmem:s20], [sflag:$0x2] =	stream.indirect_vreg.gather [hbm4b:s5+s3], $0x80, v7, vm0, $0xb8;
	[tilespmem:$0x18980] =	vst v63  }
0x121: {  	s25 =	simm.s32 $0x9900;
	v6 =	vadd.s32 v2, v6  }
0x122: {  	[tilespmem:s25], [sflag:$0x2] =	stream.indirect_vreg.gather [hbm4b:s6+s3], $0x80, v7, vm0, $0xb8;
	[tilespmem:$0x18980] =	vst v63  }
0x123: {  	s25 =	simm.s32 $0xA100  }
0x124: {  	[tilespmem:s25], [sflag:$0x2] =	stream.indirect_vreg.gather [hbm4b:s7+s3], $0x80, v7, vm0, $0xb8;
	[tilespmem:$0x18980] =	vst v63  }
0x125: {  	s30 =	simm.s32 $0xA900  }
0x126: {  	[tilespmem:s30], [sflag:$0x2] =	stream.indirect_vreg.gather [hbm4b:s2+s3], $0x80, v6, vm0, $0xb8;
	[tilespmem:$0x18980] =	vst v63  }
0x127: {  	s31 =	simm.s32 $0xB100  }
0x128: {  	[tilespmem:s31], [sflag:$0x2] =	stream.indirect_vreg.gather [hbm4b:s5+s3], $0x80, v6, vm0, $0xb8;
	[tilespmem:$0x18980] =	vst v63  }
0x129: {  	s1 =	simm.s32 $0xB900  }
0x12a: {  	[tilespmem:s1], [sflag:$0x2] =	stream.indirect_vreg.gather [hbm4b:s6+s3], $0x80, v6, vm0, $0xb8;
	[tilespmem:$0x18980] =	vst v63  }
0x12b: {  	s4 =	simm.s32 $0xC100  }
0x12c: {  	[tilespmem:s4], [sflag:$0x2] =	stream.indirect_vreg.gather [hbm4b:s7+s3], $0x80, v6, vm0, $0xb8;
	[tilespmem:$0x18980] =	vst v63  }
0x12d: {  	v6 =	vld [tilespmem:$0x90];
	_ =	sdelay $0x4  }
0x12e: {  	v7 =	vshll.u32 v6, $0x3  }
0x12f: {  	v6 =	vand.u32 $0x7, v6;
	v7 =	vand.u32 $0xFFFFFFC0, v7  }
0x130: {  	v6 =	vor.u32 v6, v7  }
0x131: {  	v7 =	vperm.xlane v6, v1;
	_ =	sdelay $0x1  }
0x132: {  	v7 =	vadd.s32 v2, v7;
	_ =	sdelay $0x3  }
0x133: {  	s8 =	simm.s32 $0xC900  }
0x134: {  	[tilespmem:s8], [sflag:$0x2] =	stream.indirect_vreg.gather [hbm4b:s2+s3], $0x80, v7, vm0, $0xb8;
	[tilespmem:$0x18980] =	vst v63  }
0x135: {  	s9 =	simm.s32 $0xD100;
	v6 =	vperm.xlane v6, v3  }
0x136: {  	[tilespmem:s9], [sflag:$0x2] =	stream.indirect_vreg.gather [hbm4b:s5+s3], $0x80, v7, vm0, $0xb8;
	[tilespmem:$0x18980] =	vst v63  }
0x137: {  	s12 =	simm.s32 $0xD900;
	v6 =	vadd.s32 v2, v6  }
0x138: {  	[tilespmem:s12], [sflag:$0x2] =	stream.indirect_vreg.gather [hbm4b:s6+s3], $0x80, v7, vm0, $0xb8;
	[tilespmem:$0x18980] =	vst v63  }
0x139: {  	s13 =	simm.s32 $0xE100  }
0x13a: {  	[tilespmem:s13], [sflag:$0x2] =	stream.indirect_vreg.gather [hbm4b:s7+s3], $0x80, v7, vm0, $0xb8;
	[tilespmem:$0x18980] =	vst v63  }
0x13b: {  	s14 =	simm.s32 $0xE900  }
0x13c: {  	[tilespmem:s14], [sflag:$0x2] =	stream.indirect_vreg.gather [hbm4b:s2+s3], $0x80, v6, vm0, $0xb8;
	[tilespmem:$0x18980] =	vst v63  }
0x13d: {  	s15 =	simm.s32 $0xF100  }
0x13e: {  	[tilespmem:s15], [sflag:$0x2] =	stream.indirect_vreg.gather [hbm4b:s5+s3], $0x80, v6, vm0, $0xb8;
	[tilespmem:$0x18980] =	vst v63  }
0x13f: {  	s16 =	simm.s32 $0xF900  }
0x140: {  	[tilespmem:s16], [sflag:$0x2] =	stream.indirect_vreg.gather [hbm4b:s6+s3], $0x80, v6, vm0, $0xb8;
	[tilespmem:$0x18980] =	vst v63  }
0x141: {  	s17 =	simm.s32 $0x10100  }
0x142: {  	[tilespmem:s17], [sflag:$0x2] =	stream.indirect_vreg.gather [hbm4b:s7+s3], $0x80, v6, vm0, $0xb8;
	[tilespmem:$0x18980] =	vst v63  }
0x143: {  	v6 =	vld [tilespmem:$0x2C0];
	_ =	sdelay $0x3  }
0x144: {  	v26 =	vld [tilespmem:$0x40]  }
0x145: {  	v7 =	vshll.u32 v6, $0x3  }
0x146: {  	v6 =	vand.u32 $0x7F, v6;
	v7 =	vand.u32 $0xFFFFFC00, v7  }
0x147: {  	v6 =	vor.u32 v6, v7  }
0x148: {  	v6 =	vadd.s32 v4, v6;
	_ =	sdelay $0x1  }
0x149: {  	v7 =	vld [tilespmem:$0x2D0];
	_ =	sdelay $0x1  }
0x14a: {  	v8 =	vld.idx.msk [tilespmem:v26+s10+$0x0], $0xffff  }
0x14b: {  	v6 =	vld.idx.msk [tilespmem:v6+s22+$0x0], $0xffff;
	_ =	sdelay $0x1  }
0x14c: {  	v27 =	vld [tilespmem:$0x18900];
	v28 =	vshll.u32 v7, $0x3  }
0x14d: {  	v29 =	vld [tilespmem:$0x50];
	v7 =	vand.u32 $0x7F, v7;
	v10 =	vand.u32 $0xFFFFFC00, v28  }
0x14e: {  	v7 =	vor.u32 v7, v10  }
0x14f: {  	v7 =	vadd.s32 v5, v7;
	v6 =	vsub.f32 v8, v6;
	_ =	sdelay $0x1  }
0x150: {  	v6 =	vadd.f32 v6, v27;
	_ =	sdelay $0x1  }
0x151: {  	[tilespmem:$0x18900] =	vst v6  }
0x152: {  	v7 =	vld.idx.msk [tilespmem:v7+s22+$0x0], $0xffff  }
0x153: {  	v30 =	vld.idx.msk [tilespmem:v29+s10+$0x0], $0xffff;
	_ =	sdelay $0x4  }
0x154: {  	v7 =	vsub.f32 v30, v7;
	_ =	sdelay $0x1  }
0x155: {  	v6 =	vadd.f32 v7, v6;
	_ =	sdelay $0x1  }
0x156: {  	s18 =	rddreg [dreg:$0x7];
	[tilespmem:$0x18900] =	vst v6  }
0x157: {  	[hbm4b:s18+s3] =	stream.linear.scatter [tilespmem:s22], [sflag:$0x6], $0x8000, $0x38;
	[tilespmem:$0x18980] =	vst v63  }
0x158: {  	_ =	swait.ge [sflag:s21], $0x8000  }
0x159: {  	[sflag:s21] =	ssyncset.done $0x0  }
0x15a: {  	s0 =	simm.s32 $0x6;
	[sflag:s21] =	ssyncadd.s32 $0xFFFF8000  }
0x15b: {  	_ =	swait.ge [sflag:s0], $0x8000  }
0x15c: {  	[sflag:s0] =	ssyncset.done $0x0  }
0x15d: {  	[sflag:s0] =	ssyncadd.s32 $0xFFFF8000  }
0x15e: {  	v6 =	vld [tilespmem:$0xA0];
	_ =	sdelay $0x4  }
0x15f: {  	v7 =	vshll.u32 v6, $0x3  }
0x160: {  	v6 =	vand.u32 $0x7, v6;
	v7 =	vand.u32 $0xFFFFFFC0, v7  }
0x161: {  	v6 =	vor.u32 v6, v7  }
0x162: {  	v7 =	vperm.xlane v6, v1;
	_ =	sdelay $0x1  }
0x163: {  	v7 =	vadd.s32 v2, v7;
	_ =	sdelay $0x4  }
0x164: {  	[tilespmem:s22], [sflag:$0x3] =	stream.indirect_vreg.gather [hbm4b:s2+s3], $0x80, v7, vm0, $0xb8;
	[tilespmem:$0x18980] =	vst v63  }
0x165: {  	s17 =	simm.s32 $0x11100;
	v6 =	vperm.xlane v6, v3  }
0x166: {  	[tilespmem:s17], [sflag:$0x3] =	stream.indirect_vreg.gather [hbm4b:s5+s3], $0x80, v7, vm0, $0xb8;
	[tilespmem:$0x18980] =	vst v63  }
0x167: {  	s31 =	simm.s32 $0x11900;
	v6 =	vadd.s32 v2, v6  }
0x168: {  	[tilespmem:s31], [sflag:$0x3] =	stream.indirect_vreg.gather [hbm4b:s6+s3], $0x80, v7, vm0, $0xb8;
	[tilespmem:$0x18980] =	vst v63  }
0x169: {  	s1 =	simm.s32 $0x12100  }
0x16a: {  	[tilespmem:s1], [sflag:$0x3] =	stream.indirect_vreg.gather [hbm4b:s7+s3], $0x80, v7, vm0, $0xb8;
	[tilespmem:$0x18980] =	vst v63  }
0x16b: {  	s4 =	simm.s32 $0x12900  }
0x16c: {  	[tilespmem:s4], [sflag:$0x3] =	stream.indirect_vreg.gather [hbm4b:s2+s3], $0x80, v6, vm0, $0xb8;
	[tilespmem:$0x18980] =	vst v63  }
0x16d: {  	s8 =	simm.s32 $0x13100  }
0x16e: {  	[tilespmem:s8], [sflag:$0x3] =	stream.indirect_vreg.gather [hbm4b:s5+s3], $0x80, v6, vm0, $0xb8;
	[tilespmem:$0x18980] =	vst v63  }
0x16f: {  	s9 =	simm.s32 $0x13900  }
0x170: {  	[tilespmem:s9], [sflag:$0x3] =	stream.indirect_vreg.gather [hbm4b:s6+s3], $0x80, v6, vm0, $0xb8;
	[tilespmem:$0x18980] =	vst v63  }
0x171: {  	s18 =	simm.s32 $0x14100  }
0x172: {  	[tilespmem:s18], [sflag:$0x3] =	stream.indirect_vreg.gather [hbm4b:s7+s3], $0x80, v6, vm0, $0xb8;
	[tilespmem:$0x18980] =	vst v63  }
0x173: {  	v6 =	vld [tilespmem:$0xB0];
	_ =	sdelay $0x4  }
0x174: {  	v7 =	vshll.u32 v6, $0x3  }
0x175: {  	v6 =	vand.u32 $0x7, v6;
	v7 =	vand.u32 $0xFFFFFFC0, v7  }
0x176: {  	v6 =	vor.u32 v6, v7  }
0x177: {  	v7 =	vperm.xlane v6, v1;
	_ =	sdelay $0x1  }
0x178: {  	v7 =	vadd.s32 v2, v7;
	_ =	sdelay $0x3  }
0x179: {  	s19 =	simm.s32 $0x14900  }
0x17a: {  	[tilespmem:s19], [sflag:$0x3] =	stream.indirect_vreg.gather [hbm4b:s2+s3], $0x80, v7, vm0, $0xb8;
	[tilespmem:$0x18980] =	vst v63  }
0x17b: {  	s20 =	simm.s32 $0x15100;
	v6 =	vperm.xlane v6, v3  }
0x17c: {  	[tilespmem:s20], [sflag:$0x3] =	stream.indirect_vreg.gather [hbm4b:s5+s3], $0x80, v7, vm0, $0xb8;
	[tilespmem:$0x18980] =	vst v63  }
0x17d: {  	s12 =	simm.s32 $0x15900;
	v6 =	vadd.s32 v2, v6  }
0x17e: {  	[tilespmem:s12], [sflag:$0x3] =	stream.indirect_vreg.gather [hbm4b:s6+s3], $0x80, v7, vm0, $0xb8;
	[tilespmem:$0x18980] =	vst v63  }
0x17f: {  	s13 =	simm.s32 $0x16100  }
0x180: {  	[tilespmem:s13], [sflag:$0x3] =	stream.indirect_vreg.gather [hbm4b:s7+s3], $0x80, v7, vm0, $0xb8;
	[tilespmem:$0x18980] =	vst v63  }
0x181: {  	s14 =	simm.s32 $0x16900  }
0x182: {  	[tilespmem:s14], [sflag:$0x3] =	stream.indirect_vreg.gather [hbm4b:s2+s3], $0x80, v6, vm0, $0xb8;
	[tilespmem:$0x18980] =	vst v63  }
0x183: {  	s15 =	simm.s32 $0x17100  }
0x184: {  	[tilespmem:s15], [sflag:$0x3] =	stream.indirect_vreg.gather [hbm4b:s5+s3], $0x80, v6, vm0, $0xb8;
	[tilespmem:$0x18980] =	vst v63  }
0x185: {  	s16 =	simm.s32 $0x17900  }
0x186: {  	[tilespmem:s16], [sflag:$0x3] =	stream.indirect_vreg.gather [hbm4b:s6+s3], $0x80, v6, vm0, $0xb8;
	[tilespmem:$0x18980] =	vst v63  }
0x187: {  	s25 =	simm.s32 $0x18100  }
0x188: {  	[tilespmem:s25], [sflag:$0x3] =	stream.indirect_vreg.gather [hbm4b:s7+s3], $0x80, v6, vm0, $0xb8;
	[tilespmem:$0x18980] =	vst v63  }
0x189: {  	v6 =	vld [tilespmem:$0x2E0];
	_ =	sdelay $0x3  }
0x18a: {  	v31 =	vld [tilespmem:$0x60]  }
0x18b: {  	v7 =	vshll.u32 v6, $0x3  }
0x18c: {  	v6 =	vand.u32 $0x7F, v6;
	v7 =	vand.u32 $0xFFFFFC00, v7  }
0x18d: {  	v6 =	vor.u32 v6, v7  }
0x18e: {  	v6 =	vadd.s32 v4, v6;
	_ =	sdelay $0x1  }
0x18f: {  	v7 =	vld [tilespmem:$0x2F0];
	_ =	sdelay $0x1  }
0x190: {  	v8 =	vld.idx.msk [tilespmem:v31+s10+$0x0], $0xffff  }
0x191: {  	v6 =	vld.idx.msk [tilespmem:v6+s11+$0x0], $0xffff;
	_ =	sdelay $0x1  }
0x192: {  	v32 =	vld [tilespmem:$0x18900];
	v33 =	vshll.u32 v7, $0x3  }
0x193: {  	v34 =	vld [tilespmem:$0x70];
	v7 =	vand.u32 $0x7F, v7;
	v10 =	vand.u32 $0xFFFFFC00, v33  }
0x194: {  	v7 =	vor.u32 v7, v10  }
0x195: {  	v7 =	vadd.s32 v5, v7;
	v6 =	vsub.f32 v8, v6;
	_ =	sdelay $0x1  }
0x196: {  	v6 =	vadd.f32 v6, v32;
	_ =	sdelay $0x1  }
0x197: {  	[tilespmem:$0x18900] =	vst v6  }
0x198: {  	v7 =	vld.idx.msk [tilespmem:v7+s11+$0x0], $0xffff  }
0x199: {  	v35 =	vld.idx.msk [tilespmem:v34+s10+$0x0], $0xffff;
	_ =	sdelay $0x4  }
0x19a: {  	v7 =	vsub.f32 v35, v7;
	_ =	sdelay $0x1  }
0x19b: {  	v6 =	vadd.f32 v7, v6;
	_ =	sdelay $0x1  }
0x19c: {  	s30 =	rddreg [dreg:$0x8];
	[tilespmem:$0x18900] =	vst v6  }
0x19d: {  	[hbm4b:s30+s3] =	stream.linear.scatter [tilespmem:s11], [sflag:$0x4], $0x8000, $0x38;
	[tilespmem:$0x18980] =	vst v63  }
0x19e: {  	_ =	swait.ge [sflag:s23], $0x8000  }
0x19f: {  	[sflag:s23] =	ssyncset.done $0x0  }
0x1a0: {  	[sflag:s23] =	ssyncadd.s32 $0xFFFF8000  }
0x1a1: {  	_ =	swait.ge [sflag:s24], $0x8000  }
0x1a2: {  	[sflag:s24] =	ssyncset.done $0x0  }
0x1a3: {  	[sflag:s24] =	ssyncadd.s32 $0xFFFF8000  }
0x1a4: {  	v6 =	vld [tilespmem:$0xC0];
	_ =	sdelay $0x4  }
0x1a5: {  	v7 =	vshll.u32 v6, $0x3  }
0x1a6: {  	v6 =	vand.u32 $0x7, v6;
	v7 =	vand.u32 $0xFFFFFFC0, v7  }
0x1a7: {  	v6 =	vor.u32 v6, v7  }
0x1a8: {  	v7 =	vperm.xlane v6, v1;
	_ =	sdelay $0x1  }
0x1a9: {  	v7 =	vadd.s32 v2, v7;
	_ =	sdelay $0x4  }
0x1aa: {  	[tilespmem:s11], [sflag:$0x1] =	stream.indirect_vreg.gather [hbm4b:s2+s3], $0x80, v7, vm0, $0xb8;
	[tilespmem:$0x18980] =	vst v63  }
0x1ab: {  	s30 =	simm.s32 $0x1100;
	v6 =	vperm.xlane v6, v3  }
0x1ac: {  	[tilespmem:s30], [sflag:$0x1] =	stream.indirect_vreg.gather [hbm4b:s5+s3], $0x80, v7, vm0, $0xb8;
	[tilespmem:$0x18980] =	vst v63  }
0x1ad: {  	v6 =	vadd.s32 v2, v6;
	s30 =	simm.s32 $0x1900  }
0x1ae: {  	[tilespmem:s30], [sflag:$0x1] =	stream.indirect_vreg.gather [hbm4b:s6+s3], $0x80, v7, vm0, $0xb8;
	[tilespmem:$0x18980] =	vst v63  }
0x1af: {  	s30 =	simm.s32 $0x2100  }
0x1b0: {  	[tilespmem:s30], [sflag:$0x1] =	stream.indirect_vreg.gather [hbm4b:s7+s3], $0x80, v7, vm0, $0xb8;
	[tilespmem:$0x18980] =	vst v63  }
0x1b1: {  	s30 =	simm.s32 $0x2900  }
0x1b2: {  	[tilespmem:s30], [sflag:$0x1] =	stream.indirect_vreg.gather [hbm4b:s2+s3], $0x80, v6, vm0, $0xb8;
	[tilespmem:$0x18980] =	vst v63  }
0x1b3: {  	s30 =	simm.s32 $0x3100  }
0x1b4: {  	[tilespmem:s30], [sflag:$0x1] =	stream.indirect_vreg.gather [hbm4b:s5+s3], $0x80, v6, vm0, $0xb8;
	[tilespmem:$0x18980] =	vst v63  }
0x1b5: {  	s30 =	simm.s32 $0x3900  }
0x1b6: {  	[tilespmem:s30], [sflag:$0x1] =	stream.indirect_vreg.gather [hbm4b:s6+s3], $0x80, v6, vm0, $0xb8;
	[tilespmem:$0x18980] =	vst v63  }
0x1b7: {  	s30 =	simm.s32 $0x4100  }
0x1b8: {  	[tilespmem:s30], [sflag:$0x1] =	stream.indirect_vreg.gather [hbm4b:s7+s3], $0x80, v6, vm0, $0xb8;
	[tilespmem:$0x18980] =	vst v63  }
0x1b9: {  	v6 =	vld [tilespmem:$0xD0];
	_ =	sdelay $0x4  }
0x1ba: {  	v7 =	vshll.u32 v6, $0x3  }
0x1bb: {  	v6 =	vand.u32 $0x7, v6;
	v7 =	vand.u32 $0xFFFFFFC0, v7  }
0x1bc: {  	v6 =	vor.u32 v6, v7  }
0x1bd: {  	v7 =	vperm.xlane v6, v1;
	_ =	sdelay $0x1  }
0x1be: {  	v7 =	vadd.s32 v2, v7;
	_ =	sdelay $0x3  }
0x1bf: {  	s30 =	simm.s32 $0x4900  }
0x1c0: {  	[tilespmem:s30], [sflag:$0x1] =	stream.indirect_vreg.gather [hbm4b:s2+s3], $0x80, v7, vm0, $0xb8;
	[tilespmem:$0x18980] =	vst v63  }
0x1c1: {  	v6 =	vperm.xlane v6, v3;
	s30 =	simm.s32 $0x5100  }
0x1c2: {  	[tilespmem:s30], [sflag:$0x1] =	stream.indirect_vreg.gather [hbm4b:s5+s3], $0x80, v7, vm0, $0xb8;
	[tilespmem:$0x18980] =	vst v63  }
0x1c3: {  	v6 =	vadd.s32 v2, v6;
	s30 =	simm.s32 $0x5900  }
0x1c4: {  	[tilespmem:s30], [sflag:$0x1] =	stream.indirect_vreg.gather [hbm4b:s6+s3], $0x80, v7, vm0, $0xb8;
	[tilespmem:$0x18980] =	vst v63  }
0x1c5: {  	s30 =	simm.s32 $0x6100  }
0x1c6: {  	[tilespmem:s30], [sflag:$0x1] =	stream.indirect_vreg.gather [hbm4b:s7+s3], $0x80, v7, vm0, $0xb8;
	[tilespmem:$0x18980] =	vst v63  }
0x1c7: {  	s30 =	simm.s32 $0x6900  }
0x1c8: {  	[tilespmem:s30], [sflag:$0x1] =	stream.indirect_vreg.gather [hbm4b:s2+s3], $0x80, v6, vm0, $0xb8;
	[tilespmem:$0x18980] =	vst v63  }
0x1c9: {  	s30 =	simm.s32 $0x7100  }
0x1ca: {  	[tilespmem:s30], [sflag:$0x1] =	stream.indirect_vreg.gather [hbm4b:s5+s3], $0x80, v6, vm0, $0xb8;
	[tilespmem:$0x18980] =	vst v63  }
0x1cb: {  	s30 =	simm.s32 $0x7900  }
0x1cc: {  	[tilespmem:s30], [sflag:$0x1] =	stream.indirect_vreg.gather [hbm4b:s6+s3], $0x80, v6, vm0, $0xb8;
	[tilespmem:$0x18980] =	vst v63  }
0x1cd: {  	s30 =	simm.s32 $0x8100  }
0x1ce: {  	[tilespmem:s30], [sflag:$0x1] =	stream.indirect_vreg.gather [hbm4b:s7+s3], $0x80, v6, vm0, $0xb8;
	[tilespmem:$0x18980] =	vst v63  }
0x1cf: {  	v6 =	vld [tilespmem:$0x300];
	_ =	sdelay $0x3  }
0x1d0: {  	v36 =	vld [tilespmem:$0x80]  }
0x1d1: {  	v7 =	vshll.u32 v6, $0x3  }
0x1d2: {  	v6 =	vand.u32 $0x7F, v6;
	v7 =	vand.u32 $0xFFFFFC00, v7  }
0x1d3: {  	v6 =	vor.u32 v6, v7  }
0x1d4: {  	v6 =	vadd.s32 v4, v6;
	_ =	sdelay $0x1  }
0x1d5: {  	v7 =	vld [tilespmem:$0x310];
	_ =	sdelay $0x1  }
0x1d6: {  	v8 =	vld.idx.msk [tilespmem:v36+s10+$0x0], $0xffff  }
0x1d7: {  	v6 =	vld.idx.msk [tilespmem:v6+s28+$0x0], $0xffff;
	_ =	sdelay $0x1  }
0x1d8: {  	v37 =	vld [tilespmem:$0x18900];
	v38 =	vshll.u32 v7, $0x3  }
0x1d9: {  	v39 =	vld [tilespmem:$0x90];
	v7 =	vand.u32 $0x7F, v7;
	v10 =	vand.u32 $0xFFFFFC00, v38  }
0x1da: {  	v7 =	vor.u32 v7, v10  }
0x1db: {  	v7 =	vadd.s32 v5, v7;
	v6 =	vsub.f32 v8, v6;
	_ =	sdelay $0x1  }
0x1dc: {  	v6 =	vadd.f32 v6, v37;
	_ =	sdelay $0x1  }
0x1dd: {  	[tilespmem:$0x18900] =	vst v6  }
0x1de: {  	v7 =	vld.idx.msk [tilespmem:v7+s28+$0x0], $0xffff  }
0x1df: {  	v40 =	vld.idx.msk [tilespmem:v39+s10+$0x0], $0xffff;
	_ =	sdelay $0x4  }
0x1e0: {  	v7 =	vsub.f32 v40, v7;
	_ =	sdelay $0x1  }
0x1e1: {  	v6 =	vadd.f32 v7, v6;
	_ =	sdelay $0x1  }
0x1e2: {  	s30 =	rddreg [dreg:$0x9];
	[tilespmem:$0x18900] =	vst v6  }
0x1e3: {  	[hbm4b:s30+s3] =	stream.linear.scatter [tilespmem:s28], [sflag:$0x5], $0x8000, $0x38;
	[tilespmem:$0x18980] =	vst v63  }
0x1e4: {  	_ =	swait.ge [sflag:s29], $0x8000  }
0x1e5: {  	[sflag:s29] =	ssyncset.done $0x0  }
0x1e6: {  	[sflag:s29] =	ssyncadd.s32 $0xFFFF8000  }
0x1e7: {  	_ =	swait.ge [sflag:s26], $0x8000  }
0x1e8: {  	[sflag:s26] =	ssyncset.done $0x0  }
0x1e9: {  	[sflag:s26] =	ssyncadd.s32 $0xFFFF8000  }
0x1ea: {  	v6 =	vld [tilespmem:$0xE0];
	_ =	sdelay $0x4  }
0x1eb: {  	v7 =	vshll.u32 v6, $0x3  }
0x1ec: {  	v6 =	vand.u32 $0x7, v6;
	v7 =	vand.u32 $0xFFFFFFC0, v7  }
0x1ed: {  	v6 =	vor.u32 v6, v7  }
0x1ee: {  	v7 =	vperm.xlane v6, v1;
	_ =	sdelay $0x1  }
0x1ef: {  	v7 =	vadd.s32 v2, v7;
	_ =	sdelay $0x4  }
0x1f0: {  	[tilespmem:s28], [sflag:$0x2] =	stream.indirect_vreg.gather [hbm4b:s2+s3], $0x80, v7, vm0, $0xb8;
	[tilespmem:$0x18980] =	vst v63  }
0x1f1: {  	s30 =	simm.s32 $0x9100;
	v6 =	vperm.xlane v6, v3  }
0x1f2: {  	[tilespmem:s30], [sflag:$0x2] =	stream.indirect_vreg.gather [hbm4b:s5+s3], $0x80, v7, vm0, $0xb8;
	[tilespmem:$0x18980] =	vst v63  }
0x1f3: {  	v6 =	vadd.s32 v2, v6;
	s30 =	simm.s32 $0x9900  }
0x1f4: {  	[tilespmem:s30], [sflag:$0x2] =	stream.indirect_vreg.gather [hbm4b:s6+s3], $0x80, v7, vm0, $0xb8;
	[tilespmem:$0x18980] =	vst v63  }
0x1f5: {  	s30 =	simm.s32 $0xA100  }
0x1f6: {  	[tilespmem:s30], [sflag:$0x2] =	stream.indirect_vreg.gather [hbm4b:s7+s3], $0x80, v7, vm0, $0xb8;
	[tilespmem:$0x18980] =	vst v63  }
0x1f7: {  	s30 =	simm.s32 $0xA900  }
0x1f8: {  	[tilespmem:s30], [sflag:$0x2] =	stream.indirect_vreg.gather [hbm4b:s2+s3], $0x80, v6, vm0, $0xb8;
	[tilespmem:$0x18980] =	vst v63  }
0x1f9: {  	s30 =	simm.s32 $0xB100  }
0x1fa: {  	[tilespmem:s30], [sflag:$0x2] =	stream.indirect_vreg.gather [hbm4b:s5+s3], $0x80, v6, vm0, $0xb8;
	[tilespmem:$0x18980] =	vst v63  }
0x1fb: {  	s30 =	simm.s32 $0xB900  }
0x1fc: {  	[tilespmem:s30], [sflag:$0x2] =	stream.indirect_vreg.gather [hbm4b:s6+s3], $0x80, v6, vm0, $0xb8;
	[tilespmem:$0x18980] =	vst v63  }
0x1fd: {  	s30 =	simm.s32 $0xC100  }
0x1fe: {  	[tilespmem:s30], [sflag:$0x2] =	stream.indirect_vreg.gather [hbm4b:s7+s3], $0x80, v6, vm0, $0xb8;
	[tilespmem:$0x18980] =	vst v63  }
0x1ff: {  	v6 =	vld [tilespmem:$0xF0];
	_ =	sdelay $0x4  }
0x200: {  	v7 =	vshll.u32 v6, $0x3  }
0x201: {  	v6 =	vand.u32 $0x7, v6;
	v7 =	vand.u32 $0xFFFFFFC0, v7  }
0x202: {  	v6 =	vor.u32 v6, v7  }
0x203: {  	v7 =	vperm.xlane v6, v1;
	_ =	sdelay $0x1  }
0x204: {  	v7 =	vadd.s32 v2, v7;
	_ =	sdelay $0x3  }
0x205: {  	s30 =	simm.s32 $0xC900  }
0x206: {  	[tilespmem:s30], [sflag:$0x2] =	stream.indirect_vreg.gather [hbm4b:s2+s3], $0x80, v7, vm0, $0xb8;
	[tilespmem:$0x18980] =	vst v63  }
0x207: {  	v6 =	vperm.xlane v6, v3;
	s30 =	simm.s32 $0xD100  }
0x208: {  	[tilespmem:s30], [sflag:$0x2] =	stream.indirect_vreg.gather [hbm4b:s5+s3], $0x80, v7, vm0, $0xb8;
	[tilespmem:$0x18980] =	vst v63  }
0x209: {  	v6 =	vadd.s32 v2, v6;
	s30 =	simm.s32 $0xD900  }
0x20a: {  	[tilespmem:s30], [sflag:$0x2] =	stream.indirect_vreg.gather [hbm4b:s6+s3], $0x80, v7, vm0, $0xb8;
	[tilespmem:$0x18980] =	vst v63  }
0x20b: {  	s30 =	simm.s32 $0xE100  }
0x20c: {  	[tilespmem:s30], [sflag:$0x2] =	stream.indirect_vreg.gather [hbm4b:s7+s3], $0x80, v7, vm0, $0xb8;
	[tilespmem:$0x18980] =	vst v63  }
0x20d: {  	s30 =	simm.s32 $0xE900  }
0x20e: {  	[tilespmem:s30], [sflag:$0x2] =	stream.indirect_vreg.gather [hbm4b:s2+s3], $0x80, v6, vm0, $0xb8;
	[tilespmem:$0x18980] =	vst v63  }
0x20f: {  	s30 =	simm.s32 $0xF100  }
0x210: {  	[tilespmem:s30], [sflag:$0x2] =	stream.indirect_vreg.gather [hbm4b:s5+s3], $0x80, v6, vm0, $0xb8;
	[tilespmem:$0x18980] =	vst v63  }
0x211: {  	s30 =	simm.s32 $0xF900  }
0x212: {  	[tilespmem:s30], [sflag:$0x2] =	stream.indirect_vreg.gather [hbm4b:s6+s3], $0x80, v6, vm0, $0xb8;
	[tilespmem:$0x18980] =	vst v63  }
0x213: {  	s30 =	simm.s32 $0x10100  }
0x214: {  	[tilespmem:s30], [sflag:$0x2] =	stream.indirect_vreg.gather [hbm4b:s7+s3], $0x80, v6, vm0, $0xb8;
	[tilespmem:$0x18980] =	vst v63  }
0x215: {  	v6 =	vld [tilespmem:$0x320];
	_ =	sdelay $0x3  }
0x216: {  	v41 =	vld [tilespmem:$0xA0]  }
0x217: {  	v7 =	vshll.u32 v6, $0x3  }
0x218: {  	v6 =	vand.u32 $0x7F, v6;
	v7 =	vand.u32 $0xFFFFFC00, v7  }
0x219: {  	v6 =	vor.u32 v6, v7  }
0x21a: {  	v6 =	vadd.s32 v4, v6;
	_ =	sdelay $0x1  }
0x21b: {  	v7 =	vld [tilespmem:$0x330];
	_ =	sdelay $0x1  }
0x21c: {  	v8 =	vld.idx.msk [tilespmem:v41+s10+$0x0], $0xffff  }
0x21d: {  	v6 =	vld.idx.msk [tilespmem:v6+s22+$0x0], $0xffff;
	_ =	sdelay $0x1  }
0x21e: {  	v42 =	vld [tilespmem:$0x18900];
	v43 =	vshll.u32 v7, $0x3  }
0x21f: {  	v44 =	vld [tilespmem:$0xB0];
	v7 =	vand.u32 $0x7F, v7;
	v10 =	vand.u32 $0xFFFFFC00, v43  }
0x220: {  	v7 =	vor.u32 v7, v10  }
0x221: {  	v7 =	vadd.s32 v5, v7;
	v6 =	vsub.f32 v8, v6;
	_ =	sdelay $0x1  }
0x222: {  	v6 =	vadd.f32 v6, v42;
	_ =	sdelay $0x1  }
0x223: {  	[tilespmem:$0x18900] =	vst v6  }
0x224: {  	v7 =	vld.idx.msk [tilespmem:v7+s22+$0x0], $0xffff  }
0x225: {  	v45 =	vld.idx.msk [tilespmem:v44+s10+$0x0], $0xffff;
	_ =	sdelay $0x4  }
0x226: {  	v7 =	vsub.f32 v45, v7;
	_ =	sdelay $0x1  }
0x227: {  	v6 =	vadd.f32 v7, v6;
	_ =	sdelay $0x1  }
0x228: {  	s30 =	rddreg [dreg:$0xa];
	[tilespmem:$0x18900] =	vst v6  }
0x229: {  	[hbm4b:s30+s3] =	stream.linear.scatter [tilespmem:s22], [sflag:$0x6], $0x8000, $0x38;
	[tilespmem:$0x18980] =	vst v63  }
0x22a: {  	_ =	swait.ge [sflag:s21], $0x8000  }
0x22b: {  	[sflag:s21] =	ssyncset.done $0x0  }
0x22c: {  	[sflag:s21] =	ssyncadd.s32 $0xFFFF8000  }
0x22d: {  	_ =	swait.ge [sflag:s0], $0x8000  }
0x22e: {  	[sflag:s0] =	ssyncset.done $0x0  }
0x22f: {  	[sflag:s0] =	ssyncadd.s32 $0xFFFF8000  }
0x230: {  	v6 =	vld [tilespmem:$0x100];
	_ =	sdelay $0x4  }
0x231: {  	v7 =	vshll.u32 v6, $0x3  }
0x232: {  	v6 =	vand.u32 $0x7, v6;
	v7 =	vand.u32 $0xFFFFFFC0, v7  }
0x233: {  	v6 =	vor.u32 v6, v7  }
0x234: {  	v7 =	vperm.xlane v6, v1;
	_ =	sdelay $0x1  }
0x235: {  	v7 =	vadd.s32 v2, v7;
	_ =	sdelay $0x4  }
0x236: {  	[tilespmem:s22], [sflag:$0x3] =	stream.indirect_vreg.gather [hbm4b:s2+s3], $0x80, v7, vm0, $0xb8;
	[tilespmem:$0x18980] =	vst v63  }
0x237: {  	v6 =	vperm.xlane v6, v3  }
0x238: {  	[tilespmem:s17], [sflag:$0x3] =	stream.indirect_vreg.gather [hbm4b:s5+s3], $0x80, v7, vm0, $0xb8;
	[tilespmem:$0x18980] =	vst v63  }
0x239: {  	v6 =	vadd.s32 v2, v6  }
0x23a: {  	[tilespmem:s31], [sflag:$0x3] =	stream.indirect_vreg.gather [hbm4b:s6+s3], $0x80, v7, vm0, $0xb8;
	[tilespmem:$0x18980] =	vst v63  }
0x23b: {  	_ = 	snop  }
0x23c: {  	[tilespmem:s1], [sflag:$0x3] =	stream.indirect_vreg.gather [hbm4b:s7+s3], $0x80, v7, vm0, $0xb8;
	[tilespmem:$0x18980] =	vst v63  }
0x23d: {  	_ = 	snop  }
0x23e: {  	[tilespmem:s4], [sflag:$0x3] =	stream.indirect_vreg.gather [hbm4b:s2+s3], $0x80, v6, vm0, $0xb8;
	[tilespmem:$0x18980] =	vst v63  }
0x23f: {  	_ = 	snop  }
0x240: {  	[tilespmem:s8], [sflag:$0x3] =	stream.indirect_vreg.gather [hbm4b:s5+s3], $0x80, v6, vm0, $0xb8;
	[tilespmem:$0x18980] =	vst v63  }
0x241: {  	_ = 	snop  }
0x242: {  	[tilespmem:s9], [sflag:$0x3] =	stream.indirect_vreg.gather [hbm4b:s6+s3], $0x80, v6, vm0, $0xb8;
	[tilespmem:$0x18980] =	vst v63  }
0x243: {  	_ = 	snop  }
0x244: {  	[tilespmem:s18], [sflag:$0x3] =	stream.indirect_vreg.gather [hbm4b:s7+s3], $0x80, v6, vm0, $0xb8;
	[tilespmem:$0x18980] =	vst v63  }
0x245: {  	v6 =	vld [tilespmem:$0x110];
	_ =	sdelay $0x4  }
0x246: {  	v7 =	vshll.u32 v6, $0x3  }
0x247: {  	v6 =	vand.u32 $0x7, v6;
	v7 =	vand.u32 $0xFFFFFFC0, v7  }
0x248: {  	v6 =	vor.u32 v6, v7  }
0x249: {  	v7 =	vperm.xlane v6, v1;
	_ =	sdelay $0x1  }
0x24a: {  	v7 =	vadd.s32 v2, v7;
	_ =	sdelay $0x4  }
0x24b: {  	[tilespmem:s19], [sflag:$0x3] =	stream.indirect_vreg.gather [hbm4b:s2+s3], $0x80, v7, vm0, $0xb8;
	[tilespmem:$0x18980] =	vst v63  }
0x24c: {  	v6 =	vperm.xlane v6, v3  }
0x24d: {  	[tilespmem:s20], [sflag:$0x3] =	stream.indirect_vreg.gather [hbm4b:s5+s3], $0x80, v7, vm0, $0xb8;
	[tilespmem:$0x18980] =	vst v63  }
0x24e: {  	v6 =	vadd.s32 v2, v6  }
0x24f: {  	[tilespmem:s12], [sflag:$0x3] =	stream.indirect_vreg.gather [hbm4b:s6+s3], $0x80, v7, vm0, $0xb8;
	[tilespmem:$0x18980] =	vst v63  }
0x250: {  	_ = 	snop  }
0x251: {  	[tilespmem:s13], [sflag:$0x3] =	stream.indirect_vreg.gather [hbm4b:s7+s3], $0x80, v7, vm0, $0xb8;
	[tilespmem:$0x18980] =	vst v63  }
0x252: {  	_ = 	snop  }
0x253: {  	[tilespmem:s14], [sflag:$0x3] =	stream.indirect_vreg.gather [hbm4b:s2+s3], $0x80, v6, vm0, $0xb8;
	[tilespmem:$0x18980] =	vst v63  }
0x254: {  	_ = 	snop  }
0x255: {  	[tilespmem:s15], [sflag:$0x3] =	stream.indirect_vreg.gather [hbm4b:s5+s3], $0x80, v6, vm0, $0xb8;
	[tilespmem:$0x18980] =	vst v63  }
0x256: {  	_ = 	snop  }
0x257: {  	[tilespmem:s16], [sflag:$0x3] =	stream.indirect_vreg.gather [hbm4b:s6+s3], $0x80, v6, vm0, $0xb8;
	[tilespmem:$0x18980] =	vst v63  }
0x258: {  	_ = 	snop  }
0x259: {  	[tilespmem:s25], [sflag:$0x3] =	stream.indirect_vreg.gather [hbm4b:s7+s3], $0x80, v6, vm0, $0xb8;
	[tilespmem:$0x18980] =	vst v63  }
0x25a: {  	v6 =	vld [tilespmem:$0x340];
	_ =	sdelay $0x3  }
0x25b: {  	v46 =	vld [tilespmem:$0xC0]  }
0x25c: {  	v7 =	vshll.u32 v6, $0x3  }
0x25d: {  	v6 =	vand.u32 $0x7F, v6;
	v7 =	vand.u32 $0xFFFFFC00, v7  }
0x25e: {  	v6 =	vor.u32 v6, v7  }
0x25f: {  	v6 =	vadd.s32 v4, v6;
	_ =	sdelay $0x1  }
0x260: {  	v7 =	vld [tilespmem:$0x350];
	_ =	sdelay $0x1  }
0x261: {  	v8 =	vld.idx.msk [tilespmem:v46+s10+$0x0], $0xffff  }
0x262: {  	v6 =	vld.idx.msk [tilespmem:v6+s11+$0x0], $0xffff;
	_ =	sdelay $0x1  }
0x263: {  	v47 =	vld [tilespmem:$0x18900];
	v48 =	vshll.u32 v7, $0x3  }
0x264: {  	v49 =	vld [tilespmem:$0xD0];
	v7 =	vand.u32 $0x7F, v7;
	v10 =	vand.u32 $0xFFFFFC00, v48  }
0x265: {  	v7 =	vor.u32 v7, v10  }
0x266: {  	v7 =	vadd.s32 v5, v7;
	v6 =	vsub.f32 v8, v6;
	_ =	sdelay $0x1  }
0x267: {  	v6 =	vadd.f32 v6, v47;
	_ =	sdelay $0x1  }
0x268: {  	[tilespmem:$0x18900] =	vst v6  }
0x269: {  	v7 =	vld.idx.msk [tilespmem:v7+s11+$0x0], $0xffff  }
0x26a: {  	v50 =	vld.idx.msk [tilespmem:v49+s10+$0x0], $0xffff;
	_ =	sdelay $0x4  }
0x26b: {  	v7 =	vsub.f32 v50, v7;
	_ =	sdelay $0x1  }
0x26c: {  	v6 =	vadd.f32 v7, v6;
	_ =	sdelay $0x1  }
0x26d: {  	s19 =	rddreg [dreg:$0xb];
	[tilespmem:$0x18900] =	vst v6  }
0x26e: {  	[hbm4b:s19+s3] =	stream.linear.scatter [tilespmem:s11], [sflag:$0x4], $0x8000, $0x38;
	[tilespmem:$0x18980] =	vst v63  }
0x26f: {  	_ =	swait.ge [sflag:s23], $0x8000  }
0x270: {  	[sflag:s23] =	ssyncset.done $0x0  }
0x271: {  	[sflag:s23] =	ssyncadd.s32 $0xFFFF8000  }
0x272: {  	_ =	swait.ge [sflag:s24], $0x8000  }
0x273: {  	[sflag:s24] =	ssyncset.done $0x0  }
0x274: {  	[sflag:s24] =	ssyncadd.s32 $0xFFFF8000  }
0x275: {  	v6 =	vld [tilespmem:$0x120];
	_ =	sdelay $0x4  }
0x276: {  	v7 =	vshll.u32 v6, $0x3  }
0x277: {  	v6 =	vand.u32 $0x7, v6;
	v7 =	vand.u32 $0xFFFFFFC0, v7  }
0x278: {  	v6 =	vor.u32 v6, v7  }
0x279: {  	v7 =	vperm.xlane v6, v1;
	_ =	sdelay $0x1  }
0x27a: {  	v7 =	vadd.s32 v2, v7;
	_ =	sdelay $0x4  }
0x27b: {  	[tilespmem:s11], [sflag:$0x1] =	stream.indirect_vreg.gather [hbm4b:s2+s3], $0x80, v7, vm0, $0xb8;
	[tilespmem:$0x18980] =	vst v63  }
0x27c: {  	s20 =	simm.s32 $0x1100;
	v6 =	vperm.xlane v6, v3  }
0x27d: {  	[tilespmem:s20], [sflag:$0x1] =	stream.indirect_vreg.gather [hbm4b:s5+s3], $0x80, v7, vm0, $0xb8;
	[tilespmem:$0x18980] =	vst v63  }
0x27e: {  	s18 =	simm.s32 $0x1900;
	v6 =	vadd.s32 v2, v6  }
0x27f: {  	[tilespmem:s18], [sflag:$0x1] =	stream.indirect_vreg.gather [hbm4b:s6+s3], $0x80, v7, vm0, $0xb8;
	[tilespmem:$0x18980] =	vst v63  }
0x280: {  	s25 =	simm.s32 $0x2100  }
0x281: {  	[tilespmem:s25], [sflag:$0x1] =	stream.indirect_vreg.gather [hbm4b:s7+s3], $0x80, v7, vm0, $0xb8;
	[tilespmem:$0x18980] =	vst v63  }
0x282: {  	s30 =	simm.s32 $0x2900  }
0x283: {  	[tilespmem:s30], [sflag:$0x1] =	stream.indirect_vreg.gather [hbm4b:s2+s3], $0x80, v6, vm0, $0xb8;
	[tilespmem:$0x18980] =	vst v63  }
0x284: {  	s31 =	simm.s32 $0x3100  }
0x285: {  	[tilespmem:s31], [sflag:$0x1] =	stream.indirect_vreg.gather [hbm4b:s5+s3], $0x80, v6, vm0, $0xb8;
	[tilespmem:$0x18980] =	vst v63  }
0x286: {  	s4 =	simm.s32 $0x3900  }
0x287: {  	[tilespmem:s4], [sflag:$0x1] =	stream.indirect_vreg.gather [hbm4b:s6+s3], $0x80, v6, vm0, $0xb8;
	[tilespmem:$0x18980] =	vst v63  }
0x288: {  	s8 =	simm.s32 $0x4100  }
0x289: {  	[tilespmem:s8], [sflag:$0x1] =	stream.indirect_vreg.gather [hbm4b:s7+s3], $0x80, v6, vm0, $0xb8;
	[tilespmem:$0x18980] =	vst v63  }
0x28a: {  	v6 =	vld [tilespmem:$0x130];
	_ =	sdelay $0x4  }
0x28b: {  	v7 =	vshll.u32 v6, $0x3  }
0x28c: {  	v6 =	vand.u32 $0x7, v6;
	v7 =	vand.u32 $0xFFFFFFC0, v7  }
0x28d: {  	v6 =	vor.u32 v6, v7  }
0x28e: {  	v7 =	vperm.xlane v6, v1;
	_ =	sdelay $0x1  }
0x28f: {  	v7 =	vadd.s32 v2, v7;
	_ =	sdelay $0x3  }
0x290: {  	s9 =	simm.s32 $0x4900  }
0x291: {  	[tilespmem:s9], [sflag:$0x1] =	stream.indirect_vreg.gather [hbm4b:s2+s3], $0x80, v7, vm0, $0xb8;
	[tilespmem:$0x18980] =	vst v63  }
0x292: {  	s12 =	simm.s32 $0x5100;
	v6 =	vperm.xlane v6, v3  }
0x293: {  	[tilespmem:s12], [sflag:$0x1] =	stream.indirect_vreg.gather [hbm4b:s5+s3], $0x80, v7, vm0, $0xb8;
	[tilespmem:$0x18980] =	vst v63  }
0x294: {  	s13 =	simm.s32 $0x5900;
	v6 =	vadd.s32 v2, v6  }
0x295: {  	[tilespmem:s13], [sflag:$0x1] =	stream.indirect_vreg.gather [hbm4b:s6+s3], $0x80, v7, vm0, $0xb8;
	[tilespmem:$0x18980] =	vst v63  }
0x296: {  	s14 =	simm.s32 $0x6100  }
0x297: {  	[tilespmem:s14], [sflag:$0x1] =	stream.indirect_vreg.gather [hbm4b:s7+s3], $0x80, v7, vm0, $0xb8;
	[tilespmem:$0x18980] =	vst v63  }
0x298: {  	s15 =	simm.s32 $0x6900  }
0x299: {  	[tilespmem:s15], [sflag:$0x1] =	stream.indirect_vreg.gather [hbm4b:s2+s3], $0x80, v6, vm0, $0xb8;
	[tilespmem:$0x18980] =	vst v63  }
0x29a: {  	s16 =	simm.s32 $0x7100  }
0x29b: {  	[tilespmem:s16], [sflag:$0x1] =	stream.indirect_vreg.gather [hbm4b:s5+s3], $0x80, v6, vm0, $0xb8;
	[tilespmem:$0x18980] =	vst v63  }
0x29c: {  	s17 =	simm.s32 $0x7900  }
0x29d: {  	[tilespmem:s17], [sflag:$0x1] =	stream.indirect_vreg.gather [hbm4b:s6+s3], $0x80, v6, vm0, $0xb8;
	[tilespmem:$0x18980] =	vst v63  }
0x29e: {  	s19 =	simm.s32 $0x8100  }
0x29f: {  	[tilespmem:s19], [sflag:$0x1] =	stream.indirect_vreg.gather [hbm4b:s7+s3], $0x80, v6, vm0, $0xb8;
	[tilespmem:$0x18980] =	vst v63  }
0x2a0: {  	v6 =	vld [tilespmem:$0x360];
	_ =	sdelay $0x3  }
0x2a1: {  	v51 =	vld [tilespmem:$0xE0]  }
0x2a2: {  	v7 =	vshll.u32 v6, $0x3  }
0x2a3: {  	v6 =	vand.u32 $0x7F, v6;
	v7 =	vand.u32 $0xFFFFFC00, v7  }
0x2a4: {  	v6 =	vor.u32 v6, v7  }
0x2a5: {  	v6 =	vadd.s32 v4, v6;
	_ =	sdelay $0x1  }
0x2a6: {  	v7 =	vld [tilespmem:$0x370];
	_ =	sdelay $0x1  }
0x2a7: {  	v8 =	vld.idx.msk [tilespmem:v51+s10+$0x0], $0xffff  }
0x2a8: {  	v6 =	vld.idx.msk [tilespmem:v6+s28+$0x0], $0xffff;
	_ =	sdelay $0x1  }
0x2a9: {  	v52 =	vld [tilespmem:$0x18900];
	v53 =	vshll.u32 v7, $0x3  }
0x2aa: {  	v54 =	vld [tilespmem:$0xF0];
	v7 =	vand.u32 $0x7F, v7;
	v10 =	vand.u32 $0xFFFFFC00, v53  }
0x2ab: {  	v7 =	vor.u32 v7, v10  }
0x2ac: {  	v7 =	vadd.s32 v5, v7;
	v6 =	vsub.f32 v8, v6;
	_ =	sdelay $0x1  }
0x2ad: {  	v6 =	vadd.f32 v6, v52;
	_ =	sdelay $0x1  }
0x2ae: {  	[tilespmem:$0x18900] =	vst v6  }
0x2af: {  	v7 =	vld.idx.msk [tilespmem:v7+s28+$0x0], $0xffff  }
0x2b0: {  	v55 =	vld.idx.msk [tilespmem:v54+s10+$0x0], $0xffff;
	_ =	sdelay $0x4  }
0x2b1: {  	v7 =	vsub.f32 v55, v7;
	_ =	sdelay $0x1  }
0x2b2: {  	v6 =	vadd.f32 v7, v6;
	_ =	sdelay $0x1  }
0x2b3: {  	s20 =	rddreg [dreg:$0xc];
	[tilespmem:$0x18900] =	vst v6  }
0x2b4: {  	[hbm4b:s20+s3] =	stream.linear.scatter [tilespmem:s28], [sflag:$0x5], $0x8000, $0x38;
	[tilespmem:$0x18980] =	vst v63  }
0x2b5: {  	_ =	swait.ge [sflag:s29], $0x8000  }
0x2b6: {  	[sflag:s29] =	ssyncset.done $0x0  }
0x2b7: {  	[sflag:s29] =	ssyncadd.s32 $0xFFFF8000  }
0x2b8: {  	_ =	swait.ge [sflag:s26], $0x8000  }
0x2b9: {  	[sflag:s26] =	ssyncset.done $0x0  }
0x2ba: {  	[sflag:s26] =	ssyncadd.s32 $0xFFFF8000  }
0x2bb: {  	v6 =	vld [tilespmem:$0x140];
	_ =	sdelay $0x4  }
0x2bc: {  	v7 =	vshll.u32 v6, $0x3  }
0x2bd: {  	v6 =	vand.u32 $0x7, v6;
	v7 =	vand.u32 $0xFFFFFFC0, v7  }
0x2be: {  	v6 =	vor.u32 v6, v7  }
0x2bf: {  	v7 =	vperm.xlane v6, v1;
	_ =	sdelay $0x1  }
0x2c0: {  	v7 =	vadd.s32 v2, v7;
	_ =	sdelay $0x4  }
0x2c1: {  	[tilespmem:s28], [sflag:$0x2] =	stream.indirect_vreg.gather [hbm4b:s2+s3], $0x80, v7, vm0, $0xb8;
	[tilespmem:$0x18980] =	vst v63  }
0x2c2: {  	s1 =	simm.s32 $0x9100;
	v6 =	vperm.xlane v6, v3  }
0x2c3: {  	[tilespmem:s1], [sflag:$0x2] =	stream.indirect_vreg.gather [hbm4b:s5+s3], $0x80, v7, vm0, $0xb8;
	[tilespmem:$0x18980] =	vst v63  }
0x2c4: {  	s25 =	simm.s32 $0x9900;
	v6 =	vadd.s32 v2, v6  }
0x2c5: {  	[tilespmem:s25], [sflag:$0x2] =	stream.indirect_vreg.gather [hbm4b:s6+s3], $0x80, v7, vm0, $0xb8;
	[tilespmem:$0x18980] =	vst v63  }
0x2c6: {  	s25 =	simm.s32 $0xA100  }
0x2c7: {  	[tilespmem:s25], [sflag:$0x2] =	stream.indirect_vreg.gather [hbm4b:s7+s3], $0x80, v7, vm0, $0xb8;
	[tilespmem:$0x18980] =	vst v63  }
0x2c8: {  	s8 =	simm.s32 $0xA900  }
0x2c9: {  	[tilespmem:s8], [sflag:$0x2] =	stream.indirect_vreg.gather [hbm4b:s2+s3], $0x80, v6, vm0, $0xb8;
	[tilespmem:$0x18980] =	vst v63  }
0x2ca: {  	s4 =	simm.s32 $0xB100  }
0x2cb: {  	[tilespmem:s4], [sflag:$0x2] =	stream.indirect_vreg.gather [hbm4b:s5+s3], $0x80, v6, vm0, $0xb8;
	[tilespmem:$0x18980] =	vst v63  }
0x2cc: {  	s9 =	simm.s32 $0xB900  }
0x2cd: {  	[tilespmem:s9], [sflag:$0x2] =	stream.indirect_vreg.gather [hbm4b:s6+s3], $0x80, v6, vm0, $0xb8;
	[tilespmem:$0x18980] =	vst v63  }
0x2ce: {  	s19 =	simm.s32 $0xC100  }
0x2cf: {  	[tilespmem:s19], [sflag:$0x2] =	stream.indirect_vreg.gather [hbm4b:s7+s3], $0x80, v6, vm0, $0xb8;
	[tilespmem:$0x18980] =	vst v63  }
0x2d0: {  	v6 =	vld [tilespmem:$0x150];
	_ =	sdelay $0x4  }
0x2d1: {  	v7 =	vshll.u32 v6, $0x3  }
0x2d2: {  	v6 =	vand.u32 $0x7, v6;
	v7 =	vand.u32 $0xFFFFFFC0, v7  }
0x2d3: {  	v6 =	vor.u32 v6, v7  }
0x2d4: {  	v7 =	vperm.xlane v6, v1;
	_ =	sdelay $0x1  }
0x2d5: {  	v7 =	vadd.s32 v2, v7;
	_ =	sdelay $0x3  }
0x2d6: {  	s20 =	simm.s32 $0xC900  }
0x2d7: {  	[tilespmem:s20], [sflag:$0x2] =	stream.indirect_vreg.gather [hbm4b:s2+s3], $0x80, v7, vm0, $0xb8;
	[tilespmem:$0x18980] =	vst v63  }
0x2d8: {  	s31 =	simm.s32 $0xD100;
	v6 =	vperm.xlane v6, v3  }
0x2d9: {  	[tilespmem:s31], [sflag:$0x2] =	stream.indirect_vreg.gather [hbm4b:s5+s3], $0x80, v7, vm0, $0xb8;
	[tilespmem:$0x18980] =	vst v63  }
0x2da: {  	s12 =	simm.s32 $0xD900;
	v6 =	vadd.s32 v2, v6  }
0x2db: {  	[tilespmem:s12], [sflag:$0x2] =	stream.indirect_vreg.gather [hbm4b:s6+s3], $0x80, v7, vm0, $0xb8;
	[tilespmem:$0x18980] =	vst v63  }
0x2dc: {  	s13 =	simm.s32 $0xE100  }
0x2dd: {  	[tilespmem:s13], [sflag:$0x2] =	stream.indirect_vreg.gather [hbm4b:s7+s3], $0x80, v7, vm0, $0xb8;
	[tilespmem:$0x18980] =	vst v63  }
0x2de: {  	s14 =	simm.s32 $0xE900  }
0x2df: {  	[tilespmem:s14], [sflag:$0x2] =	stream.indirect_vreg.gather [hbm4b:s2+s3], $0x80, v6, vm0, $0xb8;
	[tilespmem:$0x18980] =	vst v63  }
0x2e0: {  	s15 =	simm.s32 $0xF100  }
0x2e1: {  	[tilespmem:s15], [sflag:$0x2] =	stream.indirect_vreg.gather [hbm4b:s5+s3], $0x80, v6, vm0, $0xb8;
	[tilespmem:$0x18980] =	vst v63  }
0x2e2: {  	s16 =	simm.s32 $0xF900  }
0x2e3: {  	[tilespmem:s16], [sflag:$0x2] =	stream.indirect_vreg.gather [hbm4b:s6+s3], $0x80, v6, vm0, $0xb8;
	[tilespmem:$0x18980] =	vst v63  }
0x2e4: {  	s17 =	simm.s32 $0x10100  }
0x2e5: {  	[tilespmem:s17], [sflag:$0x2] =	stream.indirect_vreg.gather [hbm4b:s7+s3], $0x80, v6, vm0, $0xb8;
	[tilespmem:$0x18980] =	vst v63  }
0x2e6: {  	v6 =	vld [tilespmem:$0x380];
	_ =	sdelay $0x3  }
0x2e7: {  	v56 =	vld [tilespmem:$0x100]  }
0x2e8: {  	v7 =	vshll.u32 v6, $0x3  }
0x2e9: {  	v6 =	vand.u32 $0x7F, v6;
	v7 =	vand.u32 $0xFFFFFC00, v7  }
0x2ea: {  	v6 =	vor.u32 v6, v7  }
0x2eb: {  	v6 =	vadd.s32 v4, v6;
	_ =	sdelay $0x1  }
0x2ec: {  	v7 =	vld [tilespmem:$0x390];
	_ =	sdelay $0x1  }
0x2ed: {  	v8 =	vld.idx.msk [tilespmem:v56+s10+$0x0], $0xffff  }
0x2ee: {  	v6 =	vld.idx.msk [tilespmem:v6+s22+$0x0], $0xffff;
	_ =	sdelay $0x1  }
0x2ef: {  	v57 =	vld [tilespmem:$0x18900];
	v58 =	vshll.u32 v7, $0x3  }
0x2f0: {  	v59 =	vld [tilespmem:$0x110];
	v7 =	vand.u32 $0x7F, v7;
	v10 =	vand.u32 $0xFFFFFC00, v58  }
0x2f1: {  	v7 =	vor.u32 v7, v10  }
0x2f2: {  	v7 =	vadd.s32 v5, v7;
	v6 =	vsub.f32 v8, v6;
	_ =	sdelay $0x1  }
0x2f3: {  	v6 =	vadd.f32 v6, v57;
	_ =	sdelay $0x1  }
0x2f4: {  	[tilespmem:$0x18900] =	vst v6  }
0x2f5: {  	v7 =	vld.idx.msk [tilespmem:v7+s22+$0x0], $0xffff  }
0x2f6: {  	v60 =	vld.idx.msk [tilespmem:v59+s10+$0x0], $0xffff;
	_ =	sdelay $0x4  }
0x2f7: {  	v7 =	vsub.f32 v60, v7;
	_ =	sdelay $0x1  }
0x2f8: {  	v6 =	vadd.f32 v7, v6;
	_ =	sdelay $0x1  }
0x2f9: {  	s30 =	rddreg [dreg:$0xd];
	[tilespmem:$0x18900] =	vst v6  }
0x2fa: {  	[hbm4b:s30+s3] =	stream.linear.scatter [tilespmem:s22], [sflag:$0x6], $0x8000, $0x38;
	[tilespmem:$0x18980] =	vst v63  }
0x2fb: {  	_ =	swait.ge [sflag:s21], $0x8000  }
0x2fc: {  	[sflag:s21] =	ssyncset.done $0x0  }
0x2fd: {  	[sflag:s21] =	ssyncadd.s32 $0xFFFF8000  }
0x2fe: {  	_ =	swait.ge [sflag:s0], $0x8000  }
0x2ff: {  	[sflag:s0] =	ssyncset.done $0x0  }
0x300: {  	[sflag:s0] =	ssyncadd.s32 $0xFFFF8000  }
0x301: {  	v6 =	vld [tilespmem:$0x160];
	_ =	sdelay $0x4  }
0x302: {  	v7 =	vshll.u32 v6, $0x3  }
0x303: {  	v6 =	vand.u32 $0x7, v6;
	v7 =	vand.u32 $0xFFFFFFC0, v7  }
0x304: {  	v6 =	vor.u32 v6, v7  }
0x305: {  	v7 =	vperm.xlane v6, v1;
	_ =	sdelay $0x1  }
0x306: {  	v7 =	vadd.s32 v2, v7;
	_ =	sdelay $0x4  }
0x307: {  	[tilespmem:s22], [sflag:$0x3] =	stream.indirect_vreg.gather [hbm4b:s2+s3], $0x80, v7, vm0, $0xb8;
	[tilespmem:$0x18980] =	vst v63  }
0x308: {  	s30 =	simm.s32 $0x11100;
	v6 =	vperm.xlane v6, v3  }
0x309: {  	[tilespmem:s30], [sflag:$0x3] =	stream.indirect_vreg.gather [hbm4b:s5+s3], $0x80, v7, vm0, $0xb8;
	[tilespmem:$0x18980] =	vst v63  }
0x30a: {  	v6 =	vadd.s32 v2, v6;
	s30 =	simm.s32 $0x11900  }
0x30b: {  	[tilespmem:s30], [sflag:$0x3] =	stream.indirect_vreg.gather [hbm4b:s6+s3], $0x80, v7, vm0, $0xb8;
	[tilespmem:$0x18980] =	vst v63  }
0x30c: {  	s30 =	simm.s32 $0x12100  }
0x30d: {  	[tilespmem:s30], [sflag:$0x3] =	stream.indirect_vreg.gather [hbm4b:s7+s3], $0x80, v7, vm0, $0xb8;
	[tilespmem:$0x18980] =	vst v63  }
0x30e: {  	s30 =	simm.s32 $0x12900  }
0x30f: {  	[tilespmem:s30], [sflag:$0x3] =	stream.indirect_vreg.gather [hbm4b:s2+s3], $0x80, v6, vm0, $0xb8;
	[tilespmem:$0x18980] =	vst v63  }
0x310: {  	s30 =	simm.s32 $0x13100  }
0x311: {  	[tilespmem:s30], [sflag:$0x3] =	stream.indirect_vreg.gather [hbm4b:s5+s3], $0x80, v6, vm0, $0xb8;
	[tilespmem:$0x18980] =	vst v63  }
0x312: {  	s30 =	simm.s32 $0x13900  }
0x313: {  	[tilespmem:s30], [sflag:$0x3] =	stream.indirect_vreg.gather [hbm4b:s6+s3], $0x80, v6, vm0, $0xb8;
	[tilespmem:$0x18980] =	vst v63  }
0x314: {  	s30 =	simm.s32 $0x14100  }
0x315: {  	[tilespmem:s30], [sflag:$0x3] =	stream.indirect_vreg.gather [hbm4b:s7+s3], $0x80, v6, vm0, $0xb8;
	[tilespmem:$0x18980] =	vst v63  }
0x316: {  	v6 =	vld [tilespmem:$0x170];
	_ =	sdelay $0x4  }
0x317: {  	v7 =	vshll.u32 v6, $0x3  }
0x318: {  	v6 =	vand.u32 $0x7, v6;
	v7 =	vand.u32 $0xFFFFFFC0, v7  }
0x319: {  	v6 =	vor.u32 v6, v7  }
0x31a: {  	v7 =	vperm.xlane v6, v1;
	_ =	sdelay $0x1  }
0x31b: {  	v7 =	vadd.s32 v2, v7;
	_ =	sdelay $0x3  }
0x31c: {  	s30 =	simm.s32 $0x14900  }
0x31d: {  	[tilespmem:s30], [sflag:$0x3] =	stream.indirect_vreg.gather [hbm4b:s2+s3], $0x80, v7, vm0, $0xb8;
	[tilespmem:$0x18980] =	vst v63  }
0x31e: {  	v6 =	vperm.xlane v6, v3;
	s30 =	simm.s32 $0x15100  }
0x31f: {  	[tilespmem:s30], [sflag:$0x3] =	stream.indirect_vreg.gather [hbm4b:s5+s3], $0x80, v7, vm0, $0xb8;
	[tilespmem:$0x18980] =	vst v63  }
0x320: {  	v6 =	vadd.s32 v2, v6;
	s30 =	simm.s32 $0x15900  }
0x321: {  	[tilespmem:s30], [sflag:$0x3] =	stream.indirect_vreg.gather [hbm4b:s6+s3], $0x80, v7, vm0, $0xb8;
	[tilespmem:$0x18980] =	vst v63  }
0x322: {  	s30 =	simm.s32 $0x16100  }
0x323: {  	[tilespmem:s30], [sflag:$0x3] =	stream.indirect_vreg.gather [hbm4b:s7+s3], $0x80, v7, vm0, $0xb8;
	[tilespmem:$0x18980] =	vst v63  }
0x324: {  	s30 =	simm.s32 $0x16900  }
0x325: {  	[tilespmem:s30], [sflag:$0x3] =	stream.indirect_vreg.gather [hbm4b:s2+s3], $0x80, v6, vm0, $0xb8;
	[tilespmem:$0x18980] =	vst v63  }
0x326: {  	s30 =	simm.s32 $0x17100  }
0x327: {  	[tilespmem:s30], [sflag:$0x3] =	stream.indirect_vreg.gather [hbm4b:s5+s3], $0x80, v6, vm0, $0xb8;
	[tilespmem:$0x18980] =	vst v63  }
0x328: {  	s30 =	simm.s32 $0x17900  }
0x329: {  	[tilespmem:s30], [sflag:$0x3] =	stream.indirect_vreg.gather [hbm4b:s6+s3], $0x80, v6, vm0, $0xb8;
	[tilespmem:$0x18980] =	vst v63  }
0x32a: {  	s30 =	simm.s32 $0x18100  }
0x32b: {  	[tilespmem:s30], [sflag:$0x3] =	stream.indirect_vreg.gather [hbm4b:s7+s3], $0x80, v6, vm0, $0xb8;
	[tilespmem:$0x18980] =	vst v63  }
0x32c: {  	v6 =	vld [tilespmem:$0x3A0];
	_ =	sdelay $0x3  }
0x32d: {  	v61 =	vld [tilespmem:$0x120]  }
0x32e: {  	v7 =	vshll.u32 v6, $0x3  }
0x32f: {  	v6 =	vand.u32 $0x7F, v6;
	v7 =	vand.u32 $0xFFFFFC00, v7  }
0x330: {  	v6 =	vor.u32 v6, v7  }
0x331: {  	v6 =	vadd.s32 v4, v6;
	_ =	sdelay $0x1  }
0x332: {  	v7 =	vld [tilespmem:$0x3B0];
	_ =	sdelay $0x1  }
0x333: {  	v8 =	vld.idx.msk [tilespmem:v61+s10+$0x0], $0xffff  }
0x334: {  	v6 =	vld.idx.msk [tilespmem:v6+s11+$0x0], $0xffff;
	_ =	sdelay $0x1  }
0x335: {  	v62 =	vld [tilespmem:$0x18900];
	v63 =	vshll.u32 v7, $0x3  }
0x336: {  	v12 =	vld [tilespmem:$0x130];
	v7 =	vand.u32 $0x7F, v7;
	v10 =	vand.u32 $0xFFFFFC00, v63  }
0x337: {  	v7 =	vor.u32 v7, v10  }
0x338: {  	v7 =	vadd.s32 v5, v7;
	v6 =	vsub.f32 v8, v6;
	_ =	sdelay $0x1  }
0x339: {  	v6 =	vadd.f32 v6, v62;
	_ =	sdelay $0x1  }
0x33a: {  	[tilespmem:$0x18900] =	vst v6  }
0x33b: {  	v7 =	vld.idx.msk [tilespmem:v7+s11+$0x0], $0xffff  }
0x33c: {  	v13 =	vld.idx.msk [tilespmem:v12+s10+$0x0], $0xffff;
	_ =	sdelay $0x4  }
0x33d: {  	v7 =	vsub.f32 v13, v7;
	_ =	sdelay $0x1  }
0x33e: {  	v6 =	vadd.f32 v7, v6;
	_ =	sdelay $0x1  }
0x33f: {  	s30 =	rddreg [dreg:$0xe];
	[tilespmem:$0x18900] =	vst v6  }
0x340: {  	[hbm4b:s30+s3] =	stream.linear.scatter [tilespmem:s11], [sflag:$0x4], $0x8000, $0x38;
	[tilespmem:$0x18980] =	vst v63  }
0x341: {  	_ =	swait.ge [sflag:s23], $0x8000  }
0x342: {  	[sflag:s23] =	ssyncset.done $0x0  }
0x343: {  	[sflag:s23] =	ssyncadd.s32 $0xFFFF8000  }
0x344: {  	_ =	swait.ge [sflag:s24], $0x8000  }
0x345: {  	[sflag:s24] =	ssyncset.done $0x0  }
0x346: {  	[sflag:s24] =	ssyncadd.s32 $0xFFFF8000  }
0x347: {  	v6 =	vld [tilespmem:$0x180];
	_ =	sdelay $0x4  }
0x348: {  	v7 =	vshll.u32 v6, $0x3  }
0x349: {  	v6 =	vand.u32 $0x7, v6;
	v7 =	vand.u32 $0xFFFFFFC0, v7  }
0x34a: {  	v6 =	vor.u32 v6, v7  }
0x34b: {  	v7 =	vperm.xlane v6, v1;
	_ =	sdelay $0x1  }
0x34c: {  	v7 =	vadd.s32 v2, v7;
	_ =	sdelay $0x4  }
0x34d: {  	[tilespmem:s11], [sflag:$0x1] =	stream.indirect_vreg.gather [hbm4b:s2+s3], $0x80, v7, vm0, $0xb8;
	[tilespmem:$0x18980] =	vst v63  }
0x34e: {  	s30 =	simm.s32 $0x1100;
	v6 =	vperm.xlane v6, v3  }
0x34f: {  	[tilespmem:s30], [sflag:$0x1] =	stream.indirect_vreg.gather [hbm4b:s5+s3], $0x80, v7, vm0, $0xb8;
	[tilespmem:$0x18980] =	vst v63  }
0x350: {  	v6 =	vadd.s32 v2, v6  }
0x351: {  	[tilespmem:s18], [sflag:$0x1] =	stream.indirect_vreg.gather [hbm4b:s6+s3], $0x80, v7, vm0, $0xb8;
	[tilespmem:$0x18980] =	vst v63  }
0x352: {  	s30 =	simm.s32 $0x2100  }
0x353: {  	[tilespmem:s30], [sflag:$0x1] =	stream.indirect_vreg.gather [hbm4b:s7+s3], $0x80, v7, vm0, $0xb8;
	[tilespmem:$0x18980] =	vst v63  }
0x354: {  	s30 =	simm.s32 $0x2900  }
0x355: {  	[tilespmem:s30], [sflag:$0x1] =	stream.indirect_vreg.gather [hbm4b:s2+s3], $0x80, v6, vm0, $0xb8;
	[tilespmem:$0x18980] =	vst v63  }
0x356: {  	s30 =	simm.s32 $0x3100  }
0x357: {  	[tilespmem:s30], [sflag:$0x1] =	stream.indirect_vreg.gather [hbm4b:s5+s3], $0x80, v6, vm0, $0xb8;
	[tilespmem:$0x18980] =	vst v63  }
0x358: {  	s30 =	simm.s32 $0x3900  }
0x359: {  	[tilespmem:s30], [sflag:$0x1] =	stream.indirect_vreg.gather [hbm4b:s6+s3], $0x80, v6, vm0, $0xb8;
	[tilespmem:$0x18980] =	vst v63  }
0x35a: {  	s30 =	simm.s32 $0x4100  }
0x35b: {  	[tilespmem:s30], [sflag:$0x1] =	stream.indirect_vreg.gather [hbm4b:s7+s3], $0x80, v6, vm0, $0xb8;
	[tilespmem:$0x18980] =	vst v63  }
0x35c: {  	v6 =	vld [tilespmem:$0x190];
	_ =	sdelay $0x4  }
0x35d: {  	v7 =	vshll.u32 v6, $0x3  }
0x35e: {  	v6 =	vand.u32 $0x7, v6;
	v7 =	vand.u32 $0xFFFFFFC0, v7  }
0x35f: {  	v6 =	vor.u32 v6, v7  }
0x360: {  	v7 =	vperm.xlane v6, v1;
	_ =	sdelay $0x1  }
0x361: {  	v7 =	vadd.s32 v2, v7;
	_ =	sdelay $0x3  }
0x362: {  	s30 =	simm.s32 $0x4900  }
0x363: {  	[tilespmem:s30], [sflag:$0x1] =	stream.indirect_vreg.gather [hbm4b:s2+s3], $0x80, v7, vm0, $0xb8;
	[tilespmem:$0x18980] =	vst v63  }
0x364: {  	v6 =	vperm.xlane v6, v3;
	s30 =	simm.s32 $0x5100  }
0x365: {  	[tilespmem:s30], [sflag:$0x1] =	stream.indirect_vreg.gather [hbm4b:s5+s3], $0x80, v7, vm0, $0xb8;
	[tilespmem:$0x18980] =	vst v63  }
0x366: {  	v6 =	vadd.s32 v2, v6;
	s30 =	simm.s32 $0x5900  }
0x367: {  	[tilespmem:s30], [sflag:$0x1] =	stream.indirect_vreg.gather [hbm4b:s6+s3], $0x80, v7, vm0, $0xb8;
	[tilespmem:$0x18980] =	vst v63  }
0x368: {  	s30 =	simm.s32 $0x6100  }
0x369: {  	[tilespmem:s30], [sflag:$0x1] =	stream.indirect_vreg.gather [hbm4b:s7+s3], $0x80, v7, vm0, $0xb8;
	[tilespmem:$0x18980] =	vst v63  }
0x36a: {  	s30 =	simm.s32 $0x6900  }
0x36b: {  	[tilespmem:s30], [sflag:$0x1] =	stream.indirect_vreg.gather [hbm4b:s2+s3], $0x80, v6, vm0, $0xb8;
	[tilespmem:$0x18980] =	vst v63  }
0x36c: {  	s30 =	simm.s32 $0x7100  }
0x36d: {  	[tilespmem:s30], [sflag:$0x1] =	stream.indirect_vreg.gather [hbm4b:s5+s3], $0x80, v6, vm0, $0xb8;
	[tilespmem:$0x18980] =	vst v63  }
0x36e: {  	s30 =	simm.s32 $0x7900  }
0x36f: {  	[tilespmem:s30], [sflag:$0x1] =	stream.indirect_vreg.gather [hbm4b:s6+s3], $0x80, v6, vm0, $0xb8;
	[tilespmem:$0x18980] =	vst v63  }
0x370: {  	s30 =	simm.s32 $0x8100  }
0x371: {  	[tilespmem:s30], [sflag:$0x1] =	stream.indirect_vreg.gather [hbm4b:s7+s3], $0x80, v6, vm0, $0xb8;
	[tilespmem:$0x18980] =	vst v63  }
0x372: {  	v6 =	vld [tilespmem:$0x3C0];
	_ =	sdelay $0x3  }
0x373: {  	v14 =	vld [tilespmem:$0x140]  }
0x374: {  	v7 =	vshll.u32 v6, $0x3  }
0x375: {  	v6 =	vand.u32 $0x7F, v6;
	v7 =	vand.u32 $0xFFFFFC00, v7  }
0x376: {  	v6 =	vor.u32 v6, v7  }
0x377: {  	v6 =	vadd.s32 v4, v6;
	_ =	sdelay $0x1  }
0x378: {  	v7 =	vld [tilespmem:$0x3D0];
	_ =	sdelay $0x1  }
0x379: {  	v8 =	vld.idx.msk [tilespmem:v14+s10+$0x0], $0xffff  }
0x37a: {  	v6 =	vld.idx.msk [tilespmem:v6+s28+$0x0], $0xffff;
	_ =	sdelay $0x1  }
0x37b: {  	v15 =	vld [tilespmem:$0x18900];
	v16 =	vshll.u32 v7, $0x3  }
0x37c: {  	v17 =	vld [tilespmem:$0x150];
	v7 =	vand.u32 $0x7F, v7;
	v10 =	vand.u32 $0xFFFFFC00, v16  }
0x37d: {  	v7 =	vor.u32 v7, v10  }
0x37e: {  	v7 =	vadd.s32 v5, v7;
	v6 =	vsub.f32 v8, v6;
	_ =	sdelay $0x1  }
0x37f: {  	v6 =	vadd.f32 v6, v15;
	_ =	sdelay $0x1  }
0x380: {  	[tilespmem:$0x18900] =	vst v6  }
0x381: {  	v7 =	vld.idx.msk [tilespmem:v7+s28+$0x0], $0xffff  }
0x382: {  	v18 =	vld.idx.msk [tilespmem:v17+s10+$0x0], $0xffff;
	_ =	sdelay $0x4  }
0x383: {  	v7 =	vsub.f32 v18, v7;
	_ =	sdelay $0x1  }
0x384: {  	v6 =	vadd.f32 v7, v6;
	_ =	sdelay $0x1  }
0x385: {  	s18 =	rddreg [dreg:$0xf];
	[tilespmem:$0x18900] =	vst v6  }
0x386: {  	[hbm4b:s18+s3] =	stream.linear.scatter [tilespmem:s28], [sflag:$0x5], $0x8000, $0x38;
	[tilespmem:$0x18980] =	vst v63  }
0x387: {  	_ =	swait.ge [sflag:s29], $0x8000  }
0x388: {  	[sflag:s29] =	ssyncset.done $0x0  }
0x389: {  	[sflag:s29] =	ssyncadd.s32 $0xFFFF8000  }
0x38a: {  	_ =	swait.ge [sflag:s26], $0x8000  }
0x38b: {  	[sflag:s26] =	ssyncset.done $0x0  }
0x38c: {  	[sflag:s26] =	ssyncadd.s32 $0xFFFF8000  }
0x38d: {  	v6 =	vld [tilespmem:$0x1A0];
	_ =	sdelay $0x4  }
0x38e: {  	v7 =	vshll.u32 v6, $0x3  }
0x38f: {  	v6 =	vand.u32 $0x7, v6;
	v7 =	vand.u32 $0xFFFFFFC0, v7  }
0x390: {  	v6 =	vor.u32 v6, v7  }
0x391: {  	v7 =	vperm.xlane v6, v1;
	_ =	sdelay $0x1  }
0x392: {  	v7 =	vadd.s32 v2, v7;
	_ =	sdelay $0x4  }
0x393: {  	[tilespmem:s28], [sflag:$0x2] =	stream.indirect_vreg.gather [hbm4b:s2+s3], $0x80, v7, vm0, $0xb8;
	[tilespmem:$0x18980] =	vst v63  }
0x394: {  	v6 =	vperm.xlane v6, v3  }
0x395: {  	[tilespmem:s1], [sflag:$0x2] =	stream.indirect_vreg.gather [hbm4b:s5+s3], $0x80, v7, vm0, $0xb8;
	[tilespmem:$0x18980] =	vst v63  }
0x396: {  	s30 =	simm.s32 $0x9900;
	v6 =	vadd.s32 v2, v6  }
0x397: {  	[tilespmem:s30], [sflag:$0x2] =	stream.indirect_vreg.gather [hbm4b:s6+s3], $0x80, v7, vm0, $0xb8;
	[tilespmem:$0x18980] =	vst v63  }
0x398: {  	_ = 	snop  }
0x399: {  	[tilespmem:s25], [sflag:$0x2] =	stream.indirect_vreg.gather [hbm4b:s7+s3], $0x80, v7, vm0, $0xb8;
	[tilespmem:$0x18980] =	vst v63  }
0x39a: {  	_ = 	snop  }
0x39b: {  	[tilespmem:s8], [sflag:$0x2] =	stream.indirect_vreg.gather [hbm4b:s2+s3], $0x80, v6, vm0, $0xb8;
	[tilespmem:$0x18980] =	vst v63  }
0x39c: {  	_ = 	snop  }
0x39d: {  	[tilespmem:s4], [sflag:$0x2] =	stream.indirect_vreg.gather [hbm4b:s5+s3], $0x80, v6, vm0, $0xb8;
	[tilespmem:$0x18980] =	vst v63  }
0x39e: {  	_ = 	snop  }
0x39f: {  	[tilespmem:s9], [sflag:$0x2] =	stream.indirect_vreg.gather [hbm4b:s6+s3], $0x80, v6, vm0, $0xb8;
	[tilespmem:$0x18980] =	vst v63  }
0x3a0: {  	_ = 	snop  }
0x3a1: {  	[tilespmem:s19], [sflag:$0x2] =	stream.indirect_vreg.gather [hbm4b:s7+s3], $0x80, v6, vm0, $0xb8;
	[tilespmem:$0x18980] =	vst v63  }
0x3a2: {  	v6 =	vld [tilespmem:$0x1B0];
	_ =	sdelay $0x4  }
0x3a3: {  	v7 =	vshll.u32 v6, $0x3  }
0x3a4: {  	v6 =	vand.u32 $0x7, v6;
	v7 =	vand.u32 $0xFFFFFFC0, v7  }
0x3a5: {  	v6 =	vor.u32 v6, v7  }
0x3a6: {  	v7 =	vperm.xlane v6, v1;
	_ =	sdelay $0x1  }
0x3a7: {  	v7 =	vadd.s32 v2, v7;
	_ =	sdelay $0x4  }
0x3a8: {  	[tilespmem:s20], [sflag:$0x2] =	stream.indirect_vreg.gather [hbm4b:s2+s3], $0x80, v7, vm0, $0xb8;
	[tilespmem:$0x18980] =	vst v63  }
0x3a9: {  	v6 =	vperm.xlane v6, v3  }
0x3aa: {  	[tilespmem:s31], [sflag:$0x2] =	stream.indirect_vreg.gather [hbm4b:s5+s3], $0x80, v7, vm0, $0xb8;
	[tilespmem:$0x18980] =	vst v63  }
0x3ab: {  	v6 =	vadd.s32 v2, v6  }
0x3ac: {  	[tilespmem:s12], [sflag:$0x2] =	stream.indirect_vreg.gather [hbm4b:s6+s3], $0x80, v7, vm0, $0xb8;
	[tilespmem:$0x18980] =	vst v63  }
0x3ad: {  	_ = 	snop  }
0x3ae: {  	[tilespmem:s13], [sflag:$0x2] =	stream.indirect_vreg.gather [hbm4b:s7+s3], $0x80, v7, vm0, $0xb8;
	[tilespmem:$0x18980] =	vst v63  }
0x3af: {  	_ = 	snop  }
0x3b0: {  	[tilespmem:s14], [sflag:$0x2] =	stream.indirect_vreg.gather [hbm4b:s2+s3], $0x80, v6, vm0, $0xb8;
	[tilespmem:$0x18980] =	vst v63  }
0x3b1: {  	_ = 	snop  }
0x3b2: {  	[tilespmem:s15], [sflag:$0x2] =	stream.indirect_vreg.gather [hbm4b:s5+s3], $0x80, v6, vm0, $0xb8;
	[tilespmem:$0x18980] =	vst v63  }
0x3b3: {  	_ = 	snop  }
0x3b4: {  	[tilespmem:s16], [sflag:$0x2] =	stream.indirect_vreg.gather [hbm4b:s6+s3], $0x80, v6, vm0, $0xb8;
	[tilespmem:$0x18980] =	vst v63  }
0x3b5: {  	_ = 	snop  }
0x3b6: {  	[tilespmem:s17], [sflag:$0x2] =	stream.indirect_vreg.gather [hbm4b:s7+s3], $0x80, v6, vm0, $0xb8;
	[tilespmem:$0x18980] =	vst v63  }
0x3b7: {  	v6 =	vld [tilespmem:$0x3E0];
	_ =	sdelay $0x3  }
0x3b8: {  	v19 =	vld [tilespmem:$0x160]  }
0x3b9: {  	v7 =	vshll.u32 v6, $0x3  }
0x3ba: {  	v6 =	vand.u32 $0x7F, v6;
	v7 =	vand.u32 $0xFFFFFC00, v7  }
0x3bb: {  	v6 =	vor.u32 v6, v7  }
0x3bc: {  	v6 =	vadd.s32 v4, v6;
	_ =	sdelay $0x1  }
0x3bd: {  	v7 =	vld [tilespmem:$0x3F0];
	_ =	sdelay $0x1  }
0x3be: {  	v8 =	vld.idx.msk [tilespmem:v19+s10+$0x0], $0xffff  }
0x3bf: {  	v6 =	vld.idx.msk [tilespmem:v6+s22+$0x0], $0xffff;
	_ =	sdelay $0x1  }
0x3c0: {  	v20 =	vld [tilespmem:$0x18900];
	v21 =	vshll.u32 v7, $0x3  }
0x3c1: {  	v22 =	vld [tilespmem:$0x170];
	v7 =	vand.u32 $0x7F, v7;
	v10 =	vand.u32 $0xFFFFFC00, v21  }
0x3c2: {  	v7 =	vor.u32 v7, v10  }
0x3c3: {  	v7 =	vadd.s32 v5, v7;
	v6 =	vsub.f32 v8, v6;
	_ =	sdelay $0x1  }
0x3c4: {  	v6 =	vadd.f32 v6, v20;
	_ =	sdelay $0x1  }
0x3c5: {  	[tilespmem:$0x18900] =	vst v6  }
0x3c6: {  	v7 =	vld.idx.msk [tilespmem:v7+s22+$0x0], $0xffff  }
0x3c7: {  	v23 =	vld.idx.msk [tilespmem:v22+s10+$0x0], $0xffff;
	_ =	sdelay $0x4  }
0x3c8: {  	v7 =	vsub.f32 v23, v7;
	_ =	sdelay $0x1  }
0x3c9: {  	v6 =	vadd.f32 v7, v6;
	_ =	sdelay $0x1  }
0x3ca: {  	s15 =	rddreg [dreg:$0x10];
	[tilespmem:$0x18900] =	vst v6  }
0x3cb: {  	[hbm4b:s15+s3] =	stream.linear.scatter [tilespmem:s22], [sflag:$0x6], $0x8000, $0x38;
	[tilespmem:$0x18980] =	vst v63  }
0x3cc: {  	_ =	swait.ge [sflag:s21], $0x8000  }
0x3cd: {  	[sflag:s21] =	ssyncset.done $0x0  }
0x3ce: {  	[sflag:s21] =	ssyncadd.s32 $0xFFFF8000  }
0x3cf: {  	_ =	swait.ge [sflag:s0], $0x8000  }
0x3d0: {  	[sflag:s0] =	ssyncset.done $0x0  }
0x3d1: {  	[sflag:s0] =	ssyncadd.s32 $0xFFFF8000  }
0x3d2: {  	v6 =	vld [tilespmem:$0x1C0];
	_ =	sdelay $0x4  }
0x3d3: {  	v7 =	vshll.u32 v6, $0x3  }
0x3d4: {  	v6 =	vand.u32 $0x7, v6;
	v7 =	vand.u32 $0xFFFFFFC0, v7  }
0x3d5: {  	v6 =	vor.u32 v6, v7  }
0x3d6: {  	v7 =	vperm.xlane v6, v1;
	_ =	sdelay $0x1  }
0x3d7: {  	v7 =	vadd.s32 v2, v7;
	_ =	sdelay $0x4  }
0x3d8: {  	[tilespmem:s22], [sflag:$0x3] =	stream.indirect_vreg.gather [hbm4b:s2+s3], $0x80, v7, vm0, $0xb8;
	[tilespmem:$0x18980] =	vst v63  }
0x3d9: {  	s16 =	simm.s32 $0x11100;
	v6 =	vperm.xlane v6, v3  }
0x3da: {  	[tilespmem:s16], [sflag:$0x3] =	stream.indirect_vreg.gather [hbm4b:s5+s3], $0x80, v7, vm0, $0xb8;
	[tilespmem:$0x18980] =	vst v63  }
0x3db: {  	s17 =	simm.s32 $0x11900;
	v6 =	vadd.s32 v2, v6  }
0x3dc: {  	[tilespmem:s17], [sflag:$0x3] =	stream.indirect_vreg.gather [hbm4b:s6+s3], $0x80, v7, vm0, $0xb8;
	[tilespmem:$0x18980] =	vst v63  }
0x3dd: {  	s1 =	simm.s32 $0x12100  }
0x3de: {  	[tilespmem:s1], [sflag:$0x3] =	stream.indirect_vreg.gather [hbm4b:s7+s3], $0x80, v7, vm0, $0xb8;
	[tilespmem:$0x18980] =	vst v63  }
0x3df: {  	s19 =	simm.s32 $0x12900  }
0x3e0: {  	[tilespmem:s19], [sflag:$0x3] =	stream.indirect_vreg.gather [hbm4b:s2+s3], $0x80, v6, vm0, $0xb8;
	[tilespmem:$0x18980] =	vst v63  }
0x3e1: {  	s4 =	simm.s32 $0x13100  }
0x3e2: {  	[tilespmem:s4], [sflag:$0x3] =	stream.indirect_vreg.gather [hbm4b:s5+s3], $0x80, v6, vm0, $0xb8;
	[tilespmem:$0x18980] =	vst v63  }
0x3e3: {  	s14 =	simm.s32 $0x13900  }
0x3e4: {  	[tilespmem:s14], [sflag:$0x3] =	stream.indirect_vreg.gather [hbm4b:s6+s3], $0x80, v6, vm0, $0xb8;
	[tilespmem:$0x18980] =	vst v63  }
0x3e5: {  	s20 =	simm.s32 $0x14100  }
0x3e6: {  	[tilespmem:s20], [sflag:$0x3] =	stream.indirect_vreg.gather [hbm4b:s7+s3], $0x80, v6, vm0, $0xb8;
	[tilespmem:$0x18980] =	vst v63  }
0x3e7: {  	v6 =	vld [tilespmem:$0x1D0];
	_ =	sdelay $0x4  }
0x3e8: {  	v7 =	vshll.u32 v6, $0x3  }
0x3e9: {  	v6 =	vand.u32 $0x7, v6;
	v7 =	vand.u32 $0xFFFFFFC0, v7  }
0x3ea: {  	v6 =	vor.u32 v6, v7  }
0x3eb: {  	v7 =	vperm.xlane v6, v1;
	_ =	sdelay $0x1  }
0x3ec: {  	v7 =	vadd.s32 v2, v7;
	_ =	sdelay $0x3  }
0x3ed: {  	s25 =	simm.s32 $0x14900  }
0x3ee: {  	[tilespmem:s25], [sflag:$0x3] =	stream.indirect_vreg.gather [hbm4b:s2+s3], $0x80, v7, vm0, $0xb8;
	[tilespmem:$0x18980] =	vst v63  }
0x3ef: {  	s30 =	simm.s32 $0x15100;
	v6 =	vperm.xlane v6, v3  }
0x3f0: {  	[tilespmem:s30], [sflag:$0x3] =	stream.indirect_vreg.gather [hbm4b:s5+s3], $0x80, v7, vm0, $0xb8;
	[tilespmem:$0x18980] =	vst v63  }
0x3f1: {  	s8 =	simm.s32 $0x15900;
	v6 =	vadd.s32 v2, v6  }
0x3f2: {  	[tilespmem:s8], [sflag:$0x3] =	stream.indirect_vreg.gather [hbm4b:s6+s3], $0x80, v7, vm0, $0xb8;
	[tilespmem:$0x18980] =	vst v63  }
0x3f3: {  	s8 =	simm.s32 $0x16100  }
0x3f4: {  	[tilespmem:s8], [sflag:$0x3] =	stream.indirect_vreg.gather [hbm4b:s7+s3], $0x80, v7, vm0, $0xb8;
	[tilespmem:$0x18980] =	vst v63  }
0x3f5: {  	s12 =	simm.s32 $0x16900  }
0x3f6: {  	[tilespmem:s12], [sflag:$0x3] =	stream.indirect_vreg.gather [hbm4b:s2+s3], $0x80, v6, vm0, $0xb8;
	[tilespmem:$0x18980] =	vst v63  }
0x3f7: {  	s13 =	simm.s32 $0x17100  }
0x3f8: {  	[tilespmem:s13], [sflag:$0x3] =	stream.indirect_vreg.gather [hbm4b:s5+s3], $0x80, v6, vm0, $0xb8;
	[tilespmem:$0x18980] =	vst v63  }
0x3f9: {  	s9 =	simm.s32 $0x17900  }
0x3fa: {  	[tilespmem:s9], [sflag:$0x3] =	stream.indirect_vreg.gather [hbm4b:s6+s3], $0x80, v6, vm0, $0xb8;
	[tilespmem:$0x18980] =	vst v63  }
0x3fb: {  	s9 =	simm.s32 $0x18100  }
0x3fc: {  	[tilespmem:s9], [sflag:$0x3] =	stream.indirect_vreg.gather [hbm4b:s7+s3], $0x80, v6, vm0, $0xb8;
	[tilespmem:$0x18980] =	vst v63  }
0x3fd: {  	v6 =	vld [tilespmem:$0x400];
	_ =	sdelay $0x3  }
0x3fe: {  	v24 =	vld [tilespmem:$0x180]  }
0x3ff: {  	v7 =	vshll.u32 v6, $0x3  }
0x400: {  	v6 =	vand.u32 $0x7F, v6;
	v7 =	vand.u32 $0xFFFFFC00, v7  }
0x401: {  	v6 =	vor.u32 v6, v7  }
0x402: {  	v6 =	vadd.s32 v4, v6;
	_ =	sdelay $0x1  }
0x403: {  	v7 =	vld [tilespmem:$0x410];
	_ =	sdelay $0x1  }
0x404: {  	v8 =	vld.idx.msk [tilespmem:v24+s10+$0x0], $0xffff  }
0x405: {  	v6 =	vld.idx.msk [tilespmem:v6+s11+$0x0], $0xffff;
	_ =	sdelay $0x1  }
0x406: {  	v25 =	vld [tilespmem:$0x18900];
	v26 =	vshll.u32 v7, $0x3  }
0x407: {  	v27 =	vld [tilespmem:$0x190];
	v7 =	vand.u32 $0x7F, v7;
	v10 =	vand.u32 $0xFFFFFC00, v26  }
0x408: {  	v7 =	vor.u32 v7, v10  }
0x409: {  	v7 =	vadd.s32 v5, v7;
	v6 =	vsub.f32 v8, v6;
	_ =	sdelay $0x1  }
0x40a: {  	v6 =	vadd.f32 v6, v25;
	_ =	sdelay $0x1  }
0x40b: {  	[tilespmem:$0x18900] =	vst v6  }
0x40c: {  	v7 =	vld.idx.msk [tilespmem:v7+s11+$0x0], $0xffff  }
0x40d: {  	v28 =	vld.idx.msk [tilespmem:v27+s10+$0x0], $0xffff;
	_ =	sdelay $0x4  }
0x40e: {  	v7 =	vsub.f32 v28, v7;
	_ =	sdelay $0x1  }
0x40f: {  	v6 =	vadd.f32 v7, v6;
	_ =	sdelay $0x1  }
0x410: {  	s15 =	rddreg [dreg:$0x11];
	[tilespmem:$0x18900] =	vst v6  }
0x411: {  	[hbm4b:s15+s3] =	stream.linear.scatter [tilespmem:s11], [sflag:$0x4], $0x8000, $0x38;
	[tilespmem:$0x18980] =	vst v63  }
0x412: {  	_ =	swait.ge [sflag:s23], $0x8000  }
0x413: {  	[sflag:s23] =	ssyncset.done $0x0  }
0x414: {  	[sflag:s23] =	ssyncadd.s32 $0xFFFF8000  }
0x415: {  	_ =	swait.ge [sflag:s24], $0x8000  }
0x416: {  	[sflag:s24] =	ssyncset.done $0x0  }
0x417: {  	[sflag:s24] =	ssyncadd.s32 $0xFFFF8000  }
0x418: {  	v6 =	vld [tilespmem:$0x1E0];
	_ =	sdelay $0x4  }
0x419: {  	v7 =	vshll.u32 v6, $0x3  }
0x41a: {  	v6 =	vand.u32 $0x7, v6;
	v7 =	vand.u32 $0xFFFFFFC0, v7  }
0x41b: {  	v6 =	vor.u32 v6, v7  }
0x41c: {  	v7 =	vperm.xlane v6, v1;
	_ =	sdelay $0x1  }
0x41d: {  	v7 =	vadd.s32 v2, v7;
	_ =	sdelay $0x4  }
0x41e: {  	[tilespmem:s11], [sflag:$0x1] =	stream.indirect_vreg.gather [hbm4b:s2+s3], $0x80, v7, vm0, $0xb8;
	[tilespmem:$0x18980] =	vst v63  }
0x41f: {  	s15 =	simm.s32 $0x1100;
	v6 =	vperm.xlane v6, v3  }
0x420: {  	[tilespmem:s15], [sflag:$0x1] =	stream.indirect_vreg.gather [hbm4b:s5+s3], $0x80, v7, vm0, $0xb8;
	[tilespmem:$0x18980] =	vst v63  }
0x421: {  	s30 =	simm.s32 $0x1900;
	v6 =	vadd.s32 v2, v6  }
0x422: {  	[tilespmem:s30], [sflag:$0x1] =	stream.indirect_vreg.gather [hbm4b:s6+s3], $0x80, v7, vm0, $0xb8;
	[tilespmem:$0x18980] =	vst v63  }
0x423: {  	s30 =	simm.s32 $0x2100  }
0x424: {  	[tilespmem:s30], [sflag:$0x1] =	stream.indirect_vreg.gather [hbm4b:s7+s3], $0x80, v7, vm0, $0xb8;
	[tilespmem:$0x18980] =	vst v63  }
0x425: {  	s30 =	simm.s32 $0x2900  }
0x426: {  	[tilespmem:s30], [sflag:$0x1] =	stream.indirect_vreg.gather [hbm4b:s2+s3], $0x80, v6, vm0, $0xb8;
	[tilespmem:$0x18980] =	vst v63  }
0x427: {  	s30 =	simm.s32 $0x3100  }
0x428: {  	[tilespmem:s30], [sflag:$0x1] =	stream.indirect_vreg.gather [hbm4b:s5+s3], $0x80, v6, vm0, $0xb8;
	[tilespmem:$0x18980] =	vst v63  }
0x429: {  	s30 =	simm.s32 $0x3900  }
0x42a: {  	[tilespmem:s30], [sflag:$0x1] =	stream.indirect_vreg.gather [hbm4b:s6+s3], $0x80, v6, vm0, $0xb8;
	[tilespmem:$0x18980] =	vst v63  }
0x42b: {  	s30 =	simm.s32 $0x4100  }
0x42c: {  	[tilespmem:s30], [sflag:$0x1] =	stream.indirect_vreg.gather [hbm4b:s7+s3], $0x80, v6, vm0, $0xb8;
	[tilespmem:$0x18980] =	vst v63  }
0x42d: {  	v6 =	vld [tilespmem:$0x1F0];
	_ =	sdelay $0x4  }
0x42e: {  	v7 =	vshll.u32 v6, $0x3  }
0x42f: {  	v6 =	vand.u32 $0x7, v6;
	v7 =	vand.u32 $0xFFFFFFC0, v7  }
0x430: {  	v6 =	vor.u32 v6, v7  }
0x431: {  	v7 =	vperm.xlane v6, v1;
	_ =	sdelay $0x1  }
0x432: {  	v7 =	vadd.s32 v2, v7;
	_ =	sdelay $0x3  }
0x433: {  	s30 =	simm.s32 $0x4900  }
0x434: {  	[tilespmem:s30], [sflag:$0x1] =	stream.indirect_vreg.gather [hbm4b:s2+s3], $0x80, v7, vm0, $0xb8;
	[tilespmem:$0x18980] =	vst v63  }
0x435: {  	v6 =	vperm.xlane v6, v3;
	s30 =	simm.s32 $0x5100  }
0x436: {  	[tilespmem:s30], [sflag:$0x1] =	stream.indirect_vreg.gather [hbm4b:s5+s3], $0x80, v7, vm0, $0xb8;
	[tilespmem:$0x18980] =	vst v63  }
0x437: {  	v6 =	vadd.s32 v2, v6;
	s30 =	simm.s32 $0x5900  }
0x438: {  	[tilespmem:s30], [sflag:$0x1] =	stream.indirect_vreg.gather [hbm4b:s6+s3], $0x80, v7, vm0, $0xb8;
	[tilespmem:$0x18980] =	vst v63  }
0x439: {  	s30 =	simm.s32 $0x6100  }
0x43a: {  	[tilespmem:s30], [sflag:$0x1] =	stream.indirect_vreg.gather [hbm4b:s7+s3], $0x80, v7, vm0, $0xb8;
	[tilespmem:$0x18980] =	vst v63  }
0x43b: {  	s30 =	simm.s32 $0x6900  }
0x43c: {  	[tilespmem:s30], [sflag:$0x1] =	stream.indirect_vreg.gather [hbm4b:s2+s3], $0x80, v6, vm0, $0xb8;
	[tilespmem:$0x18980] =	vst v63  }
0x43d: {  	s30 =	simm.s32 $0x7100  }
0x43e: {  	[tilespmem:s30], [sflag:$0x1] =	stream.indirect_vreg.gather [hbm4b:s5+s3], $0x80, v6, vm0, $0xb8;
	[tilespmem:$0x18980] =	vst v63  }
0x43f: {  	s30 =	simm.s32 $0x7900  }
0x440: {  	[tilespmem:s30], [sflag:$0x1] =	stream.indirect_vreg.gather [hbm4b:s6+s3], $0x80, v6, vm0, $0xb8;
	[tilespmem:$0x18980] =	vst v63  }
0x441: {  	s30 =	simm.s32 $0x8100  }
0x442: {  	[tilespmem:s30], [sflag:$0x1] =	stream.indirect_vreg.gather [hbm4b:s7+s3], $0x80, v6, vm0, $0xb8;
	[tilespmem:$0x18980] =	vst v63  }
0x443: {  	v6 =	vld [tilespmem:$0x420];
	_ =	sdelay $0x3  }
0x444: {  	v29 =	vld [tilespmem:$0x1A0]  }
0x445: {  	v7 =	vshll.u32 v6, $0x3  }
0x446: {  	v6 =	vand.u32 $0x7F, v6;
	v7 =	vand.u32 $0xFFFFFC00, v7  }
0x447: {  	v6 =	vor.u32 v6, v7  }
0x448: {  	v6 =	vadd.s32 v4, v6;
	_ =	sdelay $0x1  }
0x449: {  	v7 =	vld [tilespmem:$0x430];
	_ =	sdelay $0x1  }
0x44a: {  	v8 =	vld.idx.msk [tilespmem:v29+s10+$0x0], $0xffff  }
0x44b: {  	v6 =	vld.idx.msk [tilespmem:v6+s28+$0x0], $0xffff;
	_ =	sdelay $0x1  }
0x44c: {  	v30 =	vld [tilespmem:$0x18900];
	v31 =	vshll.u32 v7, $0x3  }
0x44d: {  	v32 =	vld [tilespmem:$0x1B0];
	v7 =	vand.u32 $0x7F, v7;
	v10 =	vand.u32 $0xFFFFFC00, v31  }
0x44e: {  	v7 =	vor.u32 v7, v10  }
0x44f: {  	v7 =	vadd.s32 v5, v7;
	v6 =	vsub.f32 v8, v6;
	_ =	sdelay $0x1  }
0x450: {  	v6 =	vadd.f32 v6, v30;
	_ =	sdelay $0x1  }
0x451: {  	[tilespmem:$0x18900] =	vst v6  }
0x452: {  	v7 =	vld.idx.msk [tilespmem:v7+s28+$0x0], $0xffff  }
0x453: {  	v33 =	vld.idx.msk [tilespmem:v32+s10+$0x0], $0xffff;
	_ =	sdelay $0x4  }
0x454: {  	v7 =	vsub.f32 v33, v7;
	_ =	sdelay $0x1  }
0x455: {  	v6 =	vadd.f32 v7, v6;
	_ =	sdelay $0x1  }
0x456: {  	s30 =	rddreg [dreg:$0x12];
	[tilespmem:$0x18900] =	vst v6  }
0x457: {  	[hbm4b:s30+s3] =	stream.linear.scatter [tilespmem:s28], [sflag:$0x5], $0x8000, $0x38;
	[tilespmem:$0x18980] =	vst v63  }
0x458: {  	_ =	swait.ge [sflag:s29], $0x8000  }
0x459: {  	[sflag:s29] =	ssyncset.done $0x0  }
0x45a: {  	[sflag:s29] =	ssyncadd.s32 $0xFFFF8000  }
0x45b: {  	_ =	swait.ge [sflag:s26], $0x8000  }
0x45c: {  	[sflag:s26] =	ssyncset.done $0x0  }
0x45d: {  	[sflag:s26] =	ssyncadd.s32 $0xFFFF8000  }
0x45e: {  	v6 =	vld [tilespmem:$0x200];
	_ =	sdelay $0x4  }
0x45f: {  	v7 =	vshll.u32 v6, $0x3  }
0x460: {  	v6 =	vand.u32 $0x7, v6;
	v7 =	vand.u32 $0xFFFFFFC0, v7  }
0x461: {  	v6 =	vor.u32 v6, v7  }
0x462: {  	v7 =	vperm.xlane v6, v1;
	_ =	sdelay $0x1  }
0x463: {  	v7 =	vadd.s32 v2, v7;
	_ =	sdelay $0x4  }
0x464: {  	[tilespmem:s28], [sflag:$0x2] =	stream.indirect_vreg.gather [hbm4b:s2+s3], $0x80, v7, vm0, $0xb8;
	[tilespmem:$0x18980] =	vst v63  }
0x465: {  	s30 =	simm.s32 $0x9100;
	v6 =	vperm.xlane v6, v3  }
0x466: {  	[tilespmem:s30], [sflag:$0x2] =	stream.indirect_vreg.gather [hbm4b:s5+s3], $0x80, v7, vm0, $0xb8;
	[tilespmem:$0x18980] =	vst v63  }
0x467: {  	v6 =	vadd.s32 v2, v6;
	s30 =	simm.s32 $0x9900  }
0x468: {  	[tilespmem:s30], [sflag:$0x2] =	stream.indirect_vreg.gather [hbm4b:s6+s3], $0x80, v7, vm0, $0xb8;
	[tilespmem:$0x18980] =	vst v63  }
0x469: {  	s30 =	simm.s32 $0xA100  }
0x46a: {  	[tilespmem:s30], [sflag:$0x2] =	stream.indirect_vreg.gather [hbm4b:s7+s3], $0x80, v7, vm0, $0xb8;
	[tilespmem:$0x18980] =	vst v63  }
0x46b: {  	s30 =	simm.s32 $0xA900  }
0x46c: {  	[tilespmem:s30], [sflag:$0x2] =	stream.indirect_vreg.gather [hbm4b:s2+s3], $0x80, v6, vm0, $0xb8;
	[tilespmem:$0x18980] =	vst v63  }
0x46d: {  	s30 =	simm.s32 $0xB100  }
0x46e: {  	[tilespmem:s30], [sflag:$0x2] =	stream.indirect_vreg.gather [hbm4b:s5+s3], $0x80, v6, vm0, $0xb8;
	[tilespmem:$0x18980] =	vst v63  }
0x46f: {  	s30 =	simm.s32 $0xB900  }
0x470: {  	[tilespmem:s30], [sflag:$0x2] =	stream.indirect_vreg.gather [hbm4b:s6+s3], $0x80, v6, vm0, $0xb8;
	[tilespmem:$0x18980] =	vst v63  }
0x471: {  	s30 =	simm.s32 $0xC100  }
0x472: {  	[tilespmem:s30], [sflag:$0x2] =	stream.indirect_vreg.gather [hbm4b:s7+s3], $0x80, v6, vm0, $0xb8;
	[tilespmem:$0x18980] =	vst v63  }
0x473: {  	v6 =	vld [tilespmem:$0x210];
	_ =	sdelay $0x4  }
0x474: {  	v7 =	vshll.u32 v6, $0x3  }
0x475: {  	v6 =	vand.u32 $0x7, v6;
	v7 =	vand.u32 $0xFFFFFFC0, v7  }
0x476: {  	v6 =	vor.u32 v6, v7  }
0x477: {  	v7 =	vperm.xlane v6, v1;
	_ =	sdelay $0x1  }
0x478: {  	v7 =	vadd.s32 v2, v7;
	_ =	sdelay $0x3  }
0x479: {  	s30 =	simm.s32 $0xC900  }
0x47a: {  	[tilespmem:s30], [sflag:$0x2] =	stream.indirect_vreg.gather [hbm4b:s2+s3], $0x80, v7, vm0, $0xb8;
	[tilespmem:$0x18980] =	vst v63  }
0x47b: {  	v6 =	vperm.xlane v6, v3;
	s30 =	simm.s32 $0xD100  }
0x47c: {  	[tilespmem:s30], [sflag:$0x2] =	stream.indirect_vreg.gather [hbm4b:s5+s3], $0x80, v7, vm0, $0xb8;
	[tilespmem:$0x18980] =	vst v63  }
0x47d: {  	v6 =	vadd.s32 v2, v6;
	s30 =	simm.s32 $0xD900  }
0x47e: {  	[tilespmem:s30], [sflag:$0x2] =	stream.indirect_vreg.gather [hbm4b:s6+s3], $0x80, v7, vm0, $0xb8;
	[tilespmem:$0x18980] =	vst v63  }
0x47f: {  	s30 =	simm.s32 $0xE100  }
0x480: {  	[tilespmem:s30], [sflag:$0x2] =	stream.indirect_vreg.gather [hbm4b:s7+s3], $0x80, v7, vm0, $0xb8;
	[tilespmem:$0x18980] =	vst v63  }
0x481: {  	s30 =	simm.s32 $0xE900  }
0x482: {  	[tilespmem:s30], [sflag:$0x2] =	stream.indirect_vreg.gather [hbm4b:s2+s3], $0x80, v6, vm0, $0xb8;
	[tilespmem:$0x18980] =	vst v63  }
0x483: {  	s30 =	simm.s32 $0xF100  }
0x484: {  	[tilespmem:s30], [sflag:$0x2] =	stream.indirect_vreg.gather [hbm4b:s5+s3], $0x80, v6, vm0, $0xb8;
	[tilespmem:$0x18980] =	vst v63  }
0x485: {  	s30 =	simm.s32 $0xF900  }
0x486: {  	[tilespmem:s30], [sflag:$0x2] =	stream.indirect_vreg.gather [hbm4b:s6+s3], $0x80, v6, vm0, $0xb8;
	[tilespmem:$0x18980] =	vst v63  }
0x487: {  	s30 =	simm.s32 $0x10100  }
0x488: {  	[tilespmem:s30], [sflag:$0x2] =	stream.indirect_vreg.gather [hbm4b:s7+s3], $0x80, v6, vm0, $0xb8;
	[tilespmem:$0x18980] =	vst v63  }
0x489: {  	v6 =	vld [tilespmem:$0x440];
	_ =	sdelay $0x3  }
0x48a: {  	v34 =	vld [tilespmem:$0x1C0]  }
0x48b: {  	v7 =	vshll.u32 v6, $0x3  }
0x48c: {  	v6 =	vand.u32 $0x7F, v6;
	v7 =	vand.u32 $0xFFFFFC00, v7  }
0x48d: {  	v6 =	vor.u32 v6, v7  }
0x48e: {  	v6 =	vadd.s32 v4, v6;
	_ =	sdelay $0x1  }
0x48f: {  	v7 =	vld [tilespmem:$0x450];
	_ =	sdelay $0x1  }
0x490: {  	v8 =	vld.idx.msk [tilespmem:v34+s10+$0x0], $0xffff  }
0x491: {  	v6 =	vld.idx.msk [tilespmem:v6+s22+$0x0], $0xffff;
	_ =	sdelay $0x1  }
0x492: {  	v35 =	vld [tilespmem:$0x18900];
	v36 =	vshll.u32 v7, $0x3  }
0x493: {  	v37 =	vld [tilespmem:$0x1D0];
	v7 =	vand.u32 $0x7F, v7;
	v10 =	vand.u32 $0xFFFFFC00, v36  }
0x494: {  	v7 =	vor.u32 v7, v10  }
0x495: {  	v7 =	vadd.s32 v5, v7;
	v6 =	vsub.f32 v8, v6;
	_ =	sdelay $0x1  }
0x496: {  	v6 =	vadd.f32 v6, v35;
	_ =	sdelay $0x1  }
0x497: {  	[tilespmem:$0x18900] =	vst v6  }
0x498: {  	v7 =	vld.idx.msk [tilespmem:v7+s22+$0x0], $0xffff  }
0x499: {  	v38 =	vld.idx.msk [tilespmem:v37+s10+$0x0], $0xffff;
	_ =	sdelay $0x4  }
0x49a: {  	v7 =	vsub.f32 v38, v7;
	_ =	sdelay $0x1  }
0x49b: {  	v6 =	vadd.f32 v7, v6;
	_ =	sdelay $0x1  }
0x49c: {  	s30 =	rddreg [dreg:$0x13];
	[tilespmem:$0x18900] =	vst v6  }
0x49d: {  	[hbm4b:s30+s3] =	stream.linear.scatter [tilespmem:s22], [sflag:$0x6], $0x8000, $0x38;
	[tilespmem:$0x18980] =	vst v63  }
0x49e: {  	_ =	swait.ge [sflag:s21], $0x8000  }
0x49f: {  	[sflag:s21] =	ssyncset.done $0x0  }
0x4a0: {  	[sflag:s21] =	ssyncadd.s32 $0xFFFF8000  }
0x4a1: {  	_ =	swait.ge [sflag:s0], $0x8000  }
0x4a2: {  	[sflag:s0] =	ssyncset.done $0x0  }
0x4a3: {  	[sflag:s0] =	ssyncadd.s32 $0xFFFF8000  }
0x4a4: {  	v6 =	vld [tilespmem:$0x220];
	_ =	sdelay $0x4  }
0x4a5: {  	v7 =	vshll.u32 v6, $0x3  }
0x4a6: {  	v6 =	vand.u32 $0x7, v6;
	v7 =	vand.u32 $0xFFFFFFC0, v7  }
0x4a7: {  	v6 =	vor.u32 v6, v7  }
0x4a8: {  	v7 =	vperm.xlane v6, v1;
	_ =	sdelay $0x1  }
0x4a9: {  	v7 =	vadd.s32 v2, v7;
	_ =	sdelay $0x4  }
0x4aa: {  	[tilespmem:s22], [sflag:$0x3] =	stream.indirect_vreg.gather [hbm4b:s2+s3], $0x80, v7, vm0, $0xb8;
	[tilespmem:$0x18980] =	vst v63  }
0x4ab: {  	s18 =	simm.s32 $0x11100;
	v6 =	vperm.xlane v6, v3  }
0x4ac: {  	[tilespmem:s18], [sflag:$0x3] =	stream.indirect_vreg.gather [hbm4b:s5+s3], $0x80, v7, vm0, $0xb8;
	[tilespmem:$0x18980] =	vst v63  }
0x4ad: {  	s31 =	simm.s32 $0x11900;
	v6 =	vadd.s32 v2, v6  }
0x4ae: {  	[tilespmem:s31], [sflag:$0x3] =	stream.indirect_vreg.gather [hbm4b:s6+s3], $0x80, v7, vm0, $0xb8;
	[tilespmem:$0x18980] =	vst v63  }
0x4af: {  	_ = 	snop  }
0x4b0: {  	[tilespmem:s1], [sflag:$0x3] =	stream.indirect_vreg.gather [hbm4b:s7+s3], $0x80, v7, vm0, $0xb8;
	[tilespmem:$0x18980] =	vst v63  }
0x4b1: {  	s31 =	simm.s32 $0x12900  }
0x4b2: {  	[tilespmem:s31], [sflag:$0x3] =	stream.indirect_vreg.gather [hbm4b:s2+s3], $0x80, v6, vm0, $0xb8;
	[tilespmem:$0x18980] =	vst v63  }
0x4b3: {  	_ = 	snop  }
0x4b4: {  	[tilespmem:s4], [sflag:$0x3] =	stream.indirect_vreg.gather [hbm4b:s5+s3], $0x80, v6, vm0, $0xb8;
	[tilespmem:$0x18980] =	vst v63  }
0x4b5: {  	_ = 	snop  }
0x4b6: {  	[tilespmem:s14], [sflag:$0x3] =	stream.indirect_vreg.gather [hbm4b:s6+s3], $0x80, v6, vm0, $0xb8;
	[tilespmem:$0x18980] =	vst v63  }
0x4b7: {  	s19 =	simm.s32 $0x14100  }
0x4b8: {  	[tilespmem:s19], [sflag:$0x3] =	stream.indirect_vreg.gather [hbm4b:s7+s3], $0x80, v6, vm0, $0xb8;
	[tilespmem:$0x18980] =	vst v63  }
0x4b9: {  	v6 =	vld [tilespmem:$0x230];
	_ =	sdelay $0x4  }
0x4ba: {  	v7 =	vshll.u32 v6, $0x3  }
0x4bb: {  	v6 =	vand.u32 $0x7, v6;
	v7 =	vand.u32 $0xFFFFFFC0, v7  }
0x4bc: {  	v6 =	vor.u32 v6, v7  }
0x4bd: {  	v7 =	vperm.xlane v6, v1;
	_ =	sdelay $0x1  }
0x4be: {  	v7 =	vadd.s32 v2, v7;
	_ =	sdelay $0x3  }
0x4bf: {  	s20 =	simm.s32 $0x14900  }
0x4c0: {  	[tilespmem:s20], [sflag:$0x3] =	stream.indirect_vreg.gather [hbm4b:s2+s3], $0x80, v7, vm0, $0xb8;
	[tilespmem:$0x18980] =	vst v63  }
0x4c1: {  	s25 =	simm.s32 $0x15100;
	v6 =	vperm.xlane v6, v3  }
0x4c2: {  	[tilespmem:s25], [sflag:$0x3] =	stream.indirect_vreg.gather [hbm4b:s5+s3], $0x80, v7, vm0, $0xb8;
	[tilespmem:$0x18980] =	vst v63  }
0x4c3: {  	s16 =	simm.s32 $0x15900;
	v6 =	vadd.s32 v2, v6  }
0x4c4: {  	[tilespmem:s16], [sflag:$0x3] =	stream.indirect_vreg.gather [hbm4b:s6+s3], $0x80, v7, vm0, $0xb8;
	[tilespmem:$0x18980] =	vst v63  }
0x4c5: {  	_ = 	snop  }
0x4c6: {  	[tilespmem:s8], [sflag:$0x3] =	stream.indirect_vreg.gather [hbm4b:s7+s3], $0x80, v7, vm0, $0xb8;
	[tilespmem:$0x18980] =	vst v63  }
0x4c7: {  	_ = 	snop  }
0x4c8: {  	[tilespmem:s12], [sflag:$0x3] =	stream.indirect_vreg.gather [hbm4b:s2+s3], $0x80, v6, vm0, $0xb8;
	[tilespmem:$0x18980] =	vst v63  }
0x4c9: {  	_ = 	snop  }
0x4ca: {  	[tilespmem:s13], [sflag:$0x3] =	stream.indirect_vreg.gather [hbm4b:s5+s3], $0x80, v6, vm0, $0xb8;
	[tilespmem:$0x18980] =	vst v63  }
0x4cb: {  	s17 =	simm.s32 $0x17900  }
0x4cc: {  	[tilespmem:s17], [sflag:$0x3] =	stream.indirect_vreg.gather [hbm4b:s6+s3], $0x80, v6, vm0, $0xb8;
	[tilespmem:$0x18980] =	vst v63  }
0x4cd: {  	_ = 	snop  }
0x4ce: {  	[tilespmem:s9], [sflag:$0x3] =	stream.indirect_vreg.gather [hbm4b:s7+s3], $0x80, v6, vm0, $0xb8;
	[tilespmem:$0x18980] =	vst v63  }
0x4cf: {  	v6 =	vld [tilespmem:$0x460];
	_ =	sdelay $0x3  }
0x4d0: {  	v39 =	vld [tilespmem:$0x1E0]  }
0x4d1: {  	v7 =	vshll.u32 v6, $0x3  }
0x4d2: {  	v6 =	vand.u32 $0x7F, v6;
	v7 =	vand.u32 $0xFFFFFC00, v7  }
0x4d3: {  	v6 =	vor.u32 v6, v7  }
0x4d4: {  	v6 =	vadd.s32 v4, v6;
	_ =	sdelay $0x1  }
0x4d5: {  	v7 =	vld [tilespmem:$0x470];
	_ =	sdelay $0x1  }
0x4d6: {  	v8 =	vld.idx.msk [tilespmem:v39+s10+$0x0], $0xffff  }
0x4d7: {  	v6 =	vld.idx.msk [tilespmem:v6+s11+$0x0], $0xffff;
	_ =	sdelay $0x1  }
0x4d8: {  	v40 =	vld [tilespmem:$0x18900];
	v41 =	vshll.u32 v7, $0x3  }
0x4d9: {  	v42 =	vld [tilespmem:$0x1F0];
	v7 =	vand.u32 $0x7F, v7;
	v10 =	vand.u32 $0xFFFFFC00, v41  }
0x4da: {  	v7 =	vor.u32 v7, v10  }
0x4db: {  	v7 =	vadd.s32 v5, v7;
	v6 =	vsub.f32 v8, v6;
	_ =	sdelay $0x1  }
0x4dc: {  	v6 =	vadd.f32 v6, v40;
	_ =	sdelay $0x1  }
0x4dd: {  	[tilespmem:$0x18900] =	vst v6  }
0x4de: {  	v7 =	vld.idx.msk [tilespmem:v7+s11+$0x0], $0xffff  }
0x4df: {  	v43 =	vld.idx.msk [tilespmem:v42+s10+$0x0], $0xffff;
	_ =	sdelay $0x4  }
0x4e0: {  	v7 =	vsub.f32 v43, v7;
	_ =	sdelay $0x1  }
0x4e1: {  	v6 =	vadd.f32 v7, v6;
	_ =	sdelay $0x1  }
0x4e2: {  	s14 =	rddreg [dreg:$0x14];
	[tilespmem:$0x18900] =	vst v6  }
0x4e3: {  	[hbm4b:s14+s3] =	stream.linear.scatter [tilespmem:s11], [sflag:$0x4], $0x8000, $0x38;
	[tilespmem:$0x18980] =	vst v63  }
0x4e4: {  	_ =	swait.ge [sflag:s23], $0x8000  }
0x4e5: {  	[sflag:s23] =	ssyncset.done $0x0  }
0x4e6: {  	[sflag:s23] =	ssyncadd.s32 $0xFFFF8000  }
0x4e7: {  	_ =	swait.ge [sflag:s24], $0x8000  }
0x4e8: {  	[sflag:s24] =	ssyncset.done $0x0  }
0x4e9: {  	[sflag:s24] =	ssyncadd.s32 $0xFFFF8000  }
0x4ea: {  	v6 =	vld [tilespmem:$0x240];
	_ =	sdelay $0x4  }
0x4eb: {  	v7 =	vshll.u32 v6, $0x3  }
0x4ec: {  	v6 =	vand.u32 $0x7, v6;
	v7 =	vand.u32 $0xFFFFFFC0, v7  }
0x4ed: {  	v6 =	vor.u32 v6, v7  }
0x4ee: {  	v7 =	vperm.xlane v6, v1;
	_ =	sdelay $0x1  }
0x4ef: {  	v7 =	vadd.s32 v2, v7;
	_ =	sdelay $0x4  }
0x4f0: {  	[tilespmem:s11], [sflag:$0x1] =	stream.indirect_vreg.gather [hbm4b:s2+s3], $0x80, v7, vm0, $0xb8;
	[tilespmem:$0x18980] =	vst v63  }
0x4f1: {  	v6 =	vperm.xlane v6, v3  }
0x4f2: {  	[tilespmem:s15], [sflag:$0x1] =	stream.indirect_vreg.gather [hbm4b:s5+s3], $0x80, v7, vm0, $0xb8;
	[tilespmem:$0x18980] =	vst v63  }
0x4f3: {  	s16 =	simm.s32 $0x1900;
	v6 =	vadd.s32 v2, v6  }
0x4f4: {  	[tilespmem:s16], [sflag:$0x1] =	stream.indirect_vreg.gather [hbm4b:s6+s3], $0x80, v7, vm0, $0xb8;
	[tilespmem:$0x18980] =	vst v63  }
0x4f5: {  	s17 =	simm.s32 $0x2100  }
0x4f6: {  	[tilespmem:s17], [sflag:$0x1] =	stream.indirect_vreg.gather [hbm4b:s7+s3], $0x80, v7, vm0, $0xb8;
	[tilespmem:$0x18980] =	vst v63  }
0x4f7: {  	s18 =	simm.s32 $0x2900  }
0x4f8: {  	[tilespmem:s18], [sflag:$0x1] =	stream.indirect_vreg.gather [hbm4b:s2+s3], $0x80, v6, vm0, $0xb8;
	[tilespmem:$0x18980] =	vst v63  }
0x4f9: {  	s19 =	simm.s32 $0x3100  }
0x4fa: {  	[tilespmem:s19], [sflag:$0x1] =	stream.indirect_vreg.gather [hbm4b:s5+s3], $0x80, v6, vm0, $0xb8;
	[tilespmem:$0x18980] =	vst v63  }
0x4fb: {  	s20 =	simm.s32 $0x3900  }
0x4fc: {  	[tilespmem:s20], [sflag:$0x1] =	stream.indirect_vreg.gather [hbm4b:s6+s3], $0x80, v6, vm0, $0xb8;
	[tilespmem:$0x18980] =	vst v63  }
0x4fd: {  	s25 =	simm.s32 $0x4100  }
0x4fe: {  	[tilespmem:s25], [sflag:$0x1] =	stream.indirect_vreg.gather [hbm4b:s7+s3], $0x80, v6, vm0, $0xb8;
	[tilespmem:$0x18980] =	vst v63  }
0x4ff: {  	v6 =	vld [tilespmem:$0x250];
	_ =	sdelay $0x4  }
0x500: {  	v7 =	vshll.u32 v6, $0x3  }
0x501: {  	v6 =	vand.u32 $0x7, v6;
	v7 =	vand.u32 $0xFFFFFFC0, v7  }
0x502: {  	v6 =	vor.u32 v6, v7  }
0x503: {  	v7 =	vperm.xlane v6, v1;
	_ =	sdelay $0x1  }
0x504: {  	v7 =	vadd.s32 v2, v7;
	_ =	sdelay $0x3  }
0x505: {  	s30 =	simm.s32 $0x4900  }
0x506: {  	[tilespmem:s30], [sflag:$0x1] =	stream.indirect_vreg.gather [hbm4b:s2+s3], $0x80, v7, vm0, $0xb8;
	[tilespmem:$0x18980] =	vst v63  }
0x507: {  	s31 =	simm.s32 $0x5100;
	v6 =	vperm.xlane v6, v3  }
0x508: {  	[tilespmem:s31], [sflag:$0x1] =	stream.indirect_vreg.gather [hbm4b:s5+s3], $0x80, v7, vm0, $0xb8;
	[tilespmem:$0x18980] =	vst v63  }
0x509: {  	s4 =	simm.s32 $0x5900;
	v6 =	vadd.s32 v2, v6  }
0x50a: {  	[tilespmem:s4], [sflag:$0x1] =	stream.indirect_vreg.gather [hbm4b:s6+s3], $0x80, v7, vm0, $0xb8;
	[tilespmem:$0x18980] =	vst v63  }
0x50b: {  	s8 =	simm.s32 $0x6100  }
0x50c: {  	[tilespmem:s8], [sflag:$0x1] =	stream.indirect_vreg.gather [hbm4b:s7+s3], $0x80, v7, vm0, $0xb8;
	[tilespmem:$0x18980] =	vst v63  }
0x50d: {  	s9 =	simm.s32 $0x6900  }
0x50e: {  	[tilespmem:s9], [sflag:$0x1] =	stream.indirect_vreg.gather [hbm4b:s2+s3], $0x80, v6, vm0, $0xb8;
	[tilespmem:$0x18980] =	vst v63  }
0x50f: {  	s12 =	simm.s32 $0x7100  }
0x510: {  	[tilespmem:s12], [sflag:$0x1] =	stream.indirect_vreg.gather [hbm4b:s5+s3], $0x80, v6, vm0, $0xb8;
	[tilespmem:$0x18980] =	vst v63  }
0x511: {  	s13 =	simm.s32 $0x7900  }
0x512: {  	[tilespmem:s13], [sflag:$0x1] =	stream.indirect_vreg.gather [hbm4b:s6+s3], $0x80, v6, vm0, $0xb8;
	[tilespmem:$0x18980] =	vst v63  }
0x513: {  	s14 =	simm.s32 $0x8100  }
0x514: {  	[tilespmem:s14], [sflag:$0x1] =	stream.indirect_vreg.gather [hbm4b:s7+s3], $0x80, v6, vm0, $0xb8;
	[tilespmem:$0x18980] =	vst v63  }
0x515: {  	v6 =	vld [tilespmem:$0x480];
	_ =	sdelay $0x3  }
0x516: {  	v44 =	vld [tilespmem:$0x200]  }
0x517: {  	v7 =	vshll.u32 v6, $0x3  }
0x518: {  	v6 =	vand.u32 $0x7F, v6;
	v7 =	vand.u32 $0xFFFFFC00, v7  }
0x519: {  	v6 =	vor.u32 v6, v7  }
0x51a: {  	v6 =	vadd.s32 v4, v6;
	_ =	sdelay $0x1  }
0x51b: {  	v7 =	vld [tilespmem:$0x490];
	_ =	sdelay $0x1  }
0x51c: {  	v8 =	vld.idx.msk [tilespmem:v44+s10+$0x0], $0xffff  }
0x51d: {  	v6 =	vld.idx.msk [tilespmem:v6+s28+$0x0], $0xffff;
	_ =	sdelay $0x1  }
0x51e: {  	v45 =	vld [tilespmem:$0x18900];
	v46 =	vshll.u32 v7, $0x3  }
0x51f: {  	v47 =	vld [tilespmem:$0x210];
	v7 =	vand.u32 $0x7F, v7;
	v10 =	vand.u32 $0xFFFFFC00, v46  }
0x520: {  	v7 =	vor.u32 v7, v10  }
0x521: {  	v7 =	vadd.s32 v5, v7;
	v6 =	vsub.f32 v8, v6;
	_ =	sdelay $0x1  }
0x522: {  	v6 =	vadd.f32 v6, v45;
	_ =	sdelay $0x1  }
0x523: {  	[tilespmem:$0x18900] =	vst v6  }
0x524: {  	v7 =	vld.idx.msk [tilespmem:v7+s28+$0x0], $0xffff  }
0x525: {  	v48 =	vld.idx.msk [tilespmem:v47+s10+$0x0], $0xffff;
	_ =	sdelay $0x4  }
0x526: {  	v7 =	vsub.f32 v48, v7;
	_ =	sdelay $0x1  }
0x527: {  	v6 =	vadd.f32 v7, v6;
	_ =	sdelay $0x1  }
0x528: {  	s15 =	rddreg [dreg:$0x15];
	[tilespmem:$0x18900] =	vst v6  }
0x529: {  	[hbm4b:s15+s3] =	stream.linear.scatter [tilespmem:s28], [sflag:$0x5], $0x8000, $0x38;
	[tilespmem:$0x18980] =	vst v63  }
0x52a: {  	_ =	swait.ge [sflag:s29], $0x8000  }
0x52b: {  	[sflag:s29] =	ssyncset.done $0x0  }
0x52c: {  	[sflag:s29] =	ssyncadd.s32 $0xFFFF8000  }
0x52d: {  	_ =	swait.ge [sflag:s26], $0x8000  }
0x52e: {  	[sflag:s26] =	ssyncset.done $0x0  }
0x52f: {  	[sflag:s26] =	ssyncadd.s32 $0xFFFF8000  }
0x530: {  	v6 =	vld [tilespmem:$0x260];
	_ =	sdelay $0x4  }
0x531: {  	v7 =	vshll.u32 v6, $0x3  }
0x532: {  	v6 =	vand.u32 $0x7, v6;
	v7 =	vand.u32 $0xFFFFFFC0, v7  }
0x533: {  	v6 =	vor.u32 v6, v7  }
0x534: {  	v7 =	vperm.xlane v6, v1;
	_ =	sdelay $0x1  }
0x535: {  	v7 =	vadd.s32 v2, v7;
	_ =	sdelay $0x4  }
0x536: {  	[tilespmem:s28], [sflag:$0x2] =	stream.indirect_vreg.gather [hbm4b:s2+s3], $0x80, v7, vm0, $0xb8;
	[tilespmem:$0x18980] =	vst v63  }
0x537: {  	s16 =	simm.s32 $0x9100;
	v6 =	vperm.xlane v6, v3  }
0x538: {  	[tilespmem:s16], [sflag:$0x2] =	stream.indirect_vreg.gather [hbm4b:s5+s3], $0x80, v7, vm0, $0xb8;
	[tilespmem:$0x18980] =	vst v63  }
0x539: {  	s17 =	simm.s32 $0x9900;
	v6 =	vadd.s32 v2, v6  }
0x53a: {  	[tilespmem:s17], [sflag:$0x2] =	stream.indirect_vreg.gather [hbm4b:s6+s3], $0x80, v7, vm0, $0xb8;
	[tilespmem:$0x18980] =	vst v63  }
0x53b: {  	s18 =	simm.s32 $0xA100  }
0x53c: {  	[tilespmem:s18], [sflag:$0x2] =	stream.indirect_vreg.gather [hbm4b:s7+s3], $0x80, v7, vm0, $0xb8;
	[tilespmem:$0x18980] =	vst v63  }
0x53d: {  	s19 =	simm.s32 $0xA900  }
0x53e: {  	[tilespmem:s19], [sflag:$0x2] =	stream.indirect_vreg.gather [hbm4b:s2+s3], $0x80, v6, vm0, $0xb8;
	[tilespmem:$0x18980] =	vst v63  }
0x53f: {  	s20 =	simm.s32 $0xB100  }
0x540: {  	[tilespmem:s20], [sflag:$0x2] =	stream.indirect_vreg.gather [hbm4b:s5+s3], $0x80, v6, vm0, $0xb8;
	[tilespmem:$0x18980] =	vst v63  }
0x541: {  	s25 =	simm.s32 $0xB900  }
0x542: {  	[tilespmem:s25], [sflag:$0x2] =	stream.indirect_vreg.gather [hbm4b:s6+s3], $0x80, v6, vm0, $0xb8;
	[tilespmem:$0x18980] =	vst v63  }
0x543: {  	s30 =	simm.s32 $0xC100  }
0x544: {  	[tilespmem:s30], [sflag:$0x2] =	stream.indirect_vreg.gather [hbm4b:s7+s3], $0x80, v6, vm0, $0xb8;
	[tilespmem:$0x18980] =	vst v63  }
0x545: {  	v6 =	vld [tilespmem:$0x270];
	_ =	sdelay $0x4  }
0x546: {  	v7 =	vshll.u32 v6, $0x3  }
0x547: {  	v6 =	vand.u32 $0x7, v6;
	v7 =	vand.u32 $0xFFFFFFC0, v7  }
0x548: {  	v6 =	vor.u32 v6, v7  }
0x549: {  	v7 =	vperm.xlane v6, v1;
	_ =	sdelay $0x1  }
0x54a: {  	v7 =	vadd.s32 v2, v7;
	_ =	sdelay $0x3  }
0x54b: {  	s31 =	simm.s32 $0xC900  }
0x54c: {  	[tilespmem:s31], [sflag:$0x2] =	stream.indirect_vreg.gather [hbm4b:s2+s3], $0x80, v7, vm0, $0xb8;
	[tilespmem:$0x18980] =	vst v63  }
0x54d: {  	s8 =	simm.s32 $0xD100;
	v6 =	vperm.xlane v6, v3  }
0x54e: {  	[tilespmem:s8], [sflag:$0x2] =	stream.indirect_vreg.gather [hbm4b:s5+s3], $0x80, v7, vm0, $0xb8;
	[tilespmem:$0x18980] =	vst v63  }
0x54f: {  	s9 =	simm.s32 $0xD900;
	v6 =	vadd.s32 v2, v6  }
0x550: {  	[tilespmem:s9], [sflag:$0x2] =	stream.indirect_vreg.gather [hbm4b:s6+s3], $0x80, v7, vm0, $0xb8;
	[tilespmem:$0x18980] =	vst v63  }
0x551: {  	s12 =	simm.s32 $0xE100  }
0x552: {  	[tilespmem:s12], [sflag:$0x2] =	stream.indirect_vreg.gather [hbm4b:s7+s3], $0x80, v7, vm0, $0xb8;
	[tilespmem:$0x18980] =	vst v63  }
0x553: {  	s13 =	simm.s32 $0xE900  }
0x554: {  	[tilespmem:s13], [sflag:$0x2] =	stream.indirect_vreg.gather [hbm4b:s2+s3], $0x80, v6, vm0, $0xb8;
	[tilespmem:$0x18980] =	vst v63  }
0x555: {  	s14 =	simm.s32 $0xF100  }
0x556: {  	[tilespmem:s14], [sflag:$0x2] =	stream.indirect_vreg.gather [hbm4b:s5+s3], $0x80, v6, vm0, $0xb8;
	[tilespmem:$0x18980] =	vst v63  }
0x557: {  	s15 =	simm.s32 $0xF900  }
0x558: {  	[tilespmem:s15], [sflag:$0x2] =	stream.indirect_vreg.gather [hbm4b:s6+s3], $0x80, v6, vm0, $0xb8;
	[tilespmem:$0x18980] =	vst v63  }
0x559: {  	s16 =	simm.s32 $0x10100  }
0x55a: {  	[tilespmem:s16], [sflag:$0x2] =	stream.indirect_vreg.gather [hbm4b:s7+s3], $0x80, v6, vm0, $0xb8;
	[tilespmem:$0x18980] =	vst v63  }
0x55b: {  	v6 =	vld [tilespmem:$0x4A0];
	_ =	sdelay $0x3  }
0x55c: {  	v49 =	vld [tilespmem:$0x220]  }
0x55d: {  	v7 =	vshll.u32 v6, $0x3  }
0x55e: {  	v6 =	vand.u32 $0x7F, v6;
	v7 =	vand.u32 $0xFFFFFC00, v7  }
0x55f: {  	v6 =	vor.u32 v6, v7  }
0x560: {  	v6 =	vadd.s32 v4, v6;
	_ =	sdelay $0x1  }
0x561: {  	v7 =	vld [tilespmem:$0x4B0];
	_ =	sdelay $0x1  }
0x562: {  	v8 =	vld.idx.msk [tilespmem:v49+s10+$0x0], $0xffff  }
0x563: {  	v6 =	vld.idx.msk [tilespmem:v6+s22+$0x0], $0xffff;
	_ =	sdelay $0x1  }
0x564: {  	v50 =	vld [tilespmem:$0x18900];
	v51 =	vshll.u32 v7, $0x3  }
0x565: {  	v52 =	vld [tilespmem:$0x230];
	v7 =	vand.u32 $0x7F, v7;
	v10 =	vand.u32 $0xFFFFFC00, v51  }
0x566: {  	v7 =	vor.u32 v7, v10  }
0x567: {  	v7 =	vadd.s32 v5, v7;
	v6 =	vsub.f32 v8, v6;
	_ =	sdelay $0x1  }
0x568: {  	v6 =	vadd.f32 v6, v50;
	_ =	sdelay $0x1  }
0x569: {  	[tilespmem:$0x18900] =	vst v6  }
0x56a: {  	v7 =	vld.idx.msk [tilespmem:v7+s22+$0x0], $0xffff  }
0x56b: {  	v53 =	vld.idx.msk [tilespmem:v52+s10+$0x0], $0xffff;
	_ =	sdelay $0x4  }
0x56c: {  	v7 =	vsub.f32 v53, v7;
	_ =	sdelay $0x1  }
0x56d: {  	v6 =	vadd.f32 v7, v6;
	_ =	sdelay $0x1  }
0x56e: {  	s17 =	rddreg [dreg:$0x16];
	[tilespmem:$0x18900] =	vst v6  }
0x56f: {  	[hbm4b:s17+s3] =	stream.linear.scatter [tilespmem:s22], [sflag:$0x6], $0x8000, $0x38;
	[tilespmem:$0x18980] =	vst v63  }
0x570: {  	s4 =	rddreg [dreg:$0x1d];
	_ =	swait.ge [sflag:s21], $0x8000  }
0x571: {  	[sflag:s21] =	ssyncset.done $0x0  }
0x572: {  	[sflag:s21] =	ssyncadd.s32 $0xFFFF8000  }
0x573: {  	v6 =	vld [tilespmem:$0x4C0];
	_ =	sdelay $0x3  }
0x574: {  	v54 =	vld [tilespmem:$0x240]  }
0x575: {  	v7 =	vshll.u32 v6, $0x3  }
0x576: {  	v6 =	vand.u32 $0x7F, v6;
	v7 =	vand.u32 $0xFFFFFC00, v7  }
0x577: {  	v6 =	vor.u32 v6, v7  }
0x578: {  	v6 =	vadd.s32 v4, v6;
	_ =	sdelay $0x1  }
0x579: {  	v7 =	vld [tilespmem:$0x4D0];
	_ =	sdelay $0x1  }
0x57a: {  	v8 =	vld.idx.msk [tilespmem:v54+s10+$0x0], $0xffff  }
0x57b: {  	v6 =	vld.idx.msk [tilespmem:v6+s11+$0x0], $0xffff;
	_ =	sdelay $0x1  }
0x57c: {  	v55 =	vld [tilespmem:$0x18900];
	v56 =	vshll.u32 v7, $0x3  }
0x57d: {  	v57 =	vld [tilespmem:$0x250];
	v7 =	vand.u32 $0x7F, v7;
	v10 =	vand.u32 $0xFFFFFC00, v56  }
0x57e: {  	v7 =	vor.u32 v7, v10  }
0x57f: {  	v7 =	vadd.s32 v5, v7;
	v6 =	vsub.f32 v8, v6;
	_ =	sdelay $0x1  }
0x580: {  	v6 =	vadd.f32 v6, v55;
	_ =	sdelay $0x1  }
0x581: {  	[tilespmem:$0x18900] =	vst v6  }
0x582: {  	v7 =	vld.idx.msk [tilespmem:v7+s11+$0x0], $0xffff  }
0x583: {  	v58 =	vld.idx.msk [tilespmem:v57+s10+$0x0], $0xffff;
	_ =	sdelay $0x4  }
0x584: {  	v7 =	vsub.f32 v58, v7;
	_ =	sdelay $0x1  }
0x585: {  	v6 =	vadd.f32 v7, v6;
	_ =	sdelay $0x1  }
0x586: {  	s18 =	rddreg [dreg:$0x17];
	[tilespmem:$0x18900] =	vst v6  }
0x587: {  	[hbm4b:s18+s3] =	stream.linear.scatter [tilespmem:s11], [sflag:$0x4], $0x8000, $0x38;
	[tilespmem:$0x18980] =	vst v63  }
0x588: {  	_ =	swait.ge [sflag:s23], $0x8000  }
0x589: {  	[sflag:s23] =	ssyncset.done $0x0  }
0x58a: {  	[sflag:s23] =	ssyncadd.s32 $0xFFFF8000  }
0x58b: {  	v6 =	vld [tilespmem:$0x4E0];
	_ =	sdelay $0x3  }
0x58c: {  	v59 =	vld [tilespmem:$0x260]  }
0x58d: {  	v7 =	vshll.u32 v6, $0x3  }
0x58e: {  	v6 =	vand.u32 $0x7F, v6;
	v7 =	vand.u32 $0xFFFFFC00, v7  }
0x58f: {  	v6 =	vor.u32 v6, v7  }
0x590: {  	v6 =	vadd.s32 v4, v6;
	_ =	sdelay $0x1  }
0x591: {  	v7 =	vld [tilespmem:$0x4F0];
	_ =	sdelay $0x1  }
0x592: {  	v8 =	vld.idx.msk [tilespmem:v59+s10+$0x0], $0xffff  }
0x593: {  	v6 =	vld.idx.msk [tilespmem:v6+s28+$0x0], $0xffff;
	_ =	sdelay $0x1  }
0x594: {  	v60 =	vld [tilespmem:$0x18900];
	v61 =	vshll.u32 v7, $0x3  }
0x595: {  	v62 =	vld [tilespmem:$0x270];
	v7 =	vand.u32 $0x7F, v7;
	v10 =	vand.u32 $0xFFFFFC00, v61  }
0x596: {  	v7 =	vor.u32 v7, v10  }
0x597: {  	v7 =	vadd.s32 v5, v7;
	v6 =	vsub.f32 v8, v6;
	_ =	sdelay $0x1  }
0x598: {  	v6 =	vadd.f32 v6, v60;
	_ =	sdelay $0x1  }
0x599: {  	[tilespmem:$0x18900] =	vst v6  }
0x59a: {  	v7 =	vld.idx.msk [tilespmem:v7+s28+$0x0], $0xffff  }
0x59b: {  	v63 =	vld.idx.msk [tilespmem:v62+s10+$0x0], $0xffff;
	_ =	sdelay $0x4  }
0x59c: {  	v7 =	vsub.f32 v63, v7;
	_ =	sdelay $0x1  }
0x59d: {  	v6 =	vadd.f32 v7, v6;
	_ =	sdelay $0x1  }
0x59e: {  	s19 =	rddreg [dreg:$0x18];
	[tilespmem:$0x18900] =	vst v6  }
0x59f: {  	[hbm4b:s19+s3] =	stream.linear.scatter [tilespmem:s28], [sflag:$0x5], $0x8000, $0x38;
	[tilespmem:$0x18980] =	vst v63  }
0x5a0: {  	_ =	swait.ge [sflag:s24], $0x8000  }
0x5a1: {  	[sflag:s24] =	ssyncset.done $0x0  }
0x5a2: {  	[sflag:s24] =	ssyncadd.s32 $0xFFFF8000  }
0x5a3: {  	_ =	swait.ge [sflag:s26], $0x8000  }
0x5a4: {  	[sflag:s26] =	ssyncset.done $0x0  }
0x5a5: {  	[sflag:s26] =	ssyncadd.s32 $0xFFFF8000  }
0x5a6: {  	p0 =	sne.s32 s4, $0x1;
	_ =	swait.ge [sflag:s0], $0x8000  }
0x5a7: {  	s30 =	simm.s32 $0x7;
	s20 =	rddreg [dreg:$0x19];
	[sflag:s0] =	ssyncset.done $0x0  }
.Ltmp0:
0x5a8: {  	s25 =	rddreg [dreg:$0x1b];
	[sflag:s0] =	ssyncadd.s32 $0xFFFF8000;
	(pc) =	sbr.rel @p0 .LBB2_1-.Ltmp0, $4  }
0x5a9: {  	[hbm4b:s20+s3] =	stream.linear.scatter [tilespmem:s25], [sflag:$0x7], $0x80, $0x38;
	[tilespmem:$0x18980] =	vst v63  }
0x5aa: {  	_ =	swait.ge [sflag:s30], $0x80  }
0x5ab: {  	s31 =	simm.s32 $0x7;
	[sflag:s30] =	ssyncset.done $0x0  }
0x5ac: {  	s4 =	sadd.s32 $0xFFFFFFFF, s4;
	[sflag:s31] =	ssyncadd.s32 $0xFFFFFF80  }
0x5ad: {  	_ =	sfence.sel $0x180000  }
0x5ae: {  	[bflag:$0x0] =	sbarrier.arrive $0xFFFF  }
0x5af: {  	_ =	strace $0x90000047  }
0x5b0: {  	s0 =	stileid.u32;
	[bflag:$0x2] =	sbarrier.arrive $0xFFFF  }
0x5b1: {  	p0 =	sne.s32 s0, $0x0;
	s0 =	rddreg [dreg:$0x2]  }
0x5b2: {  	s0 =	sadd.s32 @!p0 $0x100000, s0  }
0x5b3: {  	[sflag:s0] =	ssyncadd.tile.s32 @!p0 $0x1;
	_ =	shalt  }
.Lfunc_end2:
_tile_overlayer_lowered:
.L_overlay_start_2:
0x5b4: {  	(tag) =	ssettag $0x2  }
0x5b5: {  	s0 =	rddreg [dreg:$0x0];
	s2 =	stileid.u32  }
0x5b6: {  	s1 =	rddreg [dreg:$0x1];
	p0 =	sne.s32 s2, $0x0  }
0x5b7: {  	s3 =	rddreg [dreg:$0x2];
	[bflag:$0x3] =	sbarrier.arrive $0xFFFF;
	s2 =	simm.s32 @!p0 $0x1C07  }
0x5b8: {  	[timem:s3], [sflag:s2] =	dma.local @!p0 [hbm:s0], s1  }
0x5b9: {  	s0 =	simm.s32 @!p0 $0x7  }
0x5ba: {  	_ =	swait.ge @!p0 [sflag:s0], s1  }
0x5bb: {  	s1 =	ssub.s32 @!p0 $0x0, s1;
	[sflag:s0] =	ssyncset.done @!p0 $0x0  }
0x5bc: {  	[sflag:s0] =	ssyncadd.s32 @!p0 s1  }
0x5bd: {  	[bflag:$0x3] =	sbarrier.arrive $0xFFFF  }
0x5be: {  	_ =	shalt  }

</sc_bundles>
